<compile_context>
chip_gen: v7x
topology: tpu7x:2x2x1
jax: 0.10.2.dev20260603
libtpu: 0.0.44.dev20260713+nightly
codegen_flags: <defaults>
</compile_context>

<pallas_src>
import dataclasses

import jax
import jax.numpy as jnp
from jax import lax
from jax.experimental import pallas as pl
from jax.experimental.pallas import tpu as pltpu
from jax.experimental.pallas import tpu_sc as plsc

NC = 2
NS = 16
CHUNK = 32
DEGW = 16


def _sc_aggregate(val, src3d, dst3d, n_nodes, d, with_deg):
  nchunk = src3d.shape[1]
  half = n_nodes // NC
  nacc = half + 8
  zparts = 5
  rpt = half // zparts
  assert half % zparts == 0 and rpt % 8 == 0 and CHUNK % 16 == 0

  mesh = plsc.VectorSubcoreMesh(core_axis_name="c", subcore_axis_name="s")

  out_type = [jax.ShapeDtypeStruct((n_nodes, d), jnp.float32)]
  if with_deg:
    out_type.append(jax.ShapeDtypeStruct((NC, NS, nacc), jnp.float32))

  scratch = [
      pltpu.VMEM((3, CHUNK), jnp.int32),
      pltpu.VMEM((3, CHUNK), jnp.int32),
      pltpu.VMEM((CHUNK, d), jnp.float32),
      pltpu.VMEM((CHUNK, d), jnp.float32),
      pltpu.VMEM((CHUNK, d), jnp.float32),
      pltpu.VMEM_SHARED((nacc, d), jnp.float32),
      pltpu.SemaphoreType.DMA,
      pltpu.SemaphoreType.DMA,
      pltpu.SemaphoreType.DMA,
      pltpu.SemaphoreType.DMA,
      pltpu.SemaphoreType.DMA,
      pltpu.SemaphoreType.DMA,
  ]
  if with_deg:
    scratch.append(pltpu.VMEM((nacc,), jnp.float32))

  def body(val_hbm, src_hbm, dst_hbm, *rest):
    if with_deg:
      (acc_hbm, deg_hbm, si, di, rows0, rows1, rows2, acc, sem0, sem1, sem2,
       isem0, isem1, isem2, histo) = rest
    else:
      (acc_hbm, si, di, rows0, rows1, rows2, acc, sem0, sem1, sem2,
       isem0, isem1, isem2) = rest
    c = lax.axis_index("c")
    s = lax.axis_index("s")
    base = c * half
    z16 = jnp.zeros((16,), jnp.float32)
    one16 = jnp.ones((16,), jnp.float32)

    @pl.loop(0, CHUNK)
    def _(r):
      @pl.loop(0, d // 16)
      def _(u):
        rows0[r, pl.ds(u * 16, 16)] = z16

    if with_deg:
      @pl.loop(0, nacc // 16)
      def _(u):
        histo[pl.ds(u * 16, 16)] = z16

    nz = rpt // CHUNK
    ztail = rpt - nz * CHUNK

    @pl.when(s < zparts)
    def _():
      @pl.loop(0, nz)
      def _(k):
        pltpu.sync_copy(rows0, acc.at[pl.ds(s * rpt + k * CHUNK, CHUNK)])
      if ztail:
        pltpu.sync_copy(rows0.at[pl.ds(0, ztail)],
                        acc.at[pl.ds(s * rpt + nz * CHUNK, ztail)])

    @pl.when(s == zparts)
    def _():
      pltpu.sync_copy(rows0.at[pl.ds(0, 8)], acc.at[pl.ds(half, 8)])

    plsc.subcore_barrier()

    def idx_start(j, p, isem):
      pltpu.make_async_copy(src_hbm.at[s, j], si.at[p], isem).start()
      pltpu.make_async_copy(dst_hbm.at[s, j], di.at[p], isem).start()

    def idx_wait(j, p, isem):
      pltpu.make_async_copy(src_hbm.at[s, j], si.at[p], isem).wait()
      pltpu.make_async_copy(dst_hbm.at[s, j], di.at[p], isem).wait()

    def remap(p):
      @pl.loop(0, CHUNK // 16)
      def _(u):
        v = di[p, pl.ds(u * 16, 16)] - base
        ok = (v >= 0) & (v < half)
        di[p, pl.ds(u * 16, 16)] = jnp.where(ok, v, half)

    def gather_start(j, p, rows, sem):
      pltpu.make_async_copy(val_hbm.at[si.at[p]], rows, sem).start()

    def gather_wait(j, p, rows, sem):
      pltpu.make_async_copy(val_hbm.at[si.at[p]], rows, sem).wait()

    def scatter(p, rows):
      pltpu.sync_copy(rows, acc.at[di.at[p]], add=True)
      if with_deg:
        @pl.loop(0, CHUNK // 16)
        def _(u):
          v = di[p, pl.ds(u * 16, 16)]
          plsc.addupdate_scatter(histo, [v], one16)

    allrows = [rows0, rows1, rows2]
    allsems = [sem0, sem1, sem2]
    allisems = [isem0, isem1, isem2]

    def prep(j, p):
      idx_start(j, p, allisems[p])
      idx_wait(j, p, allisems[p])
      remap(p)
      gather_start(j, p, allrows[p], allsems[p])

    def fin(p):
      gather_wait(0, p, allrows[p], allsems[p])
      scatter(p, allrows[p])

    assert nchunk % 3 == 0
    prep(0, 0)
    prep(1, 1)
    prep(2, 2)

    @pl.loop(0, nchunk - 3, step=3)
    def _(j):
      fin(0)
      prep(j + 3, 0)
      fin(1)
      prep(j + 4, 1)
      fin(2)
      prep(j + 5, 2)

    fin(0)
    fin(1)
    fin(2)

    plsc.subcore_barrier()

    @pl.when(s < zparts)
    def _():
      pltpu.sync_copy(acc.at[pl.ds(s * rpt, rpt)],
                      acc_hbm.at[pl.ds(base + s * rpt, rpt)])
    if with_deg:
      pltpu.sync_copy(histo, deg_hbm.at[c, s])

  cp = pltpu.CompilerParams()
  if "needs_layout_passes" in pltpu.CompilerParams.__dataclass_fields__:
    cp = dataclasses.replace(cp, needs_layout_passes=False)
  k = pl.kernel(body, out_type=out_type, mesh=mesh, scratch_types=scratch,
                compiler_params=cp)
  return k(val, src3d, dst3d)


def _tc_deg_merge(histos, n, half):
  def body(h_ref, o_ref):
    for cc in range(NC):
      dsum = jnp.sum(h_ref[cc, :, :half], axis=0)
      o_ref[cc] = jnp.broadcast_to(dsum[:, None], (half, DEGW))

  out = pl.pallas_call(
      body,
      out_shape=jax.ShapeDtypeStruct((NC, half, DEGW), jnp.float32),
  )(histos)
  return out.reshape(n, DEGW)


def _tc_layer(agg_sum, deg, h_in, wl, bl, wr, gamma=None, beta=None,
              block_rows=1000):
  n, d = h_in.shape
  norm = gamma is not None
  grid = (n // block_rows,)

  def body(a_ref, deg_ref, h_ref, wl_ref, bl_ref, wr_ref, *rest):
    if norm:
      g_ref, b_ref, o_ref = rest
    else:
      (o_ref,) = rest
    degs = jnp.maximum(deg_ref[:, :1], 1.0)
    agg = a_ref[...] / degs
    out = lax.dot_general(agg, wl_ref[...], (((1,), (1,)), ((), ())),
                          preferred_element_type=jnp.float32)
    out = out + lax.dot_general(h_ref[...], wr_ref[...],
                                (((1,), (1,)), ((), ())),
                                preferred_element_type=jnp.float32)
    out = out + bl_ref[...]
    if norm:
      mu = jnp.mean(out, axis=1, keepdims=True)
      var = jnp.mean((out - mu) ** 2, axis=1, keepdims=True)
      out = (out - mu) / jnp.sqrt(var + 1e-5) * g_ref[...] + b_ref[...]
    o_ref[...] = out

  in_specs = [
      pl.BlockSpec((block_rows, d), lambda i: (i, 0)),
      pl.BlockSpec((block_rows, DEGW), lambda i: (i, 0)),
      pl.BlockSpec((block_rows, d), lambda i: (i, 0)),
      pl.BlockSpec((d, d), lambda i: (0, 0)),
      pl.BlockSpec((1, d), lambda i: (0, 0)),
      pl.BlockSpec((d, d), lambda i: (0, 0)),
  ]
  args = [agg_sum, deg, h_in, wl, bl.reshape(1, d), wr]
  if norm:
    in_specs += [pl.BlockSpec((1, d), lambda i: (0, 0)),
                 pl.BlockSpec((1, d), lambda i: (0, 0))]
    args += [gamma.reshape(1, d), beta.reshape(1, d)]

  return pl.pallas_call(
      body,
      grid=grid,
      in_specs=in_specs,
      out_specs=pl.BlockSpec((block_rows, d), lambda i: (i, 0)),
      out_shape=jax.ShapeDtypeStruct((n, d), jnp.float32),
  )(*args)


def kernel(x, edge_index, Wl0, bl0, Wr0, Wl1, bl1, Wr1, gamma, beta):
  n, d = x.shape
  e = edge_index.shape[1]
  assert n % 2 == 0 and d % 16 == 0
  nchunk = -(-e // (NS * CHUNK))
  nchunk += (-nchunk) % 3
  epad = NS * nchunk * CHUNK - e
  src3d = jnp.concatenate([edge_index[0], jnp.zeros((epad,), jnp.int32)]
                          ).reshape(NS, nchunk, CHUNK)
  dst3d = jnp.concatenate([edge_index[1], jnp.full((epad,), -1, jnp.int32)]
                          ).reshape(NS, nchunk, CHUNK)

  s1, histos = _sc_aggregate(x, src3d, dst3d, n, d, with_deg=True)
  deg = _tc_deg_merge(histos, n, n // NC)
  h1 = _tc_layer(s1, deg, x, Wl0, bl0, Wr0)
  (s2,) = _sc_aggregate(h1, src3d, dst3d, n, d, with_deg=False)
  return _tc_layer(s2, deg, h1, Wl1, bl1, Wr1, gamma=gamma, beta=beta)

# --- scband reference (transcript-rebuilt; emitter-appended) ---
"""Pipeline reference for scband-encoder-42451456753979 (READ-ONLY COPY).

The authoritative reference and input builder live on the scoring server;
editing this copy changes nothing except your own understanding.
"""

import jax, jax.numpy as jnp
import numpy as np

N = 10000
E = 320000
D = 128


def setup_inputs(seed: int = 0) -> dict:
    key = jax.random.key(seed)
    ks = jax.random.split(key, 12)
    scale = 1.0 / np.sqrt(D)
    x = jax.random.normal(ks[0], (N, D), dtype=jnp.float32)
    edge_index = jax.random.randint(ks[1], (2, E), 0, N, dtype=jnp.int32)
    Wl0 = jax.random.normal(ks[2], (D, D), dtype=jnp.float32) * scale
    bl0 = jnp.zeros((D,), dtype=jnp.float32)
    Wr0 = jax.random.normal(ks[3], (D, D), dtype=jnp.float32) * scale
    Wl1 = jax.random.normal(ks[4], (D, D), dtype=jnp.float32) * scale
    bl1 = jnp.zeros((D,), dtype=jnp.float32)
    Wr1 = jax.random.normal(ks[5], (D, D), dtype=jnp.float32) * scale
    gamma = jnp.ones((D,), dtype=jnp.float32)
    beta = jnp.zeros((D,), dtype=jnp.float32)
    return {"x": x, "edge_index": edge_index, "Wl0": Wl0, "bl0": bl0, "Wr0": Wr0,
            "Wl1": Wl1, "bl1": bl1, "Wr1": Wr1, "gamma": gamma, "beta": beta}


def _sage_conv(x, edge_index, Wl, bl, Wr):
    # PyG SAGEConv (aggr='mean', root_weight=True, bias on lin_l):
    # out = lin_l(mean_{j in N(i)} x_j) + lin_r(x_i)
    src = edge_index[0]
    dst = edge_index[1]
    msg = jnp.take(x, src, axis=0)                      # gather [E, D]
    agg = jax.ops.segment_sum(msg, dst, num_segments=N)  # scatter-add [N, D]
    deg = jax.ops.segment_sum(jnp.ones((msg.shape[0],), dtype=x.dtype), dst, num_segments=N)
    agg = agg / jnp.maximum(deg, 1.0)[:, None]            # mean aggregation
    return agg @ Wl.T + bl + x @ Wr.T


def reference(x, edge_index, Wl0, bl0, Wr0, Wl1, bl1, Wr1, gamma, beta):
    # Encoder.forward: two stacked SAGEConv layers, dropout p=0.0 (no-op), LayerNorm at the end.
    h = _sage_conv(x, edge_index, Wl0, bl0, Wr0)
    h = _sage_conv(h, edge_index, Wl1, bl1, Wr1)
    mu = jnp.mean(h, axis=-1, keepdims=True)
    var = jnp.var(h, axis=-1, keepdims=True)
    h = (h - mu) / jnp.sqrt(var + 1e-5) * gamma + beta
    # Original returns (x, None) since prj_head_norm == 'no'; we return the node embeddings.
    return h

if __name__ == "__main__":
    import jax
    _d = setup_inputs()
    print(jax.jit(kernel)(*tuple(_d.values())))

</pallas_src>

<mosaic_0001>
#map = affine_map<(d0, d1) -> (0, 0)>
#map1 = affine_map<(d0, d1) -> (0, 0, 0)>
module attributes {stable_mosaic.version = 14 : i64} {
  func.func @body(%arg0: i32, %arg1: i32, %arg2: memref<10000x128xf32, #tpu.memory_space<hbm>>, %arg3: memref<16x627x32xi32, #tpu.memory_space<hbm>>, %arg4: memref<16x627x32xi32, #tpu.memory_space<hbm>>, %arg5: memref<10000x128xf32, #tpu.memory_space<hbm>>, %arg6: memref<2x16x5008xf32, #tpu.memory_space<hbm>>, %arg7: memref<3x32xi32, #tpu.memory_space<vmem>>, %arg8: memref<3x32xi32, #tpu.memory_space<vmem>>, %arg9: memref<32x128xf32, #tpu.memory_space<vmem>>, %arg10: memref<32x128xf32, #tpu.memory_space<vmem>>, %arg11: memref<32x128xf32, #tpu.memory_space<vmem>>, %arg12: memref<5008x128xf32, #tpu.memory_space<vmem_shared>>, %arg13: memref<!tpu.dma_semaphore, #tpu.memory_space<semaphore_mem>>, %arg14: memref<!tpu.dma_semaphore, #tpu.memory_space<semaphore_mem>>, %arg15: memref<!tpu.dma_semaphore, #tpu.memory_space<semaphore_mem>>, %arg16: memref<!tpu.dma_semaphore, #tpu.memory_space<semaphore_mem>>, %arg17: memref<!tpu.dma_semaphore, #tpu.memory_space<semaphore_mem>>, %arg18: memref<!tpu.dma_semaphore, #tpu.memory_space<semaphore_mem>>, %arg19: memref<5008xf32, #tpu.memory_space<vmem>>) attributes {dimension_semantics = [#tpu.dimension_semantics<core_parallel>, #tpu.dimension_semantics<subcore_parallel>], iteration_bounds = array<i64: 2, 16>, scalar_prefetch = 0 : i64, scratch_operands = 13 : i64, tpu.core_type = #tpu.core_type<sc_vector_subcore>, window_params = [{transform_indices = #map}, {transform_indices = #map1}, {transform_indices = #map1}, {transform_indices = #map}, {transform_indices = #map1}]} {
    %mul3A = arith.constant 5000 : i32
    %mul3A_0 = arith.muli %arg0, %mul3A : i32
    %broadcast_in_dim3A = arith.constant 0.000000e+00 : f32
    %broadcast_in_dim3A_1 = vector.broadcast %broadcast_in_dim3A : f32 to vector<16xf32>
    %broadcast_in_dim3A_2 = arith.constant 1.000000e+00 : f32
    %broadcast_in_dim3A_3 = vector.broadcast %broadcast_in_dim3A_2 : f32 to vector<16xf32>
    %scan3A = arith.constant 0 : i32
    %scan3A_4 = arith.constant 32 : i32
    %scan3A_5 = arith.addi %scan3A, %scan3A_4 : i32
    %scan3A_6 = arith.constant 1 : i32
    scf.for %scan3A_270 = %scan3A to %scan3A_5 step %scan3A_6  : i32 {
      %mul3A_271 = arith.constant 1 : i32
      %mul3A_272 = arith.muli %scan3A_270, %mul3A_271 : i32
      %add3A = arith.constant 0 : i32
      %add3A_273 = arith.addi %add3A, %mul3A_272 : i32
      %scan3A_274 = arith.constant 0 : i32
      %scan3A_275 = arith.constant 8 : i32
      %scan3A_276 = arith.addi %scan3A_274, %scan3A_275 : i32
      %scan3A_277 = arith.constant 1 : i32
      scf.for %scan3A_279 = %scan3A_274 to %scan3A_276 step %scan3A_277  : i32 {
        %mul3A_280 = arith.constant 1 : i32
        %mul3A_281 = arith.muli %scan3A_279, %mul3A_280 : i32
        %add3A_282 = arith.constant 0 : i32
        %add3A_283 = arith.addi %add3A_282, %mul3A_281 : i32
        %mul3A_284 = arith.constant 16 : i32
        %mul3A_285 = arith.muli %add3A_283, %mul3A_284 : i32
        %swap3A = arith.index_cast %add3A_273 : i32 to index
        %swap3A_286 = arith.index_cast %mul3A_285 : i32 to index
        %swap3A_287 = tpu.vector_load %arg9[%swap3A, %swap3A_286] {strides = array<i32>} : memref<32x128xf32, #tpu.memory_space<vmem>>, vector<16xf32>,
        tpu.vector_store %arg9[%swap3A, %swap3A_286], %broadcast_in_dim3A_1 {strides = array<i32>} : memref<32x128xf32, #tpu.memory_space<vmem>>, vector<16xf32>,
      }
      %scan3A_278 = arith.constant 8 : i32
    }
    %scan3A_7 = arith.constant 32 : i32
    %scan3A_8 = arith.constant 0 : i32
    %scan3A_9 = arith.constant 313 : i32
    %scan3A_10 = arith.addi %scan3A_8, %scan3A_9 : i32
    %scan3A_11 = arith.constant 1 : i32
    scf.for %scan3A_270 = %scan3A_8 to %scan3A_10 step %scan3A_11  : i32 {
      %mul3A_271 = arith.constant 1 : i32
      %mul3A_272 = arith.muli %scan3A_270, %mul3A_271 : i32
      %add3A = arith.constant 0 : i32
      %add3A_273 = arith.addi %add3A, %mul3A_272 : i32
      %mul3A_274 = arith.constant 16 : i32
      %mul3A_275 = arith.muli %add3A_273, %mul3A_274 : i32
      %swap3A = arith.index_cast %mul3A_275 : i32 to index
      %swap3A_276 = tpu.vector_load %arg19[%swap3A] {strides = array<i32>} : memref<5008xf32, #tpu.memory_space<vmem>>, vector<16xf32>,
      tpu.vector_store %arg19[%swap3A], %broadcast_in_dim3A_1 {strides = array<i32>} : memref<5008xf32, #tpu.memory_space<vmem>>, vector<16xf32>,
    }
    %scan3A_12 = arith.constant 313 : i32
    %lt3A = arith.constant 5 : i32
    %lt3A_13 = arith.cmpi slt, %arg1, %lt3A : i32
    %convert_element_type3A = arith.extui %lt3A_13 : i1 to i32
    %cond3A = arith.constant 0 : i32
    %cond3A_14 = arith.cmpi ne, %convert_element_type3A, %cond3A : i32
    scf.if %cond3A_14 {
      %scan3A_270 = arith.constant 0 : i32
      %scan3A_271 = arith.constant 31 : i32
      %scan3A_272 = arith.addi %scan3A_270, %scan3A_271 : i32
      %scan3A_273 = arith.constant 1 : i32
      scf.for %scan3A_278 = %scan3A_270 to %scan3A_272 step %scan3A_273  : i32 {
        %mul3A_279 = arith.constant 1 : i32
        %mul3A_280 = arith.muli %scan3A_278, %mul3A_279 : i32
        %add3A_281 = arith.constant 0 : i32
        %add3A_282 = arith.addi %add3A_281, %mul3A_280 : i32
        %mul3A_283 = arith.constant 1000 : i32
        %mul3A_284 = arith.muli %arg1, %mul3A_283 : i32
        %mul3A_285 = arith.constant 32 : i32
        %mul3A_286 = arith.muli %add3A_282, %mul3A_285 : i32
        %add3A_287 = arith.addi %mul3A_284, %mul3A_286 : i32
        "tpu.region"() ({
          %run_scoped3A_288 = tpu.sem_alloc : memref<!tpu.dma_semaphore, #tpu.memory_space<semaphore_mem>>
          %dma_start3A_289 = arith.constant 0 : i32
          %dma_start3A_290 = tpu.memref_slice %arg12[%add3A_287, %dma_start3A_289] : memref<5008x128xf32, #tpu.memory_space<vmem_shared>> -> memref<32x128xf32, #tpu.memory_space<vmem_shared>>
          %dma_start3A_291 = arith.constant 0 : i32
          %dma_start3A_292 = tpu.memref_slice %arg12[%add3A_287, %dma_start3A_291] : memref<5008x128xf32, #tpu.memory_space<vmem_shared>> -> memref<32x128xf32, #tpu.memory_space<vmem_shared>>
          tpu.enqueue_dma source(%arg9 : memref<32x128xf32, #tpu.memory_space<vmem>>) target(%dma_start3A_292 : memref<32x128xf32, #tpu.memory_space<vmem_shared>>) target_semaphore(%run_scoped3A_288 : memref<!tpu.dma_semaphore, #tpu.memory_space<semaphore_mem>>)
          %dma_wait3A_293 = arith.constant 0 : i32
          %dma_wait3A_294 = tpu.memref_slice %arg12[%add3A_287, %dma_wait3A_293] : memref<5008x128xf32, #tpu.memory_space<vmem_shared>> -> memref<32x128xf32, #tpu.memory_space<vmem_shared>>
          %dma_wait3A_295 = arith.constant 0 : i32
          %dma_wait3A_296 = tpu.memref_slice %arg12[%add3A_287, %dma_wait3A_295] : memref<5008x128xf32, #tpu.memory_space<vmem_shared>> -> memref<32x128xf32, #tpu.memory_space<vmem_shared>>
          tpu.wait_dma2 semaphore(%run_scoped3A_288 : memref<!tpu.dma_semaphore, #tpu.memory_space<semaphore_mem>>) src(%arg9 : memref<32x128xf32, #tpu.memory_space<vmem>>) dst(%dma_wait3A_296 : memref<32x128xf32, #tpu.memory_space<vmem_shared>>)
          tpu.yield
        }) : () -> ()
      }
      %scan3A_274 = arith.constant 31 : i32
      %mul3A_275 = arith.constant 1000 : i32
      %mul3A_276 = arith.muli %arg1, %mul3A_275 : i32
      %add3A = arith.constant 992 : i32
      %add3A_277 = arith.addi %mul3A_276, %add3A : i32
      "tpu.region"() ({
        %run_scoped3A_278 = tpu.sem_alloc : memref<!tpu.dma_semaphore, #tpu.memory_space<semaphore_mem>>
        %dma_start3A_279 = arith.constant 0 : i32
        %dma_start3A_280 = arith.constant 0 : i32
        %dma_start3A_281 = tpu.memref_slice %arg9[%dma_start3A_279, %dma_start3A_280] : memref<32x128xf32, #tpu.memory_space<vmem>> -> memref<8x128xf32, #tpu.memory_space<vmem>>
        %dma_start3A_282 = arith.constant 0 : i32
        %dma_start3A_283 = tpu.memref_slice %arg12[%add3A_277, %dma_start3A_282] : memref<5008x128xf32, #tpu.memory_space<vmem_shared>> -> memref<8x128xf32, #tpu.memory_space<vmem_shared>>
        %dma_start3A_284 = arith.constant 0 : i32
        %dma_start3A_285 = tpu.memref_slice %arg12[%add3A_277, %dma_start3A_284] : memref<5008x128xf32, #tpu.memory_space<vmem_shared>> -> memref<8x128xf32, #tpu.memory_space<vmem_shared>>
        %dma_start3A_286 = arith.constant 0 : i32
        %dma_start3A_287 = arith.constant 0 : i32
        %dma_start3A_288 = tpu.memref_slice %arg9[%dma_start3A_286, %dma_start3A_287] : memref<32x128xf32, #tpu.memory_space<vmem>> -> memref<8x128xf32, #tpu.memory_space<vmem>>
        tpu.enqueue_dma source(%dma_start3A_288 : memref<8x128xf32, #tpu.memory_space<vmem>>) target(%dma_start3A_285 : memref<8x128xf32, #tpu.memory_space<vmem_shared>>) target_semaphore(%run_scoped3A_278 : memref<!tpu.dma_semaphore, #tpu.memory_space<semaphore_mem>>)
        %dma_wait3A_289 = arith.constant 0 : i32
        %dma_wait3A_290 = arith.constant 0 : i32
        %dma_wait3A_291 = tpu.memref_slice %arg9[%dma_wait3A_289, %dma_wait3A_290] : memref<32x128xf32, #tpu.memory_space<vmem>> -> memref<8x128xf32, #tpu.memory_space<vmem>>
        %dma_wait3A_292 = arith.constant 0 : i32
        %dma_wait3A_293 = tpu.memref_slice %arg12[%add3A_277, %dma_wait3A_292] : memref<5008x128xf32, #tpu.memory_space<vmem_shared>> -> memref<8x128xf32, #tpu.memory_space<vmem_shared>>
        %dma_wait3A_294 = arith.constant 0 : i32
        %dma_wait3A_295 = tpu.memref_slice %arg12[%add3A_277, %dma_wait3A_294] : memref<5008x128xf32, #tpu.memory_space<vmem_shared>> -> memref<8x128xf32, #tpu.memory_space<vmem_shared>>
        %dma_wait3A_296 = arith.constant 0 : i32
        %dma_wait3A_297 = arith.constant 0 : i32
        %dma_wait3A_298 = tpu.memref_slice %arg9[%dma_wait3A_296, %dma_wait3A_297] : memref<32x128xf32, #tpu.memory_space<vmem>> -> memref<8x128xf32, #tpu.memory_space<vmem>>
        tpu.wait_dma2 semaphore(%run_scoped3A_278 : memref<!tpu.dma_semaphore, #tpu.memory_space<semaphore_mem>>) src(%dma_wait3A_298 : memref<8x128xf32, #tpu.memory_space<vmem>>) dst(%dma_wait3A_295 : memref<8x128xf32, #tpu.memory_space<vmem_shared>>)
        tpu.yield
      }) : () -> ()
    } else {
    }
    %eq3A = arith.constant 5 : i32
    %eq3A_15 = arith.cmpi eq, %arg1, %eq3A : i32
    %convert_element_type3A_16 = arith.extui %eq3A_15 : i1 to i32
    %cond3A_17 = arith.constant 0 : i32
    %cond3A_18 = arith.cmpi ne, %convert_element_type3A_16, %cond3A_17 : i32
    scf.if %cond3A_18 {
      "tpu.region"() ({
        %run_scoped3A_270 = tpu.sem_alloc : memref<!tpu.dma_semaphore, #tpu.memory_space<semaphore_mem>>
        %dma_start3A_271 = arith.constant 0 : i32
        %dma_start3A_272 = arith.constant 0 : i32
        %dma_start3A_273 = tpu.memref_slice %arg9[%dma_start3A_271, %dma_start3A_272] : memref<32x128xf32, #tpu.memory_space<vmem>> -> memref<8x128xf32, #tpu.memory_space<vmem>>
        %dma_start3A_274 = arith.constant 5000 : i32
        %dma_start3A_275 = arith.constant 0 : i32
        %dma_start3A_276 = tpu.memref_slice %arg12[%dma_start3A_274, %dma_start3A_275] : memref<5008x128xf32, #tpu.memory_space<vmem_shared>> -> memref<8x128xf32, #tpu.memory_space<vmem_shared>>
        %dma_start3A_277 = arith.constant 5000 : i32
        %dma_start3A_278 = arith.constant 0 : i32
        %dma_start3A_279 = tpu.memref_slice %arg12[%dma_start3A_277, %dma_start3A_278] : memref<5008x128xf32, #tpu.memory_space<vmem_shared>> -> memref<8x128xf32, #tpu.memory_space<vmem_shared>>
        %dma_start3A_280 = arith.constant 0 : i32
        %dma_start3A_281 = arith.constant 0 : i32
        %dma_start3A_282 = tpu.memref_slice %arg9[%dma_start3A_280, %dma_start3A_281] : memref<32x128xf32, #tpu.memory_space<vmem>> -> memref<8x128xf32, #tpu.memory_space<vmem>>
        tpu.enqueue_dma source(%dma_start3A_282 : memref<8x128xf32, #tpu.memory_space<vmem>>) target(%dma_start3A_279 : memref<8x128xf32, #tpu.memory_space<vmem_shared>>) target_semaphore(%run_scoped3A_270 : memref<!tpu.dma_semaphore, #tpu.memory_space<semaphore_mem>>)
        %dma_wait3A_283 = arith.constant 0 : i32
        %dma_wait3A_284 = arith.constant 0 : i32
        %dma_wait3A_285 = tpu.memref_slice %arg9[%dma_wait3A_283, %dma_wait3A_284] : memref<32x128xf32, #tpu.memory_space<vmem>> -> memref<8x128xf32, #tpu.memory_space<vmem>>
        %dma_wait3A_286 = arith.constant 5000 : i32
        %dma_wait3A_287 = arith.constant 0 : i32
        %dma_wait3A_288 = tpu.memref_slice %arg12[%dma_wait3A_286, %dma_wait3A_287] : memref<5008x128xf32, #tpu.memory_space<vmem_shared>> -> memref<8x128xf32, #tpu.memory_space<vmem_shared>>
        %dma_wait3A_289 = arith.constant 5000 : i32
        %dma_wait3A_290 = arith.constant 0 : i32
        %dma_wait3A_291 = tpu.memref_slice %arg12[%dma_wait3A_289, %dma_wait3A_290] : memref<5008x128xf32, #tpu.memory_space<vmem_shared>> -> memref<8x128xf32, #tpu.memory_space<vmem_shared>>
        %dma_wait3A_292 = arith.constant 0 : i32
        %dma_wait3A_293 = arith.constant 0 : i32
        %dma_wait3A_294 = tpu.memref_slice %arg9[%dma_wait3A_292, %dma_wait3A_293] : memref<32x128xf32, #tpu.memory_space<vmem>> -> memref<8x128xf32, #tpu.memory_space<vmem>>
        tpu.wait_dma2 semaphore(%run_scoped3A_270 : memref<!tpu.dma_semaphore, #tpu.memory_space<semaphore_mem>>) src(%dma_wait3A_294 : memref<8x128xf32, #tpu.memory_space<vmem>>) dst(%dma_wait3A_291 : memref<8x128xf32, #tpu.memory_space<vmem_shared>>)
        tpu.yield
      }) : () -> ()
    } else {
    }
    %barrier3A = arith.constant 0 : index
    tpu.barrier barrier_id(%barrier3A)
    %dma_start3A = arith.constant 0 : i32
    %dma_start3A_19 = arith.constant 0 : i32
    %dma_start3A_20 = arith.constant 0 : i32
    %dma_start3A_21 = tpu.memref_slice %arg7[%dma_start3A_19, %dma_start3A_20] : memref<3x32xi32, #tpu.memory_space<vmem>> -> memref<1x32xi32, #tpu.memory_space<vmem>>
    %dma_start3A_22 = tpu.memref_squeeze %dma_start3A_21 : memref<1x32xi32, #tpu.memory_space<vmem>> -> memref<32xi32, #tpu.memory_space<vmem>>
    %dma_start3A_23 = arith.constant 0 : i32
    %dma_start3A_24 = tpu.memref_slice %arg3[%arg1, %dma_start3A, %dma_start3A_23] : memref<16x627x32xi32, #tpu.memory_space<hbm>> -> memref<1x1x32xi32, #tpu.memory_space<hbm>>
    %dma_start3A_25 = tpu.memref_squeeze %dma_start3A_24 : memref<1x1x32xi32, #tpu.memory_space<hbm>> -> memref<32xi32, #tpu.memory_space<hbm>>
    %dma_start3A_26 = arith.constant 0 : i32
    %dma_start3A_27 = tpu.memref_slice %arg7[%dma_start3A_19, %dma_start3A_26] : memref<3x32xi32, #tpu.memory_space<vmem>> -> memref<1x32xi32, #tpu.memory_space<vmem>>
    %dma_start3A_28 = tpu.memref_squeeze %dma_start3A_27 : memref<1x32xi32, #tpu.memory_space<vmem>> -> memref<32xi32, #tpu.memory_space<vmem>>
    %dma_start3A_29 = arith.constant 0 : i32
    %dma_start3A_30 = tpu.memref_slice %arg3[%arg1, %dma_start3A, %dma_start3A_29] : memref<16x627x32xi32, #tpu.memory_space<hbm>> -> memref<1x1x32xi32, #tpu.memory_space<hbm>>
    %dma_start3A_31 = tpu.memref_squeeze %dma_start3A_30 : memref<1x1x32xi32, #tpu.memory_space<hbm>> -> memref<32xi32, #tpu.memory_space<hbm>>
    tpu.enqueue_dma source(%dma_start3A_31 : memref<32xi32, #tpu.memory_space<hbm>>) target(%dma_start3A_28 : memref<32xi32, #tpu.memory_space<vmem>>) target_semaphore(%arg16 : memref<!tpu.dma_semaphore, #tpu.memory_space<semaphore_mem>>)
    %dma_start3A_32 = arith.constant 0 : i32
    %dma_start3A_33 = arith.constant 0 : i32
    %dma_start3A_34 = arith.constant 0 : i32
    %dma_start3A_35 = tpu.memref_slice %arg8[%dma_start3A_33, %dma_start3A_34] : memref<3x32xi32, #tpu.memory_space<vmem>> -> memref<1x32xi32, #tpu.memory_space<vmem>>
    %dma_start3A_36 = tpu.memref_squeeze %dma_start3A_35 : memref<1x32xi32, #tpu.memory_space<vmem>> -> memref<32xi32, #tpu.memory_space<vmem>>
    %dma_start3A_37 = arith.constant 0 : i32
    %dma_start3A_38 = tpu.memref_slice %arg4[%arg1, %dma_start3A_32, %dma_start3A_37] : memref<16x627x32xi32, #tpu.memory_space<hbm>> -> memref<1x1x32xi32, #tpu.memory_space<hbm>>
    %dma_start3A_39 = tpu.memref_squeeze %dma_start3A_38 : memref<1x1x32xi32, #tpu.memory_space<hbm>> -> memref<32xi32, #tpu.memory_space<hbm>>
    %dma_start3A_40 = arith.constant 0 : i32
    %dma_start3A_41 = tpu.memref_slice %arg8[%dma_start3A_33, %dma_start3A_40] : memref<3x32xi32, #tpu.memory_space<vmem>> -> memref<1x32xi32, #tpu.memory_space<vmem>>
    %dma_start3A_42 = tpu.memref_squeeze %dma_start3A_41 : memref<1x32xi32, #tpu.memory_space<vmem>> -> memref<32xi32, #tpu.memory_space<vmem>>
    %dma_start3A_43 = arith.constant 0 : i32
    %dma_start3A_44 = tpu.memref_slice %arg4[%arg1, %dma_start3A_32, %dma_start3A_43] : memref<16x627x32xi32, #tpu.memory_space<hbm>> -> memref<1x1x32xi32, #tpu.memory_space<hbm>>
    %dma_start3A_45 = tpu.memref_squeeze %dma_start3A_44 : memref<1x1x32xi32, #tpu.memory_space<hbm>> -> memref<32xi32, #tpu.memory_space<hbm>>
    tpu.enqueue_dma source(%dma_start3A_45 : memref<32xi32, #tpu.memory_space<hbm>>) target(%dma_start3A_42 : memref<32xi32, #tpu.memory_space<vmem>>) target_semaphore(%arg16 : memref<!tpu.dma_semaphore, #tpu.memory_space<semaphore_mem>>)
    %dma_wait3A = arith.constant 0 : i32
    %dma_wait3A_46 = arith.constant 0 : i32
    %dma_wait3A_47 = arith.constant 0 : i32
    %dma_wait3A_48 = tpu.memref_slice %arg7[%dma_wait3A_46, %dma_wait3A_47] : memref<3x32xi32, #tpu.memory_space<vmem>> -> memref<1x32xi32, #tpu.memory_space<vmem>>
    %dma_wait3A_49 = tpu.memref_squeeze %dma_wait3A_48 : memref<1x32xi32, #tpu.memory_space<vmem>> -> memref<32xi32, #tpu.memory_space<vmem>>
    %dma_wait3A_50 = arith.constant 0 : i32
    %dma_wait3A_51 = tpu.memref_slice %arg3[%arg1, %dma_wait3A, %dma_wait3A_50] : memref<16x627x32xi32, #tpu.memory_space<hbm>> -> memref<1x1x32xi32, #tpu.memory_space<hbm>>
    %dma_wait3A_52 = tpu.memref_squeeze %dma_wait3A_51 : memref<1x1x32xi32, #tpu.memory_space<hbm>> -> memref<32xi32, #tpu.memory_space<hbm>>
    %dma_wait3A_53 = arith.constant 0 : i32
    %dma_wait3A_54 = tpu.memref_slice %arg7[%dma_wait3A_46, %dma_wait3A_53] : memref<3x32xi32, #tpu.memory_space<vmem>> -> memref<1x32xi32, #tpu.memory_space<vmem>>
    %dma_wait3A_55 = tpu.memref_squeeze %dma_wait3A_54 : memref<1x32xi32, #tpu.memory_space<vmem>> -> memref<32xi32, #tpu.memory_space<vmem>>
    %dma_wait3A_56 = arith.constant 0 : i32
    %dma_wait3A_57 = tpu.memref_slice %arg3[%arg1, %dma_wait3A, %dma_wait3A_56] : memref<16x627x32xi32, #tpu.memory_space<hbm>> -> memref<1x1x32xi32, #tpu.memory_space<hbm>>
    %dma_wait3A_58 = tpu.memref_squeeze %dma_wait3A_57 : memref<1x1x32xi32, #tpu.memory_space<hbm>> -> memref<32xi32, #tpu.memory_space<hbm>>
    tpu.wait_dma2 semaphore(%arg16 : memref<!tpu.dma_semaphore, #tpu.memory_space<semaphore_mem>>) src(%dma_wait3A_58 : memref<32xi32, #tpu.memory_space<hbm>>) dst(%dma_wait3A_55 : memref<32xi32, #tpu.memory_space<vmem>>)
    %dma_wait3A_59 = arith.constant 0 : i32
    %dma_wait3A_60 = arith.constant 0 : i32
    %dma_wait3A_61 = arith.constant 0 : i32
    %dma_wait3A_62 = tpu.memref_slice %arg8[%dma_wait3A_60, %dma_wait3A_61] : memref<3x32xi32, #tpu.memory_space<vmem>> -> memref<1x32xi32, #tpu.memory_space<vmem>>
    %dma_wait3A_63 = tpu.memref_squeeze %dma_wait3A_62 : memref<1x32xi32, #tpu.memory_space<vmem>> -> memref<32xi32, #tpu.memory_space<vmem>>
    %dma_wait3A_64 = arith.constant 0 : i32
    %dma_wait3A_65 = tpu.memref_slice %arg4[%arg1, %dma_wait3A_59, %dma_wait3A_64] : memref<16x627x32xi32, #tpu.memory_space<hbm>> -> memref<1x1x32xi32, #tpu.memory_space<hbm>>
    %dma_wait3A_66 = tpu.memref_squeeze %dma_wait3A_65 : memref<1x1x32xi32, #tpu.memory_space<hbm>> -> memref<32xi32, #tpu.memory_space<hbm>>
    %dma_wait3A_67 = arith.constant 0 : i32
    %dma_wait3A_68 = tpu.memref_slice %arg8[%dma_wait3A_60, %dma_wait3A_67] : memref<3x32xi32, #tpu.memory_space<vmem>> -> memref<1x32xi32, #tpu.memory_space<vmem>>
    %dma_wait3A_69 = tpu.memref_squeeze %dma_wait3A_68 : memref<1x32xi32, #tpu.memory_space<vmem>> -> memref<32xi32, #tpu.memory_space<vmem>>
    %dma_wait3A_70 = arith.constant 0 : i32
    %dma_wait3A_71 = tpu.memref_slice %arg4[%arg1, %dma_wait3A_59, %dma_wait3A_70] : memref<16x627x32xi32, #tpu.memory_space<hbm>> -> memref<1x1x32xi32, #tpu.memory_space<hbm>>
    %dma_wait3A_72 = tpu.memref_squeeze %dma_wait3A_71 : memref<1x1x32xi32, #tpu.memory_space<hbm>> -> memref<32xi32, #tpu.memory_space<hbm>>
    tpu.wait_dma2 semaphore(%arg16 : memref<!tpu.dma_semaphore, #tpu.memory_space<semaphore_mem>>) src(%dma_wait3A_72 : memref<32xi32, #tpu.memory_space<hbm>>) dst(%dma_wait3A_69 : memref<32xi32, #tpu.memory_space<vmem>>)
    %scan3A_73 = arith.constant 0 : i32
    %scan3A_74 = arith.constant 2 : i32
    %scan3A_75 = arith.addi %scan3A_73, %scan3A_74 : i32
    %scan3A_76 = arith.constant 1 : i32
    scf.for %scan3A_270 = %scan3A_73 to %scan3A_75 step %scan3A_76  : i32 {
      %mul3A_271 = arith.constant 1 : i32
      %mul3A_272 = arith.muli %scan3A_270, %mul3A_271 : i32
      %add3A = arith.constant 0 : i32
      %add3A_273 = arith.addi %add3A, %mul3A_272 : i32
      %mul3A_274 = arith.constant 16 : i32
      %mul3A_275 = arith.muli %add3A_273, %mul3A_274 : i32
      %get3A = arith.constant 0 : i32
      %get3A_276 = arith.index_cast %get3A : i32 to index
      %get3A_277 = arith.index_cast %mul3A_275 : i32 to index
      %get3A_278 = tpu.vector_load %arg8[%get3A_276, %get3A_277] {strides = array<i32>} : memref<3x32xi32, #tpu.memory_space<vmem>>, vector<16xi32>,
      %sub3A = vector.broadcast %mul3A_0 : i32 to vector<16xi32>
      %sub3A_279 = arith.subi %get3A_278, %sub3A : vector<16xi32>
      %ge3A = arith.constant 0 : i32
      %ge3A_280 = vector.broadcast %ge3A : i32 to vector<16xi32>
      %ge3A_281 = arith.cmpi sge, %sub3A_279, %ge3A_280 : vector<16xi32>
      %lt3A_282 = arith.constant 5000 : i32
      %lt3A_283 = vector.broadcast %lt3A_282 : i32 to vector<16xi32>
      %lt3A_284 = arith.cmpi slt, %sub3A_279, %lt3A_283 : vector<16xi32>
      %and3A = arith.andi %ge3A_281, %lt3A_284 : vector<16xi1>
      %jit3A = arith.constant 5000 : i32
      %broadcast_in_dim3A_285 = vector.broadcast %jit3A : i32 to vector<16xi32>
      %select_n3A = arith.select %and3A, %sub3A_279, %broadcast_in_dim3A_285 : vector<16xi1>, vector<16xi32>
      %mul3A_286 = arith.constant 16 : i32
      %mul3A_287 = arith.muli %add3A_273, %mul3A_286 : i32
      %swap3A = arith.constant 0 : i32
      %swap3A_288 = arith.index_cast %swap3A : i32 to index
      %swap3A_289 = arith.index_cast %mul3A_287 : i32 to index
      %swap3A_290 = tpu.vector_load %arg8[%swap3A_288, %swap3A_289] {strides = array<i32>} : memref<3x32xi32, #tpu.memory_space<vmem>>, vector<16xi32>,
      tpu.vector_store %arg8[%swap3A_288, %swap3A_289], %select_n3A {strides = array<i32>} : memref<3x32xi32, #tpu.memory_space<vmem>>, vector<16xi32>,
    }
    %scan3A_77 = arith.constant 2 : i32
    %dma_start3A_78 = arith.constant 0 : i32
    %dma_start3A_79 = arith.constant 0 : i32
    %dma_start3A_80 = tpu.memref_slice %arg7[%dma_start3A_78, %dma_start3A_79] : memref<3x32xi32, #tpu.memory_space<vmem>> -> memref<1x32xi32, #tpu.memory_space<vmem>>
    %dma_start3A_81 = tpu.memref_squeeze %dma_start3A_80 : memref<1x32xi32, #tpu.memory_space<vmem>> -> memref<32xi32, #tpu.memory_space<vmem>>
    %dma_start3A_82 = arith.constant 0 : i32
    %dma_start3A_83 = arith.constant 0 : i32
    %dma_start3A_84 = tpu.memref_slice %arg2[%dma_start3A_82, %dma_start3A_83] : memref<10000x128xf32, #tpu.memory_space<hbm>> -> memref<10000x128xf32, #tpu.memory_space<hbm>>
    tpu.enqueue_indirect_dma source(%dma_start3A_84 : memref<10000x128xf32, #tpu.memory_space<hbm>>) target(%arg9 : memref<32x128xf32, #tpu.memory_space<vmem>>) offsets(%dma_start3A_81 : memref<32xi32, #tpu.memory_space<vmem>>) semaphore(%arg13 : memref<!tpu.dma_semaphore, #tpu.memory_space<semaphore_mem>>)
    %dma_start3A_85 = arith.constant 1 : i32
    %dma_start3A_86 = arith.constant 1 : i32
    %dma_start3A_87 = arith.constant 0 : i32
    %dma_start3A_88 = tpu.memref_slice %arg7[%dma_start3A_86, %dma_start3A_87] : memref<3x32xi32, #tpu.memory_space<vmem>> -> memref<1x32xi32, #tpu.memory_space<vmem>>
    %dma_start3A_89 = tpu.memref_squeeze %dma_start3A_88 : memref<1x32xi32, #tpu.memory_space<vmem>> -> memref<32xi32, #tpu.memory_space<vmem>>
    %dma_start3A_90 = arith.constant 0 : i32
    %dma_start3A_91 = tpu.memref_slice %arg3[%arg1, %dma_start3A_85, %dma_start3A_90] : memref<16x627x32xi32, #tpu.memory_space<hbm>> -> memref<1x1x32xi32, #tpu.memory_space<hbm>>
    %dma_start3A_92 = tpu.memref_squeeze %dma_start3A_91 : memref<1x1x32xi32, #tpu.memory_space<hbm>> -> memref<32xi32, #tpu.memory_space<hbm>>
    %dma_start3A_93 = arith.constant 0 : i32
    %dma_start3A_94 = tpu.memref_slice %arg7[%dma_start3A_86, %dma_start3A_93] : memref<3x32xi32, #tpu.memory_space<vmem>> -> memref<1x32xi32, #tpu.memory_space<vmem>>
    %dma_start3A_95 = tpu.memref_squeeze %dma_start3A_94 : memref<1x32xi32, #tpu.memory_space<vmem>> -> memref<32xi32, #tpu.memory_space<vmem>>
    %dma_start3A_96 = arith.constant 0 : i32
    %dma_start3A_97 = tpu.memref_slice %arg3[%arg1, %dma_start3A_85, %dma_start3A_96] : memref<16x627x32xi32, #tpu.memory_space<hbm>> -> memref<1x1x32xi32, #tpu.memory_space<hbm>>
    %dma_start3A_98 = tpu.memref_squeeze %dma_start3A_97 : memref<1x1x32xi32, #tpu.memory_space<hbm>> -> memref<32xi32, #tpu.memory_space<hbm>>
    tpu.enqueue_dma source(%dma_start3A_98 : memref<32xi32, #tpu.memory_space<hbm>>) target(%dma_start3A_95 : memref<32xi32, #tpu.memory_space<vmem>>) target_semaphore(%arg17 : memref<!tpu.dma_semaphore, #tpu.memory_space<semaphore_mem>>)
    %dma_start3A_99 = arith.constant 1 : i32
    %dma_start3A_100 = arith.constant 1 : i32
    %dma_start3A_101 = arith.constant 0 : i32
    %dma_start3A_102 = tpu.memref_slice %arg8[%dma_start3A_100, %dma_start3A_101] : memref<3x32xi32, #tpu.memory_space<vmem>> -> memref<1x32xi32, #tpu.memory_space<vmem>>
    %dma_start3A_103 = tpu.memref_squeeze %dma_start3A_102 : memref<1x32xi32, #tpu.memory_space<vmem>> -> memref<32xi32, #tpu.memory_space<vmem>>
    %dma_start3A_104 = arith.constant 0 : i32
    %dma_start3A_105 = tpu.memref_slice %arg4[%arg1, %dma_start3A_99, %dma_start3A_104] : memref<16x627x32xi32, #tpu.memory_space<hbm>> -> memref<1x1x32xi32, #tpu.memory_space<hbm>>
    %dma_start3A_106 = tpu.memref_squeeze %dma_start3A_105 : memref<1x1x32xi32, #tpu.memory_space<hbm>> -> memref<32xi32, #tpu.memory_space<hbm>>
    %dma_start3A_107 = arith.constant 0 : i32
    %dma_start3A_108 = tpu.memref_slice %arg8[%dma_start3A_100, %dma_start3A_107] : memref<3x32xi32, #tpu.memory_space<vmem>> -> memref<1x32xi32, #tpu.memory_space<vmem>>
    %dma_start3A_109 = tpu.memref_squeeze %dma_start3A_108 : memref<1x32xi32, #tpu.memory_space<vmem>> -> memref<32xi32, #tpu.memory_space<vmem>>
    %dma_start3A_110 = arith.constant 0 : i32
    %dma_start3A_111 = tpu.memref_slice %arg4[%arg1, %dma_start3A_99, %dma_start3A_110] : memref<16x627x32xi32, #tpu.memory_space<hbm>> -> memref<1x1x32xi32, #tpu.memory_space<hbm>>
    %dma_start3A_112 = tpu.memref_squeeze %dma_start3A_111 : memref<1x1x32xi32, #tpu.memory_space<hbm>> -> memref<32xi32, #tpu.memory_space<hbm>>
    tpu.enqueue_dma source(%dma_start3A_112 : memref<32xi32, #tpu.memory_space<hbm>>) target(%dma_start3A_109 : memref<32xi32, #tpu.memory_space<vmem>>) target_semaphore(%arg17 : memref<!tpu.dma_semaphore, #tpu.memory_space<semaphore_mem>>)
    %dma_wait3A_113 = arith.constant 1 : i32
    %dma_wait3A_114 = arith.constant 1 : i32
    %dma_wait3A_115 = arith.constant 0 : i32
    %dma_wait3A_116 = tpu.memref_slice %arg7[%dma_wait3A_114, %dma_wait3A_115] : memref<3x32xi32, #tpu.memory_space<vmem>> -> memref<1x32xi32, #tpu.memory_space<vmem>>
    %dma_wait3A_117 = tpu.memref_squeeze %dma_wait3A_116 : memref<1x32xi32, #tpu.memory_space<vmem>> -> memref<32xi32, #tpu.memory_space<vmem>>
    %dma_wait3A_118 = arith.constant 0 : i32
    %dma_wait3A_119 = tpu.memref_slice %arg3[%arg1, %dma_wait3A_113, %dma_wait3A_118] : memref<16x627x32xi32, #tpu.memory_space<hbm>> -> memref<1x1x32xi32, #tpu.memory_space<hbm>>
    %dma_wait3A_120 = tpu.memref_squeeze %dma_wait3A_119 : memref<1x1x32xi32, #tpu.memory_space<hbm>> -> memref<32xi32, #tpu.memory_space<hbm>>
    %dma_wait3A_121 = arith.constant 0 : i32
    %dma_wait3A_122 = tpu.memref_slice %arg7[%dma_wait3A_114, %dma_wait3A_121] : memref<3x32xi32, #tpu.memory_space<vmem>> -> memref<1x32xi32, #tpu.memory_space<vmem>>
    %dma_wait3A_123 = tpu.memref_squeeze %dma_wait3A_122 : memref<1x32xi32, #tpu.memory_space<vmem>> -> memref<32xi32, #tpu.memory_space<vmem>>
    %dma_wait3A_124 = arith.constant 0 : i32
    %dma_wait3A_125 = tpu.memref_slice %arg3[%arg1, %dma_wait3A_113, %dma_wait3A_124] : memref<16x627x32xi32, #tpu.memory_space<hbm>> -> memref<1x1x32xi32, #tpu.memory_space<hbm>>
    %dma_wait3A_126 = tpu.memref_squeeze %dma_wait3A_125 : memref<1x1x32xi32, #tpu.memory_space<hbm>> -> memref<32xi32, #tpu.memory_space<hbm>>
    tpu.wait_dma2 semaphore(%arg17 : memref<!tpu.dma_semaphore, #tpu.memory_space<semaphore_mem>>) src(%dma_wait3A_126 : memref<32xi32, #tpu.memory_space<hbm>>) dst(%dma_wait3A_123 : memref<32xi32, #tpu.memory_space<vmem>>)
    %dma_wait3A_127 = arith.constant 1 : i32
    %dma_wait3A_128 = arith.constant 1 : i32
    %dma_wait3A_129 = arith.constant 0 : i32
    %dma_wait3A_130 = tpu.memref_slice %arg8[%dma_wait3A_128, %dma_wait3A_129] : memref<3x32xi32, #tpu.memory_space<vmem>> -> memref<1x32xi32, #tpu.memory_space<vmem>>
    %dma_wait3A_131 = tpu.memref_squeeze %dma_wait3A_130 : memref<1x32xi32, #tpu.memory_space<vmem>> -> memref<32xi32, #tpu.memory_space<vmem>>
    %dma_wait3A_132 = arith.constant 0 : i32
    %dma_wait3A_133 = tpu.memref_slice %arg4[%arg1, %dma_wait3A_127, %dma_wait3A_132] : memref<16x627x32xi32, #tpu.memory_space<hbm>> -> memref<1x1x32xi32, #tpu.memory_space<hbm>>
    %dma_wait3A_134 = tpu.memref_squeeze %dma_wait3A_133 : memref<1x1x32xi32, #tpu.memory_space<hbm>> -> memref<32xi32, #tpu.memory_space<hbm>>
    %dma_wait3A_135 = arith.constant 0 : i32
    %dma_wait3A_136 = tpu.memref_slice %arg8[%dma_wait3A_128, %dma_wait3A_135] : memref<3x32xi32, #tpu.memory_space<vmem>> -> memref<1x32xi32, #tpu.memory_space<vmem>>
    %dma_wait3A_137 = tpu.memref_squeeze %dma_wait3A_136 : memref<1x32xi32, #tpu.memory_space<vmem>> -> memref<32xi32, #tpu.memory_space<vmem>>
    %dma_wait3A_138 = arith.constant 0 : i32
    %dma_wait3A_139 = tpu.memref_slice %arg4[%arg1, %dma_wait3A_127, %dma_wait3A_138] : memref<16x627x32xi32, #tpu.memory_space<hbm>> -> memref<1x1x32xi32, #tpu.memory_space<hbm>>
    %dma_wait3A_140 = tpu.memref_squeeze %dma_wait3A_139 : memref<1x1x32xi32, #tpu.memory_space<hbm>> -> memref<32xi32, #tpu.memory_space<hbm>>
    tpu.wait_dma2 semaphore(%arg17 : memref<!tpu.dma_semaphore, #tpu.memory_space<semaphore_mem>>) src(%dma_wait3A_140 : memref<32xi32, #tpu.memory_space<hbm>>) dst(%dma_wait3A_137 : memref<32xi32, #tpu.memory_space<vmem>>)
    %scan3A_141 = arith.constant 0 : i32
    %scan3A_142 = arith.constant 2 : i32
    %scan3A_143 = arith.addi %scan3A_141, %scan3A_142 : i32
    %scan3A_144 = arith.constant 1 : i32
    scf.for %scan3A_270 = %scan3A_141 to %scan3A_143 step %scan3A_144  : i32 {
      %mul3A_271 = arith.constant 1 : i32
      %mul3A_272 = arith.muli %scan3A_270, %mul3A_271 : i32
      %add3A = arith.constant 0 : i32
      %add3A_273 = arith.addi %add3A, %mul3A_272 : i32
      %mul3A_274 = arith.constant 16 : i32
      %mul3A_275 = arith.muli %add3A_273, %mul3A_274 : i32
      %get3A = arith.constant 1 : i32
      %get3A_276 = arith.index_cast %get3A : i32 to index
      %get3A_277 = arith.index_cast %mul3A_275 : i32 to index
      %get3A_278 = tpu.vector_load %arg8[%get3A_276, %get3A_277] {strides = array<i32>} : memref<3x32xi32, #tpu.memory_space<vmem>>, vector<16xi32>,
      %sub3A = vector.broadcast %mul3A_0 : i32 to vector<16xi32>
      %sub3A_279 = arith.subi %get3A_278, %sub3A : vector<16xi32>
      %ge3A = arith.constant 0 : i32
      %ge3A_280 = vector.broadcast %ge3A : i32 to vector<16xi32>
      %ge3A_281 = arith.cmpi sge, %sub3A_279, %ge3A_280 : vector<16xi32>
      %lt3A_282 = arith.constant 5000 : i32
      %lt3A_283 = vector.broadcast %lt3A_282 : i32 to vector<16xi32>
      %lt3A_284 = arith.cmpi slt, %sub3A_279, %lt3A_283 : vector<16xi32>
      %and3A = arith.andi %ge3A_281, %lt3A_284 : vector<16xi1>
      %jit3A = arith.constant 5000 : i32
      %broadcast_in_dim3A_285 = vector.broadcast %jit3A : i32 to vector<16xi32>
      %select_n3A = arith.select %and3A, %sub3A_279, %broadcast_in_dim3A_285 : vector<16xi1>, vector<16xi32>
      %mul3A_286 = arith.constant 16 : i32
      %mul3A_287 = arith.muli %add3A_273, %mul3A_286 : i32
      %swap3A = arith.constant 1 : i32
      %swap3A_288 = arith.index_cast %swap3A : i32 to index
      %swap3A_289 = arith.index_cast %mul3A_287 : i32 to index
      %swap3A_290 = tpu.vector_load %arg8[%swap3A_288, %swap3A_289] {strides = array<i32>} : memref<3x32xi32, #tpu.memory_space<vmem>>, vector<16xi32>,
      tpu.vector_store %arg8[%swap3A_288, %swap3A_289], %select_n3A {strides = array<i32>} : memref<3x32xi32, #tpu.memory_space<vmem>>, vector<16xi32>,
    }
    %scan3A_145 = arith.constant 2 : i32
    %dma_start3A_146 = arith.constant 1 : i32
    %dma_start3A_147 = arith.constant 0 : i32
    %dma_start3A_148 = tpu.memref_slice %arg7[%dma_start3A_146, %dma_start3A_147] : memref<3x32xi32, #tpu.memory_space<vmem>> -> memref<1x32xi32, #tpu.memory_space<vmem>>
    %dma_start3A_149 = tpu.memref_squeeze %dma_start3A_148 : memref<1x32xi32, #tpu.memory_space<vmem>> -> memref<32xi32, #tpu.memory_space<vmem>>
    %dma_start3A_150 = arith.constant 0 : i32
    %dma_start3A_151 = arith.constant 0 : i32
    %dma_start3A_152 = tpu.memref_slice %arg2[%dma_start3A_150, %dma_start3A_151] : memref<10000x128xf32, #tpu.memory_space<hbm>> -> memref<10000x128xf32, #tpu.memory_space<hbm>>
    tpu.enqueue_indirect_dma source(%dma_start3A_152 : memref<10000x128xf32, #tpu.memory_space<hbm>>) target(%arg10 : memref<32x128xf32, #tpu.memory_space<vmem>>) offsets(%dma_start3A_149 : memref<32xi32, #tpu.memory_space<vmem>>) semaphore(%arg14 : memref<!tpu.dma_semaphore, #tpu.memory_space<semaphore_mem>>)
    %dma_start3A_153 = arith.constant 2 : i32
    %dma_start3A_154 = arith.constant 2 : i32
    %dma_start3A_155 = arith.constant 0 : i32
    %dma_start3A_156 = tpu.memref_slice %arg7[%dma_start3A_154, %dma_start3A_155] : memref<3x32xi32, #tpu.memory_space<vmem>> -> memref<1x32xi32, #tpu.memory_space<vmem>>
    %dma_start3A_157 = tpu.memref_squeeze %dma_start3A_156 : memref<1x32xi32, #tpu.memory_space<vmem>> -> memref<32xi32, #tpu.memory_space<vmem>>
    %dma_start3A_158 = arith.constant 0 : i32
    %dma_start3A_159 = tpu.memref_slice %arg3[%arg1, %dma_start3A_153, %dma_start3A_158] : memref<16x627x32xi32, #tpu.memory_space<hbm>> -> memref<1x1x32xi32, #tpu.memory_space<hbm>>
    %dma_start3A_160 = tpu.memref_squeeze %dma_start3A_159 : memref<1x1x32xi32, #tpu.memory_space<hbm>> -> memref<32xi32, #tpu.memory_space<hbm>>
    %dma_start3A_161 = arith.constant 0 : i32
    %dma_start3A_162 = tpu.memref_slice %arg7[%dma_start3A_154, %dma_start3A_161] : memref<3x32xi32, #tpu.memory_space<vmem>> -> memref<1x32xi32, #tpu.memory_space<vmem>>
    %dma_start3A_163 = tpu.memref_squeeze %dma_start3A_162 : memref<1x32xi32, #tpu.memory_space<vmem>> -> memref<32xi32, #tpu.memory_space<vmem>>
    %dma_start3A_164 = arith.constant 0 : i32
    %dma_start3A_165 = tpu.memref_slice %arg3[%arg1, %dma_start3A_153, %dma_start3A_164] : memref<16x627x32xi32, #tpu.memory_space<hbm>> -> memref<1x1x32xi32, #tpu.memory_space<hbm>>
    %dma_start3A_166 = tpu.memref_squeeze %dma_start3A_165 : memref<1x1x32xi32, #tpu.memory_space<hbm>> -> memref<32xi32, #tpu.memory_space<hbm>>
    tpu.enqueue_dma source(%dma_start3A_166 : memref<32xi32, #tpu.memory_space<hbm>>) target(%dma_start3A_163 : memref<32xi32, #tpu.memory_space<vmem>>) target_semaphore(%arg18 : memref<!tpu.dma_semaphore, #tpu.memory_space<semaphore_mem>>)
    %dma_start3A_167 = arith.constant 2 : i32
    %dma_start3A_168 = arith.constant 2 : i32
    %dma_start3A_169 = arith.constant 0 : i32
    %dma_start3A_170 = tpu.memref_slice %arg8[%dma_start3A_168, %dma_start3A_169] : memref<3x32xi32, #tpu.memory_space<vmem>> -> memref<1x32xi32, #tpu.memory_space<vmem>>
    %dma_start3A_171 = tpu.memref_squeeze %dma_start3A_170 : memref<1x32xi32, #tpu.memory_space<vmem>> -> memref<32xi32, #tpu.memory_space<vmem>>
    %dma_start3A_172 = arith.constant 0 : i32
    %dma_start3A_173 = tpu.memref_slice %arg4[%arg1, %dma_start3A_167, %dma_start3A_172] : memref<16x627x32xi32, #tpu.memory_space<hbm>> -> memref<1x1x32xi32, #tpu.memory_space<hbm>>
    %dma_start3A_174 = tpu.memref_squeeze %dma_start3A_173 : memref<1x1x32xi32, #tpu.memory_space<hbm>> -> memref<32xi32, #tpu.memory_space<hbm>>
    %dma_start3A_175 = arith.constant 0 : i32
    %dma_start3A_176 = tpu.memref_slice %arg8[%dma_start3A_168, %dma_start3A_175] : memref<3x32xi32, #tpu.memory_space<vmem>> -> memref<1x32xi32, #tpu.memory_space<vmem>>
    %dma_start3A_177 = tpu.memref_squeeze %dma_start3A_176 : memref<1x32xi32, #tpu.memory_space<vmem>> -> memref<32xi32, #tpu.memory_space<vmem>>
    %dma_start3A_178 = arith.constant 0 : i32
    %dma_start3A_179 = tpu.memref_slice %arg4[%arg1, %dma_start3A_167, %dma_start3A_178] : memref<16x627x32xi32, #tpu.memory_space<hbm>> -> memref<1x1x32xi32, #tpu.memory_space<hbm>>
    %dma_start3A_180 = tpu.memref_squeeze %dma_start3A_179 : memref<1x1x32xi32, #tpu.memory_space<hbm>> -> memref<32xi32, #tpu.memory_space<hbm>>
    tpu.enqueue_dma source(%dma_start3A_180 : memref<32xi32, #tpu.memory_space<hbm>>) target(%dma_start3A_177 : memref<32xi32, #tpu.memory_space<vmem>>) target_semaphore(%arg18 : memref<!tpu.dma_semaphore, #tpu.memory_space<semaphore_mem>>)
    %dma_wait3A_181 = arith.constant 2 : i32
    %dma_wait3A_182 = arith.constant 2 : i32
    %dma_wait3A_183 = arith.constant 0 : i32
    %dma_wait3A_184 = tpu.memref_slice %arg7[%dma_wait3A_182, %dma_wait3A_183] : memref<3x32xi32, #tpu.memory_space<vmem>> -> memref<1x32xi32, #tpu.memory_space<vmem>>
    %dma_wait3A_185 = tpu.memref_squeeze %dma_wait3A_184 : memref<1x32xi32, #tpu.memory_space<vmem>> -> memref<32xi32, #tpu.memory_space<vmem>>
    %dma_wait3A_186 = arith.constant 0 : i32
    %dma_wait3A_187 = tpu.memref_slice %arg3[%arg1, %dma_wait3A_181, %dma_wait3A_186] : memref<16x627x32xi32, #tpu.memory_space<hbm>> -> memref<1x1x32xi32, #tpu.memory_space<hbm>>
    %dma_wait3A_188 = tpu.memref_squeeze %dma_wait3A_187 : memref<1x1x32xi32, #tpu.memory_space<hbm>> -> memref<32xi32, #tpu.memory_space<hbm>>
    %dma_wait3A_189 = arith.constant 0 : i32
    %dma_wait3A_190 = tpu.memref_slice %arg7[%dma_wait3A_182, %dma_wait3A_189] : memref<3x32xi32, #tpu.memory_space<vmem>> -> memref<1x32xi32, #tpu.memory_space<vmem>>
    %dma_wait3A_191 = tpu.memref_squeeze %dma_wait3A_190 : memref<1x32xi32, #tpu.memory_space<vmem>> -> memref<32xi32, #tpu.memory_space<vmem>>
    %dma_wait3A_192 = arith.constant 0 : i32
    %dma_wait3A_193 = tpu.memref_slice %arg3[%arg1, %dma_wait3A_181, %dma_wait3A_192] : memref<16x627x32xi32, #tpu.memory_space<hbm>> -> memref<1x1x32xi32, #tpu.memory_space<hbm>>
    %dma_wait3A_194 = tpu.memref_squeeze %dma_wait3A_193 : memref<1x1x32xi32, #tpu.memory_space<hbm>> -> memref<32xi32, #tpu.memory_space<hbm>>
    tpu.wait_dma2 semaphore(%arg18 : memref<!tpu.dma_semaphore, #tpu.memory_space<semaphore_mem>>) src(%dma_wait3A_194 : memref<32xi32, #tpu.memory_space<hbm>>) dst(%dma_wait3A_191 : memref<32xi32, #tpu.memory_space<vmem>>)
    %dma_wait3A_195 = arith.constant 2 : i32
    %dma_wait3A_196 = arith.constant 2 : i32
    %dma_wait3A_197 = arith.constant 0 : i32
    %dma_wait3A_198 = tpu.memref_slice %arg8[%dma_wait3A_196, %dma_wait3A_197] : memref<3x32xi32, #tpu.memory_space<vmem>> -> memref<1x32xi32, #tpu.memory_space<vmem>>
    %dma_wait3A_199 = tpu.memref_squeeze %dma_wait3A_198 : memref<1x32xi32, #tpu.memory_space<vmem>> -> memref<32xi32, #tpu.memory_space<vmem>>
    %dma_wait3A_200 = arith.constant 0 : i32
    %dma_wait3A_201 = tpu.memref_slice %arg4[%arg1, %dma_wait3A_195, %dma_wait3A_200] : memref<16x627x32xi32, #tpu.memory_space<hbm>> -> memref<1x1x32xi32, #tpu.memory_space<hbm>>
    %dma_wait3A_202 = tpu.memref_squeeze %dma_wait3A_201 : memref<1x1x32xi32, #tpu.memory_space<hbm>> -> memref<32xi32, #tpu.memory_space<hbm>>
    %dma_wait3A_203 = arith.constant 0 : i32
    %dma_wait3A_204 = tpu.memref_slice %arg8[%dma_wait3A_196, %dma_wait3A_203] : memref<3x32xi32, #tpu.memory_space<vmem>> -> memref<1x32xi32, #tpu.memory_space<vmem>>
    %dma_wait3A_205 = tpu.memref_squeeze %dma_wait3A_204 : memref<1x32xi32, #tpu.memory_space<vmem>> -> memref<32xi32, #tpu.memory_space<vmem>>
    %dma_wait3A_206 = arith.constant 0 : i32
    %dma_wait3A_207 = tpu.memref_slice %arg4[%arg1, %dma_wait3A_195, %dma_wait3A_206] : memref<16x627x32xi32, #tpu.memory_space<hbm>> -> memref<1x1x32xi32, #tpu.memory_space<hbm>>
    %dma_wait3A_208 = tpu.memref_squeeze %dma_wait3A_207 : memref<1x1x32xi32, #tpu.memory_space<hbm>> -> memref<32xi32, #tpu.memory_space<hbm>>
    tpu.wait_dma2 semaphore(%arg18 : memref<!tpu.dma_semaphore, #tpu.memory_space<semaphore_mem>>) src(%dma_wait3A_208 : memref<32xi32, #tpu.memory_space<hbm>>) dst(%dma_wait3A_205 : memref<32xi32, #tpu.memory_space<vmem>>)
    %scan3A_209 = arith.constant 0 : i32
    %scan3A_210 = arith.constant 2 : i32
    %scan3A_211 = arith.addi %scan3A_209, %scan3A_210 : i32
    %scan3A_212 = arith.constant 1 : i32
    scf.for %scan3A_270 = %scan3A_209 to %scan3A_211 step %scan3A_212  : i32 {
      %mul3A_271 = arith.constant 1 : i32
      %mul3A_272 = arith.muli %scan3A_270, %mul3A_271 : i32
      %add3A = arith.constant 0 : i32
      %add3A_273 = arith.addi %add3A, %mul3A_272 : i32
      %mul3A_274 = arith.constant 16 : i32
      %mul3A_275 = arith.muli %add3A_273, %mul3A_274 : i32
      %get3A = arith.constant 2 : i32
      %get3A_276 = arith.index_cast %get3A : i32 to index
      %get3A_277 = arith.index_cast %mul3A_275 : i32 to index
      %get3A_278 = tpu.vector_load %arg8[%get3A_276, %get3A_277] {strides = array<i32>} : memref<3x32xi32, #tpu.memory_space<vmem>>, vector<16xi32>,
      %sub3A = vector.broadcast %mul3A_0 : i32 to vector<16xi32>
      %sub3A_279 = arith.subi %get3A_278, %sub3A : vector<16xi32>
      %ge3A = arith.constant 0 : i32
      %ge3A_280 = vector.broadcast %ge3A : i32 to vector<16xi32>
      %ge3A_281 = arith.cmpi sge, %sub3A_279, %ge3A_280 : vector<16xi32>
      %lt3A_282 = arith.constant 5000 : i32
      %lt3A_283 = vector.broadcast %lt3A_282 : i32 to vector<16xi32>
      %lt3A_284 = arith.cmpi slt, %sub3A_279, %lt3A_283 : vector<16xi32>
      %and3A = arith.andi %ge3A_281, %lt3A_284 : vector<16xi1>
      %jit3A = arith.constant 5000 : i32
      %broadcast_in_dim3A_285 = vector.broadcast %jit3A : i32 to vector<16xi32>
      %select_n3A = arith.select %and3A, %sub3A_279, %broadcast_in_dim3A_285 : vector<16xi1>, vector<16xi32>
      %mul3A_286 = arith.constant 16 : i32
      %mul3A_287 = arith.muli %add3A_273, %mul3A_286 : i32
      %swap3A = arith.constant 2 : i32
      %swap3A_288 = arith.index_cast %swap3A : i32 to index
      %swap3A_289 = arith.index_cast %mul3A_287 : i32 to index
      %swap3A_290 = tpu.vector_load %arg8[%swap3A_288, %swap3A_289] {strides = array<i32>} : memref<3x32xi32, #tpu.memory_space<vmem>>, vector<16xi32>,
      tpu.vector_store %arg8[%swap3A_288, %swap3A_289], %select_n3A {strides = array<i32>} : memref<3x32xi32, #tpu.memory_space<vmem>>, vector<16xi32>,
    }
    %scan3A_213 = arith.constant 2 : i32
    %dma_start3A_214 = arith.constant 2 : i32
    %dma_start3A_215 = arith.constant 0 : i32
    %dma_start3A_216 = tpu.memref_slice %arg7[%dma_start3A_214, %dma_start3A_215] : memref<3x32xi32, #tpu.memory_space<vmem>> -> memref<1x32xi32, #tpu.memory_space<vmem>>
    %dma_start3A_217 = tpu.memref_squeeze %dma_start3A_216 : memref<1x32xi32, #tpu.memory_space<vmem>> -> memref<32xi32, #tpu.memory_space<vmem>>
    %dma_start3A_218 = arith.constant 0 : i32
    %dma_start3A_219 = arith.constant 0 : i32
    %dma_start3A_220 = tpu.memref_slice %arg2[%dma_start3A_218, %dma_start3A_219] : memref<10000x128xf32, #tpu.memory_space<hbm>> -> memref<10000x128xf32, #tpu.memory_space<hbm>>
    tpu.enqueue_indirect_dma source(%dma_start3A_220 : memref<10000x128xf32, #tpu.memory_space<hbm>>) target(%arg11 : memref<32x128xf32, #tpu.memory_space<vmem>>) offsets(%dma_start3A_217 : memref<32xi32, #tpu.memory_space<vmem>>) semaphore(%arg15 : memref<!tpu.dma_semaphore, #tpu.memory_space<semaphore_mem>>)
    %scan3A_221 = arith.constant 0 : i32
    %scan3A_222 = arith.constant 208 : i32
    %scan3A_223 = arith.addi %scan3A_221, %scan3A_222 : i32
    %scan3A_224 = arith.constant 1 : i32
    scf.for %scan3A_270 = %scan3A_221 to %scan3A_223 step %scan3A_224  : i32 {
      %mul3A_271 = arith.constant 3 : i32
      %mul3A_272 = arith.muli %scan3A_270, %mul3A_271 : i32
      %add3A = arith.constant 0 : i32
      %add3A_273 = arith.addi %add3A, %mul3A_272 : i32
      %dma_wait3A_274 = arith.constant 0 : i32
      %dma_wait3A_275 = arith.constant 0 : i32
      %dma_wait3A_276 = tpu.memref_slice %arg7[%dma_wait3A_274, %dma_wait3A_275] : memref<3x32xi32, #tpu.memory_space<vmem>> -> memref<1x32xi32, #tpu.memory_space<vmem>>
      %dma_wait3A_277 = tpu.memref_squeeze %dma_wait3A_276 : memref<1x32xi32, #tpu.memory_space<vmem>> -> memref<32xi32, #tpu.memory_space<vmem>>
      %dma_wait3A_278 = arith.constant 0 : i32
      %dma_wait3A_279 = arith.constant 0 : i32
      %dma_wait3A_280 = tpu.memref_slice %arg2[%dma_wait3A_278, %dma_wait3A_279] : memref<10000x128xf32, #tpu.memory_space<hbm>> -> memref<10000x128xf32, #tpu.memory_space<hbm>>
      tpu.wait_indirect_dma semaphore(%arg13 : memref<!tpu.dma_semaphore, #tpu.memory_space<semaphore_mem>>) src(%dma_wait3A_280 : memref<10000x128xf32, #tpu.memory_space<hbm>>) dst(%arg9 : memref<32x128xf32, #tpu.memory_space<vmem>>)
      %run_scoped3A_281 = arith.constant 0 : i32
      "tpu.region"() ({
        %run_scoped3A_511 = tpu.sem_alloc : memref<!tpu.dma_semaphore, #tpu.memory_space<semaphore_mem>>
        %dma_start3A_512 = arith.constant 0 : i32
        %dma_start3A_513 = tpu.memref_slice %arg8[%run_scoped3A_281, %dma_start3A_512] : memref<3x32xi32, #tpu.memory_space<vmem>> -> memref<1x32xi32, #tpu.memory_space<vmem>>
        %dma_start3A_514 = tpu.memref_squeeze %dma_start3A_513 : memref<1x32xi32, #tpu.memory_space<vmem>> -> memref<32xi32, #tpu.memory_space<vmem>>
        %dma_start3A_515 = arith.constant 0 : i32
        %dma_start3A_516 = arith.constant 0 : i32
        %dma_start3A_517 = tpu.memref_slice %arg12[%dma_start3A_515, %dma_start3A_516] : memref<5008x128xf32, #tpu.memory_space<vmem_shared>> -> memref<5008x128xf32, #tpu.memory_space<vmem_shared>>
        tpu.enqueue_indirect_dma source(%arg9 : memref<32x128xf32, #tpu.memory_space<vmem>>) target(%dma_start3A_517 : memref<5008x128xf32, #tpu.memory_space<vmem_shared>>) offsets(%dma_start3A_514 : memref<32xi32, #tpu.memory_space<vmem>>) semaphore(%run_scoped3A_511 : memref<!tpu.dma_semaphore, #tpu.memory_space<semaphore_mem>>) {add = true}
        %dma_wait3A_518 = arith.constant 0 : i32
        %dma_wait3A_519 = tpu.memref_slice %arg8[%run_scoped3A_281, %dma_wait3A_518] : memref<3x32xi32, #tpu.memory_space<vmem>> -> memref<1x32xi32, #tpu.memory_space<vmem>>
        %dma_wait3A_520 = tpu.memref_squeeze %dma_wait3A_519 : memref<1x32xi32, #tpu.memory_space<vmem>> -> memref<32xi32, #tpu.memory_space<vmem>>
        %dma_wait3A_521 = arith.constant 0 : i32
        %dma_wait3A_522 = arith.constant 0 : i32
        %dma_wait3A_523 = tpu.memref_slice %arg12[%dma_wait3A_521, %dma_wait3A_522] : memref<5008x128xf32, #tpu.memory_space<vmem_shared>> -> memref<5008x128xf32, #tpu.memory_space<vmem_shared>>
        tpu.wait_indirect_dma semaphore(%run_scoped3A_511 : memref<!tpu.dma_semaphore, #tpu.memory_space<semaphore_mem>>) src(%arg9 : memref<32x128xf32, #tpu.memory_space<vmem>>) dst(%dma_wait3A_523 : memref<5008x128xf32, #tpu.memory_space<vmem_shared>>)
        tpu.yield
      }) : () -> ()
      %scan3A_282 = arith.constant 0 : i32
      %scan3A_283 = arith.constant 2 : i32
      %scan3A_284 = arith.addi %scan3A_282, %scan3A_283 : i32
      %scan3A_285 = arith.constant 1 : i32
      scf.for %scan3A_511 = %scan3A_282 to %scan3A_284 step %scan3A_285  : i32 {
        %mul3A_512 = arith.constant 1 : i32
        %mul3A_513 = arith.muli %scan3A_511, %mul3A_512 : i32
        %add3A_514 = arith.constant 0 : i32
        %add3A_515 = arith.addi %add3A_514, %mul3A_513 : i32
        %mul3A_516 = arith.constant 16 : i32
        %mul3A_517 = arith.muli %add3A_515, %mul3A_516 : i32
        %get3A = arith.constant 0 : i32
        %get3A_518 = arith.index_cast %get3A : i32 to index
        %get3A_519 = arith.index_cast %mul3A_517 : i32 to index
        %get3A_520 = tpu.vector_load %arg8[%get3A_518, %get3A_519] {strides = array<i32>} : memref<3x32xi32, #tpu.memory_space<vmem>>, vector<16xi32>,
        tpu.vector_store_idx %arg19[%get3A_520], %broadcast_in_dim3A_3 {add = true} : memref<5008xf32, #tpu.memory_space<vmem>>[vector<16xi32>], vector<16xf32>,
      }
      %scan3A_286 = arith.constant 2 : i32
      %add3A_287 = arith.constant 3 : i32
      %add3A_288 = arith.addi %add3A_273, %add3A_287 : i32
      %dma_start3A_289 = arith.constant 0 : i32
      %dma_start3A_290 = arith.constant 0 : i32
      %dma_start3A_291 = tpu.memref_slice %arg7[%dma_start3A_289, %dma_start3A_290] : memref<3x32xi32, #tpu.memory_space<vmem>> -> memref<1x32xi32, #tpu.memory_space<vmem>>
      %dma_start3A_292 = tpu.memref_squeeze %dma_start3A_291 : memref<1x32xi32, #tpu.memory_space<vmem>> -> memref<32xi32, #tpu.memory_space<vmem>>
      %dma_start3A_293 = arith.constant 0 : i32
      %dma_start3A_294 = tpu.memref_slice %arg3[%arg1, %add3A_288, %dma_start3A_293] : memref<16x627x32xi32, #tpu.memory_space<hbm>> -> memref<1x1x32xi32, #tpu.memory_space<hbm>>
      %dma_start3A_295 = tpu.memref_squeeze %dma_start3A_294 : memref<1x1x32xi32, #tpu.memory_space<hbm>> -> memref<32xi32, #tpu.memory_space<hbm>>
      %dma_start3A_296 = arith.constant 0 : i32
      %dma_start3A_297 = tpu.memref_slice %arg7[%dma_start3A_289, %dma_start3A_296] : memref<3x32xi32, #tpu.memory_space<vmem>> -> memref<1x32xi32, #tpu.memory_space<vmem>>
      %dma_start3A_298 = tpu.memref_squeeze %dma_start3A_297 : memref<1x32xi32, #tpu.memory_space<vmem>> -> memref<32xi32, #tpu.memory_space<vmem>>
      %dma_start3A_299 = arith.constant 0 : i32
      %dma_start3A_300 = tpu.memref_slice %arg3[%arg1, %add3A_288, %dma_start3A_299] : memref<16x627x32xi32, #tpu.memory_space<hbm>> -> memref<1x1x32xi32, #tpu.memory_space<hbm>>
      %dma_start3A_301 = tpu.memref_squeeze %dma_start3A_300 : memref<1x1x32xi32, #tpu.memory_space<hbm>> -> memref<32xi32, #tpu.memory_space<hbm>>
      tpu.enqueue_dma source(%dma_start3A_301 : memref<32xi32, #tpu.memory_space<hbm>>) target(%dma_start3A_298 : memref<32xi32, #tpu.memory_space<vmem>>) target_semaphore(%arg16 : memref<!tpu.dma_semaphore, #tpu.memory_space<semaphore_mem>>)
      %dma_start3A_302 = arith.constant 0 : i32
      %dma_start3A_303 = arith.constant 0 : i32
      %dma_start3A_304 = tpu.memref_slice %arg8[%dma_start3A_302, %dma_start3A_303] : memref<3x32xi32, #tpu.memory_space<vmem>> -> memref<1x32xi32, #tpu.memory_space<vmem>>
      %dma_start3A_305 = tpu.memref_squeeze %dma_start3A_304 : memref<1x32xi32, #tpu.memory_space<vmem>> -> memref<32xi32, #tpu.memory_space<vmem>>
      %dma_start3A_306 = arith.constant 0 : i32
      %dma_start3A_307 = tpu.memref_slice %arg4[%arg1, %add3A_288, %dma_start3A_306] : memref<16x627x32xi32, #tpu.memory_space<hbm>> -> memref<1x1x32xi32, #tpu.memory_space<hbm>>
      %dma_start3A_308 = tpu.memref_squeeze %dma_start3A_307 : memref<1x1x32xi32, #tpu.memory_space<hbm>> -> memref<32xi32, #tpu.memory_space<hbm>>
      %dma_start3A_309 = arith.constant 0 : i32
      %dma_start3A_310 = tpu.memref_slice %arg8[%dma_start3A_302, %dma_start3A_309] : memref<3x32xi32, #tpu.memory_space<vmem>> -> memref<1x32xi32, #tpu.memory_space<vmem>>
      %dma_start3A_311 = tpu.memref_squeeze %dma_start3A_310 : memref<1x32xi32, #tpu.memory_space<vmem>> -> memref<32xi32, #tpu.memory_space<vmem>>
      %dma_start3A_312 = arith.constant 0 : i32
      %dma_start3A_313 = tpu.memref_slice %arg4[%arg1, %add3A_288, %dma_start3A_312] : memref<16x627x32xi32, #tpu.memory_space<hbm>> -> memref<1x1x32xi32, #tpu.memory_space<hbm>>
      %dma_start3A_314 = tpu.memref_squeeze %dma_start3A_313 : memref<1x1x32xi32, #tpu.memory_space<hbm>> -> memref<32xi32, #tpu.memory_space<hbm>>
      tpu.enqueue_dma source(%dma_start3A_314 : memref<32xi32, #tpu.memory_space<hbm>>) target(%dma_start3A_311 : memref<32xi32, #tpu.memory_space<vmem>>) target_semaphore(%arg16 : memref<!tpu.dma_semaphore, #tpu.memory_space<semaphore_mem>>)
      %dma_wait3A_315 = arith.constant 0 : i32
      %dma_wait3A_316 = arith.constant 0 : i32
      %dma_wait3A_317 = tpu.memref_slice %arg7[%dma_wait3A_315, %dma_wait3A_316] : memref<3x32xi32, #tpu.memory_space<vmem>> -> memref<1x32xi32, #tpu.memory_space<vmem>>
      %dma_wait3A_318 = tpu.memref_squeeze %dma_wait3A_317 : memref<1x32xi32, #tpu.memory_space<vmem>> -> memref<32xi32, #tpu.memory_space<vmem>>
      %dma_wait3A_319 = arith.constant 0 : i32
      %dma_wait3A_320 = tpu.memref_slice %arg3[%arg1, %add3A_288, %dma_wait3A_319] : memref<16x627x32xi32, #tpu.memory_space<hbm>> -> memref<1x1x32xi32, #tpu.memory_space<hbm>>
      %dma_wait3A_321 = tpu.memref_squeeze %dma_wait3A_320 : memref<1x1x32xi32, #tpu.memory_space<hbm>> -> memref<32xi32, #tpu.memory_space<hbm>>
      %dma_wait3A_322 = arith.constant 0 : i32
      %dma_wait3A_323 = tpu.memref_slice %arg7[%dma_wait3A_315, %dma_wait3A_322] : memref<3x32xi32, #tpu.memory_space<vmem>> -> memref<1x32xi32, #tpu.memory_space<vmem>>
      %dma_wait3A_324 = tpu.memref_squeeze %dma_wait3A_323 : memref<1x32xi32, #tpu.memory_space<vmem>> -> memref<32xi32, #tpu.memory_space<vmem>>
      %dma_wait3A_325 = arith.constant 0 : i32
      %dma_wait3A_326 = tpu.memref_slice %arg3[%arg1, %add3A_288, %dma_wait3A_325] : memref<16x627x32xi32, #tpu.memory_space<hbm>> -> memref<1x1x32xi32, #tpu.memory_space<hbm>>
      %dma_wait3A_327 = tpu.memref_squeeze %dma_wait3A_326 : memref<1x1x32xi32, #tpu.memory_space<hbm>> -> memref<32xi32, #tpu.memory_space<hbm>>
      tpu.wait_dma2 semaphore(%arg16 : memref<!tpu.dma_semaphore, #tpu.memory_space<semaphore_mem>>) src(%dma_wait3A_327 : memref<32xi32, #tpu.memory_space<hbm>>) dst(%dma_wait3A_324 : memref<32xi32, #tpu.memory_space<vmem>>)
      %dma_wait3A_328 = arith.constant 0 : i32
      %dma_wait3A_329 = arith.constant 0 : i32
      %dma_wait3A_330 = tpu.memref_slice %arg8[%dma_wait3A_328, %dma_wait3A_329] : memref<3x32xi32, #tpu.memory_space<vmem>> -> memref<1x32xi32, #tpu.memory_space<vmem>>
      %dma_wait3A_331 = tpu.memref_squeeze %dma_wait3A_330 : memref<1x32xi32, #tpu.memory_space<vmem>> -> memref<32xi32, #tpu.memory_space<vmem>>
      %dma_wait3A_332 = arith.constant 0 : i32
      %dma_wait3A_333 = tpu.memref_slice %arg4[%arg1, %add3A_288, %dma_wait3A_332] : memref<16x627x32xi32, #tpu.memory_space<hbm>> -> memref<1x1x32xi32, #tpu.memory_space<hbm>>
      %dma_wait3A_334 = tpu.memref_squeeze %dma_wait3A_333 : memref<1x1x32xi32, #tpu.memory_space<hbm>> -> memref<32xi32, #tpu.memory_space<hbm>>
      %dma_wait3A_335 = arith.constant 0 : i32
      %dma_wait3A_336 = tpu.memref_slice %arg8[%dma_wait3A_328, %dma_wait3A_335] : memref<3x32xi32, #tpu.memory_space<vmem>> -> memref<1x32xi32, #tpu.memory_space<vmem>>
      %dma_wait3A_337 = tpu.memref_squeeze %dma_wait3A_336 : memref<1x32xi32, #tpu.memory_space<vmem>> -> memref<32xi32, #tpu.memory_space<vmem>>
      %dma_wait3A_338 = arith.constant 0 : i32
      %dma_wait3A_339 = tpu.memref_slice %arg4[%arg1, %add3A_288, %dma_wait3A_338] : memref<16x627x32xi32, #tpu.memory_space<hbm>> -> memref<1x1x32xi32, #tpu.memory_space<hbm>>
      %dma_wait3A_340 = tpu.memref_squeeze %dma_wait3A_339 : memref<1x1x32xi32, #tpu.memory_space<hbm>> -> memref<32xi32, #tpu.memory_space<hbm>>
      tpu.wait_dma2 semaphore(%arg16 : memref<!tpu.dma_semaphore, #tpu.memory_space<semaphore_mem>>) src(%dma_wait3A_340 : memref<32xi32, #tpu.memory_space<hbm>>) dst(%dma_wait3A_337 : memref<32xi32, #tpu.memory_space<vmem>>)
      %scan3A_341 = arith.constant 0 : i32
      %scan3A_342 = arith.constant 2 : i32
      %scan3A_343 = arith.addi %scan3A_341, %scan3A_342 : i32
      %scan3A_344 = arith.constant 1 : i32
      scf.for %scan3A_511 = %scan3A_341 to %scan3A_343 step %scan3A_344  : i32 {
        %mul3A_512 = arith.constant 1 : i32
        %mul3A_513 = arith.muli %scan3A_511, %mul3A_512 : i32
        %add3A_514 = arith.constant 0 : i32
        %add3A_515 = arith.addi %add3A_514, %mul3A_513 : i32
        %mul3A_516 = arith.constant 16 : i32
        %mul3A_517 = arith.muli %add3A_515, %mul3A_516 : i32
        %get3A = arith.constant 0 : i32
        %get3A_518 = arith.index_cast %get3A : i32 to index
        %get3A_519 = arith.index_cast %mul3A_517 : i32 to index
        %get3A_520 = tpu.vector_load %arg8[%get3A_518, %get3A_519] {strides = array<i32>} : memref<3x32xi32, #tpu.memory_space<vmem>>, vector<16xi32>,
        %sub3A = vector.broadcast %mul3A_0 : i32 to vector<16xi32>
        %sub3A_521 = arith.subi %get3A_520, %sub3A : vector<16xi32>
        %ge3A = arith.constant 0 : i32
        %ge3A_522 = vector.broadcast %ge3A : i32 to vector<16xi32>
        %ge3A_523 = arith.cmpi sge, %sub3A_521, %ge3A_522 : vector<16xi32>
        %lt3A_524 = arith.constant 5000 : i32
        %lt3A_525 = vector.broadcast %lt3A_524 : i32 to vector<16xi32>
        %lt3A_526 = arith.cmpi slt, %sub3A_521, %lt3A_525 : vector<16xi32>
        %and3A = arith.andi %ge3A_523, %lt3A_526 : vector<16xi1>
        %jit3A = arith.constant 5000 : i32
        %broadcast_in_dim3A_527 = vector.broadcast %jit3A : i32 to vector<16xi32>
        %select_n3A = arith.select %and3A, %sub3A_521, %broadcast_in_dim3A_527 : vector<16xi1>, vector<16xi32>
        %mul3A_528 = arith.constant 16 : i32
        %mul3A_529 = arith.muli %add3A_515, %mul3A_528 : i32
        %swap3A = arith.constant 0 : i32
        %swap3A_530 = arith.index_cast %swap3A : i32 to index
        %swap3A_531 = arith.index_cast %mul3A_529 : i32 to index
        %swap3A_532 = tpu.vector_load %arg8[%swap3A_530, %swap3A_531] {strides = array<i32>} : memref<3x32xi32, #tpu.memory_space<vmem>>, vector<16xi32>,
        tpu.vector_store %arg8[%swap3A_530, %swap3A_531], %select_n3A {strides = array<i32>} : memref<3x32xi32, #tpu.memory_space<vmem>>, vector<16xi32>,
      }
      %scan3A_345 = arith.constant 2 : i32
      %dma_start3A_346 = arith.constant 0 : i32
      %dma_start3A_347 = arith.constant 0 : i32
      %dma_start3A_348 = tpu.memref_slice %arg7[%dma_start3A_346, %dma_start3A_347] : memref<3x32xi32, #tpu.memory_space<vmem>> -> memref<1x32xi32, #tpu.memory_space<vmem>>
      %dma_start3A_349 = tpu.memref_squeeze %dma_start3A_348 : memref<1x32xi32, #tpu.memory_space<vmem>> -> memref<32xi32, #tpu.memory_space<vmem>>
      %dma_start3A_350 = arith.constant 0 : i32
      %dma_start3A_351 = arith.constant 0 : i32
      %dma_start3A_352 = tpu.memref_slice %arg2[%dma_start3A_350, %dma_start3A_351] : memref<10000x128xf32, #tpu.memory_space<hbm>> -> memref<10000x128xf32, #tpu.memory_space<hbm>>
      tpu.enqueue_indirect_dma source(%dma_start3A_352 : memref<10000x128xf32, #tpu.memory_space<hbm>>) target(%arg9 : memref<32x128xf32, #tpu.memory_space<vmem>>) offsets(%dma_start3A_349 : memref<32xi32, #tpu.memory_space<vmem>>) semaphore(%arg13 : memref<!tpu.dma_semaphore, #tpu.memory_space<semaphore_mem>>)
      %dma_wait3A_353 = arith.constant 1 : i32
      %dma_wait3A_354 = arith.constant 0 : i32
      %dma_wait3A_355 = tpu.memref_slice %arg7[%dma_wait3A_353, %dma_wait3A_354] : memref<3x32xi32, #tpu.memory_space<vmem>> -> memref<1x32xi32, #tpu.memory_space<vmem>>
      %dma_wait3A_356 = tpu.memref_squeeze %dma_wait3A_355 : memref<1x32xi32, #tpu.memory_space<vmem>> -> memref<32xi32, #tpu.memory_space<vmem>>
      %dma_wait3A_357 = arith.constant 0 : i32
      %dma_wait3A_358 = arith.constant 0 : i32
      %dma_wait3A_359 = tpu.memref_slice %arg2[%dma_wait3A_357, %dma_wait3A_358] : memref<10000x128xf32, #tpu.memory_space<hbm>> -> memref<10000x128xf32, #tpu.memory_space<hbm>>
      tpu.wait_indirect_dma semaphore(%arg14 : memref<!tpu.dma_semaphore, #tpu.memory_space<semaphore_mem>>) src(%dma_wait3A_359 : memref<10000x128xf32, #tpu.memory_space<hbm>>) dst(%arg10 : memref<32x128xf32, #tpu.memory_space<vmem>>)
      %run_scoped3A_360 = arith.constant 1 : i32
      "tpu.region"() ({
        %run_scoped3A_511 = tpu.sem_alloc : memref<!tpu.dma_semaphore, #tpu.memory_space<semaphore_mem>>
        %dma_start3A_512 = arith.constant 0 : i32
        %dma_start3A_513 = tpu.memref_slice %arg8[%run_scoped3A_360, %dma_start3A_512] : memref<3x32xi32, #tpu.memory_space<vmem>> -> memref<1x32xi32, #tpu.memory_space<vmem>>
        %dma_start3A_514 = tpu.memref_squeeze %dma_start3A_513 : memref<1x32xi32, #tpu.memory_space<vmem>> -> memref<32xi32, #tpu.memory_space<vmem>>
        %dma_start3A_515 = arith.constant 0 : i32
        %dma_start3A_516 = arith.constant 0 : i32
        %dma_start3A_517 = tpu.memref_slice %arg12[%dma_start3A_515, %dma_start3A_516] : memref<5008x128xf32, #tpu.memory_space<vmem_shared>> -> memref<5008x128xf32, #tpu.memory_space<vmem_shared>>
        tpu.enqueue_indirect_dma source(%arg10 : memref<32x128xf32, #tpu.memory_space<vmem>>) target(%dma_start3A_517 : memref<5008x128xf32, #tpu.memory_space<vmem_shared>>) offsets(%dma_start3A_514 : memref<32xi32, #tpu.memory_space<vmem>>) semaphore(%run_scoped3A_511 : memref<!tpu.dma_semaphore, #tpu.memory_space<semaphore_mem>>) {add = true}
        %dma_wait3A_518 = arith.constant 0 : i32
        %dma_wait3A_519 = tpu.memref_slice %arg8[%run_scoped3A_360, %dma_wait3A_518] : memref<3x32xi32, #tpu.memory_space<vmem>> -> memref<1x32xi32, #tpu.memory_space<vmem>>
        %dma_wait3A_520 = tpu.memref_squeeze %dma_wait3A_519 : memref<1x32xi32, #tpu.memory_space<vmem>> -> memref<32xi32, #tpu.memory_space<vmem>>
        %dma_wait3A_521 = arith.constant 0 : i32
        %dma_wait3A_522 = arith.constant 0 : i32
        %dma_wait3A_523 = tpu.memref_slice %arg12[%dma_wait3A_521, %dma_wait3A_522] : memref<5008x128xf32, #tpu.memory_space<vmem_shared>> -> memref<5008x128xf32, #tpu.memory_space<vmem_shared>>
        tpu.wait_indirect_dma semaphore(%run_scoped3A_511 : memref<!tpu.dma_semaphore, #tpu.memory_space<semaphore_mem>>) src(%arg10 : memref<32x128xf32, #tpu.memory_space<vmem>>) dst(%dma_wait3A_523 : memref<5008x128xf32, #tpu.memory_space<vmem_shared>>)
        tpu.yield
      }) : () -> ()
      %scan3A_361 = arith.constant 0 : i32
      %scan3A_362 = arith.constant 2 : i32
      %scan3A_363 = arith.addi %scan3A_361, %scan3A_362 : i32
      %scan3A_364 = arith.constant 1 : i32
      scf.for %scan3A_511 = %scan3A_361 to %scan3A_363 step %scan3A_364  : i32 {
        %mul3A_512 = arith.constant 1 : i32
        %mul3A_513 = arith.muli %scan3A_511, %mul3A_512 : i32
        %add3A_514 = arith.constant 0 : i32
        %add3A_515 = arith.addi %add3A_514, %mul3A_513 : i32
        %mul3A_516 = arith.constant 16 : i32
        %mul3A_517 = arith.muli %add3A_515, %mul3A_516 : i32
        %get3A = arith.constant 1 : i32
        %get3A_518 = arith.index_cast %get3A : i32 to index
        %get3A_519 = arith.index_cast %mul3A_517 : i32 to index
        %get3A_520 = tpu.vector_load %arg8[%get3A_518, %get3A_519] {strides = array<i32>} : memref<3x32xi32, #tpu.memory_space<vmem>>, vector<16xi32>,
        tpu.vector_store_idx %arg19[%get3A_520], %broadcast_in_dim3A_3 {add = true} : memref<5008xf32, #tpu.memory_space<vmem>>[vector<16xi32>], vector<16xf32>,
      }
      %scan3A_365 = arith.constant 2 : i32
      %add3A_366 = arith.constant 4 : i32
      %add3A_367 = arith.addi %add3A_273, %add3A_366 : i32
      %dma_start3A_368 = arith.constant 1 : i32
      %dma_start3A_369 = arith.constant 0 : i32
      %dma_start3A_370 = tpu.memref_slice %arg7[%dma_start3A_368, %dma_start3A_369] : memref<3x32xi32, #tpu.memory_space<vmem>> -> memref<1x32xi32, #tpu.memory_space<vmem>>
      %dma_start3A_371 = tpu.memref_squeeze %dma_start3A_370 : memref<1x32xi32, #tpu.memory_space<vmem>> -> memref<32xi32, #tpu.memory_space<vmem>>
      %dma_start3A_372 = arith.constant 0 : i32
      %dma_start3A_373 = tpu.memref_slice %arg3[%arg1, %add3A_367, %dma_start3A_372] : memref<16x627x32xi32, #tpu.memory_space<hbm>> -> memref<1x1x32xi32, #tpu.memory_space<hbm>>
      %dma_start3A_374 = tpu.memref_squeeze %dma_start3A_373 : memref<1x1x32xi32, #tpu.memory_space<hbm>> -> memref<32xi32, #tpu.memory_space<hbm>>
      %dma_start3A_375 = arith.constant 0 : i32
      %dma_start3A_376 = tpu.memref_slice %arg7[%dma_start3A_368, %dma_start3A_375] : memref<3x32xi32, #tpu.memory_space<vmem>> -> memref<1x32xi32, #tpu.memory_space<vmem>>
      %dma_start3A_377 = tpu.memref_squeeze %dma_start3A_376 : memref<1x32xi32, #tpu.memory_space<vmem>> -> memref<32xi32, #tpu.memory_space<vmem>>
      %dma_start3A_378 = arith.constant 0 : i32
      %dma_start3A_379 = tpu.memref_slice %arg3[%arg1, %add3A_367, %dma_start3A_378] : memref<16x627x32xi32, #tpu.memory_space<hbm>> -> memref<1x1x32xi32, #tpu.memory_space<hbm>>
      %dma_start3A_380 = tpu.memref_squeeze %dma_start3A_379 : memref<1x1x32xi32, #tpu.memory_space<hbm>> -> memref<32xi32, #tpu.memory_space<hbm>>
      tpu.enqueue_dma source(%dma_start3A_380 : memref<32xi32, #tpu.memory_space<hbm>>) target(%dma_start3A_377 : memref<32xi32, #tpu.memory_space<vmem>>) target_semaphore(%arg17 : memref<!tpu.dma_semaphore, #tpu.memory_space<semaphore_mem>>)
      %dma_start3A_381 = arith.constant 1 : i32
      %dma_start3A_382 = arith.constant 0 : i32
      %dma_start3A_383 = tpu.memref_slice %arg8[%dma_start3A_381, %dma_start3A_382] : memref<3x32xi32, #tpu.memory_space<vmem>> -> memref<1x32xi32, #tpu.memory_space<vmem>>
      %dma_start3A_384 = tpu.memref_squeeze %dma_start3A_383 : memref<1x32xi32, #tpu.memory_space<vmem>> -> memref<32xi32, #tpu.memory_space<vmem>>
      %dma_start3A_385 = arith.constant 0 : i32
      %dma_start3A_386 = tpu.memref_slice %arg4[%arg1, %add3A_367, %dma_start3A_385] : memref<16x627x32xi32, #tpu.memory_space<hbm>> -> memref<1x1x32xi32, #tpu.memory_space<hbm>>
      %dma_start3A_387 = tpu.memref_squeeze %dma_start3A_386 : memref<1x1x32xi32, #tpu.memory_space<hbm>> -> memref<32xi32, #tpu.memory_space<hbm>>
      %dma_start3A_388 = arith.constant 0 : i32
      %dma_start3A_389 = tpu.memref_slice %arg8[%dma_start3A_381, %dma_start3A_388] : memref<3x32xi32, #tpu.memory_space<vmem>> -> memref<1x32xi32, #tpu.memory_space<vmem>>
      %dma_start3A_390 = tpu.memref_squeeze %dma_start3A_389 : memref<1x32xi32, #tpu.memory_space<vmem>> -> memref<32xi32, #tpu.memory_space<vmem>>
      %dma_start3A_391 = arith.constant 0 : i32
      %dma_start3A_392 = tpu.memref_slice %arg4[%arg1, %add3A_367, %dma_start3A_391] : memref<16x627x32xi32, #tpu.memory_space<hbm>> -> memref<1x1x32xi32, #tpu.memory_space<hbm>>
      %dma_start3A_393 = tpu.memref_squeeze %dma_start3A_392 : memref<1x1x32xi32, #tpu.memory_space<hbm>> -> memref<32xi32, #tpu.memory_space<hbm>>
      tpu.enqueue_dma source(%dma_start3A_393 : memref<32xi32, #tpu.memory_space<hbm>>) target(%dma_start3A_390 : memref<32xi32, #tpu.memory_space<vmem>>) target_semaphore(%arg17 : memref<!tpu.dma_semaphore, #tpu.memory_space<semaphore_mem>>)
      %dma_wait3A_394 = arith.constant 1 : i32
      %dma_wait3A_395 = arith.constant 0 : i32
      %dma_wait3A_396 = tpu.memref_slice %arg7[%dma_wait3A_394, %dma_wait3A_395] : memref<3x32xi32, #tpu.memory_space<vmem>> -> memref<1x32xi32, #tpu.memory_space<vmem>>
      %dma_wait3A_397 = tpu.memref_squeeze %dma_wait3A_396 : memref<1x32xi32, #tpu.memory_space<vmem>> -> memref<32xi32, #tpu.memory_space<vmem>>
      %dma_wait3A_398 = arith.constant 0 : i32
      %dma_wait3A_399 = tpu.memref_slice %arg3[%arg1, %add3A_367, %dma_wait3A_398] : memref<16x627x32xi32, #tpu.memory_space<hbm>> -> memref<1x1x32xi32, #tpu.memory_space<hbm>>
      %dma_wait3A_400 = tpu.memref_squeeze %dma_wait3A_399 : memref<1x1x32xi32, #tpu.memory_space<hbm>> -> memref<32xi32, #tpu.memory_space<hbm>>
      %dma_wait3A_401 = arith.constant 0 : i32
      %dma_wait3A_402 = tpu.memref_slice %arg7[%dma_wait3A_394, %dma_wait3A_401] : memref<3x32xi32, #tpu.memory_space<vmem>> -> memref<1x32xi32, #tpu.memory_space<vmem>>
      %dma_wait3A_403 = tpu.memref_squeeze %dma_wait3A_402 : memref<1x32xi32, #tpu.memory_space<vmem>> -> memref<32xi32, #tpu.memory_space<vmem>>
      %dma_wait3A_404 = arith.constant 0 : i32
      %dma_wait3A_405 = tpu.memref_slice %arg3[%arg1, %add3A_367, %dma_wait3A_404] : memref<16x627x32xi32, #tpu.memory_space<hbm>> -> memref<1x1x32xi32, #tpu.memory_space<hbm>>
      %dma_wait3A_406 = tpu.memref_squeeze %dma_wait3A_405 : memref<1x1x32xi32, #tpu.memory_space<hbm>> -> memref<32xi32, #tpu.memory_space<hbm>>
      tpu.wait_dma2 semaphore(%arg17 : memref<!tpu.dma_semaphore, #tpu.memory_space<semaphore_mem>>) src(%dma_wait3A_406 : memref<32xi32, #tpu.memory_space<hbm>>) dst(%dma_wait3A_403 : memref<32xi32, #tpu.memory_space<vmem>>)
      %dma_wait3A_407 = arith.constant 1 : i32
      %dma_wait3A_408 = arith.constant 0 : i32
      %dma_wait3A_409 = tpu.memref_slice %arg8[%dma_wait3A_407, %dma_wait3A_408] : memref<3x32xi32, #tpu.memory_space<vmem>> -> memref<1x32xi32, #tpu.memory_space<vmem>>
      %dma_wait3A_410 = tpu.memref_squeeze %dma_wait3A_409 : memref<1x32xi32, #tpu.memory_space<vmem>> -> memref<32xi32, #tpu.memory_space<vmem>>
      %dma_wait3A_411 = arith.constant 0 : i32
      %dma_wait3A_412 = tpu.memref_slice %arg4[%arg1, %add3A_367, %dma_wait3A_411] : memref<16x627x32xi32, #tpu.memory_space<hbm>> -> memref<1x1x32xi32, #tpu.memory_space<hbm>>
      %dma_wait3A_413 = tpu.memref_squeeze %dma_wait3A_412 : memref<1x1x32xi32, #tpu.memory_space<hbm>> -> memref<32xi32, #tpu.memory_space<hbm>>
      %dma_wait3A_414 = arith.constant 0 : i32
      %dma_wait3A_415 = tpu.memref_slice %arg8[%dma_wait3A_407, %dma_wait3A_414] : memref<3x32xi32, #tpu.memory_space<vmem>> -> memref<1x32xi32, #tpu.memory_space<vmem>>
      %dma_wait3A_416 = tpu.memref_squeeze %dma_wait3A_415 : memref<1x32xi32, #tpu.memory_space<vmem>> -> memref<32xi32, #tpu.memory_space<vmem>>
      %dma_wait3A_417 = arith.constant 0 : i32
      %dma_wait3A_418 = tpu.memref_slice %arg4[%arg1, %add3A_367, %dma_wait3A_417] : memref<16x627x32xi32, #tpu.memory_space<hbm>> -> memref<1x1x32xi32, #tpu.memory_space<hbm>>
      %dma_wait3A_419 = tpu.memref_squeeze %dma_wait3A_418 : memref<1x1x32xi32, #tpu.memory_space<hbm>> -> memref<32xi32, #tpu.memory_space<hbm>>
      tpu.wait_dma2 semaphore(%arg17 : memref<!tpu.dma_semaphore, #tpu.memory_space<semaphore_mem>>) src(%dma_wait3A_419 : memref<32xi32, #tpu.memory_space<hbm>>) dst(%dma_wait3A_416 : memref<32xi32, #tpu.memory_space<vmem>>)
      %scan3A_420 = arith.constant 0 : i32
      %scan3A_421 = arith.constant 2 : i32
      %scan3A_422 = arith.addi %scan3A_420, %scan3A_421 : i32
      %scan3A_423 = arith.constant 1 : i32
      scf.for %scan3A_511 = %scan3A_420 to %scan3A_422 step %scan3A_423  : i32 {
        %mul3A_512 = arith.constant 1 : i32
        %mul3A_513 = arith.muli %scan3A_511, %mul3A_512 : i32
        %add3A_514 = arith.constant 0 : i32
        %add3A_515 = arith.addi %add3A_514, %mul3A_513 : i32
        %mul3A_516 = arith.constant 16 : i32
        %mul3A_517 = arith.muli %add3A_515, %mul3A_516 : i32
        %get3A = arith.constant 1 : i32
        %get3A_518 = arith.index_cast %get3A : i32 to index
        %get3A_519 = arith.index_cast %mul3A_517 : i32 to index
        %get3A_520 = tpu.vector_load %arg8[%get3A_518, %get3A_519] {strides = array<i32>} : memref<3x32xi32, #tpu.memory_space<vmem>>, vector<16xi32>,
        %sub3A = vector.broadcast %mul3A_0 : i32 to vector<16xi32>
        %sub3A_521 = arith.subi %get3A_520, %sub3A : vector<16xi32>
        %ge3A = arith.constant 0 : i32
        %ge3A_522 = vector.broadcast %ge3A : i32 to vector<16xi32>
        %ge3A_523 = arith.cmpi sge, %sub3A_521, %ge3A_522 : vector<16xi32>
        %lt3A_524 = arith.constant 5000 : i32
        %lt3A_525 = vector.broadcast %lt3A_524 : i32 to vector<16xi32>
        %lt3A_526 = arith.cmpi slt, %sub3A_521, %lt3A_525 : vector<16xi32>
        %and3A = arith.andi %ge3A_523, %lt3A_526 : vector<16xi1>
        %jit3A = arith.constant 5000 : i32
        %broadcast_in_dim3A_527 = vector.broadcast %jit3A : i32 to vector<16xi32>
        %select_n3A = arith.select %and3A, %sub3A_521, %broadcast_in_dim3A_527 : vector<16xi1>, vector<16xi32>
        %mul3A_528 = arith.constant 16 : i32
        %mul3A_529 = arith.muli %add3A_515, %mul3A_528 : i32
        %swap3A = arith.constant 1 : i32
        %swap3A_530 = arith.index_cast %swap3A : i32 to index
        %swap3A_531 = arith.index_cast %mul3A_529 : i32 to index
        %swap3A_532 = tpu.vector_load %arg8[%swap3A_530, %swap3A_531] {strides = array<i32>} : memref<3x32xi32, #tpu.memory_space<vmem>>, vector<16xi32>,
        tpu.vector_store %arg8[%swap3A_530, %swap3A_531], %select_n3A {strides = array<i32>} : memref<3x32xi32, #tpu.memory_space<vmem>>, vector<16xi32>,
      }
      %scan3A_424 = arith.constant 2 : i32
      %dma_start3A_425 = arith.constant 1 : i32
      %dma_start3A_426 = arith.constant 0 : i32
      %dma_start3A_427 = tpu.memref_slice %arg7[%dma_start3A_425, %dma_start3A_426] : memref<3x32xi32, #tpu.memory_space<vmem>> -> memref<1x32xi32, #tpu.memory_space<vmem>>
      %dma_start3A_428 = tpu.memref_squeeze %dma_start3A_427 : memref<1x32xi32, #tpu.memory_space<vmem>> -> memref<32xi32, #tpu.memory_space<vmem>>
      %dma_start3A_429 = arith.constant 0 : i32
      %dma_start3A_430 = arith.constant 0 : i32
      %dma_start3A_431 = tpu.memref_slice %arg2[%dma_start3A_429, %dma_start3A_430] : memref<10000x128xf32, #tpu.memory_space<hbm>> -> memref<10000x128xf32, #tpu.memory_space<hbm>>
      tpu.enqueue_indirect_dma source(%dma_start3A_431 : memref<10000x128xf32, #tpu.memory_space<hbm>>) target(%arg10 : memref<32x128xf32, #tpu.memory_space<vmem>>) offsets(%dma_start3A_428 : memref<32xi32, #tpu.memory_space<vmem>>) semaphore(%arg14 : memref<!tpu.dma_semaphore, #tpu.memory_space<semaphore_mem>>)
      %dma_wait3A_432 = arith.constant 2 : i32
      %dma_wait3A_433 = arith.constant 0 : i32
      %dma_wait3A_434 = tpu.memref_slice %arg7[%dma_wait3A_432, %dma_wait3A_433] : memref<3x32xi32, #tpu.memory_space<vmem>> -> memref<1x32xi32, #tpu.memory_space<vmem>>
      %dma_wait3A_435 = tpu.memref_squeeze %dma_wait3A_434 : memref<1x32xi32, #tpu.memory_space<vmem>> -> memref<32xi32, #tpu.memory_space<vmem>>
      %dma_wait3A_436 = arith.constant 0 : i32
      %dma_wait3A_437 = arith.constant 0 : i32
      %dma_wait3A_438 = tpu.memref_slice %arg2[%dma_wait3A_436, %dma_wait3A_437] : memref<10000x128xf32, #tpu.memory_space<hbm>> -> memref<10000x128xf32, #tpu.memory_space<hbm>>
      tpu.wait_indirect_dma semaphore(%arg15 : memref<!tpu.dma_semaphore, #tpu.memory_space<semaphore_mem>>) src(%dma_wait3A_438 : memref<10000x128xf32, #tpu.memory_space<hbm>>) dst(%arg11 : memref<32x128xf32, #tpu.memory_space<vmem>>)
      %run_scoped3A_439 = arith.constant 2 : i32
      "tpu.region"() ({
        %run_scoped3A_511 = tpu.sem_alloc : memref<!tpu.dma_semaphore, #tpu.memory_space<semaphore_mem>>
        %dma_start3A_512 = arith.constant 0 : i32
        %dma_start3A_513 = tpu.memref_slice %arg8[%run_scoped3A_439, %dma_start3A_512] : memref<3x32xi32, #tpu.memory_space<vmem>> -> memref<1x32xi32, #tpu.memory_space<vmem>>
        %dma_start3A_514 = tpu.memref_squeeze %dma_start3A_513 : memref<1x32xi32, #tpu.memory_space<vmem>> -> memref<32xi32, #tpu.memory_space<vmem>>
        %dma_start3A_515 = arith.constant 0 : i32
        %dma_start3A_516 = arith.constant 0 : i32
        %dma_start3A_517 = tpu.memref_slice %arg12[%dma_start3A_515, %dma_start3A_516] : memref<5008x128xf32, #tpu.memory_space<vmem_shared>> -> memref<5008x128xf32, #tpu.memory_space<vmem_shared>>
        tpu.enqueue_indirect_dma source(%arg11 : memref<32x128xf32, #tpu.memory_space<vmem>>) target(%dma_start3A_517 : memref<5008x128xf32, #tpu.memory_space<vmem_shared>>) offsets(%dma_start3A_514 : memref<32xi32, #tpu.memory_space<vmem>>) semaphore(%run_scoped3A_511 : memref<!tpu.dma_semaphore, #tpu.memory_space<semaphore_mem>>) {add = true}
        %dma_wait3A_518 = arith.constant 0 : i32
        %dma_wait3A_519 = tpu.memref_slice %arg8[%run_scoped3A_439, %dma_wait3A_518] : memref<3x32xi32, #tpu.memory_space<vmem>> -> memref<1x32xi32, #tpu.memory_space<vmem>>
        %dma_wait3A_520 = tpu.memref_squeeze %dma_wait3A_519 : memref<1x32xi32, #tpu.memory_space<vmem>> -> memref<32xi32, #tpu.memory_space<vmem>>
        %dma_wait3A_521 = arith.constant 0 : i32
        %dma_wait3A_522 = arith.constant 0 : i32
        %dma_wait3A_523 = tpu.memref_slice %arg12[%dma_wait3A_521, %dma_wait3A_522] : memref<5008x128xf32, #tpu.memory_space<vmem_shared>> -> memref<5008x128xf32, #tpu.memory_space<vmem_shared>>
        tpu.wait_indirect_dma semaphore(%run_scoped3A_511 : memref<!tpu.dma_semaphore, #tpu.memory_space<semaphore_mem>>) src(%arg11 : memref<32x128xf32, #tpu.memory_space<vmem>>) dst(%dma_wait3A_523 : memref<5008x128xf32, #tpu.memory_space<vmem_shared>>)
        tpu.yield
      }) : () -> ()
      %scan3A_440 = arith.constant 0 : i32
      %scan3A_441 = arith.constant 2 : i32
      %scan3A_442 = arith.addi %scan3A_440, %scan3A_441 : i32
      %scan3A_443 = arith.constant 1 : i32
      scf.for %scan3A_511 = %scan3A_440 to %scan3A_442 step %scan3A_443  : i32 {
        %mul3A_512 = arith.constant 1 : i32
        %mul3A_513 = arith.muli %scan3A_511, %mul3A_512 : i32
        %add3A_514 = arith.constant 0 : i32
        %add3A_515 = arith.addi %add3A_514, %mul3A_513 : i32
        %mul3A_516 = arith.constant 16 : i32
        %mul3A_517 = arith.muli %add3A_515, %mul3A_516 : i32
        %get3A = arith.constant 2 : i32
        %get3A_518 = arith.index_cast %get3A : i32 to index
        %get3A_519 = arith.index_cast %mul3A_517 : i32 to index
        %get3A_520 = tpu.vector_load %arg8[%get3A_518, %get3A_519] {strides = array<i32>} : memref<3x32xi32, #tpu.memory_space<vmem>>, vector<16xi32>,
        tpu.vector_store_idx %arg19[%get3A_520], %broadcast_in_dim3A_3 {add = true} : memref<5008xf32, #tpu.memory_space<vmem>>[vector<16xi32>], vector<16xf32>,
      }
      %scan3A_444 = arith.constant 2 : i32
      %add3A_445 = arith.constant 5 : i32
      %add3A_446 = arith.addi %add3A_273, %add3A_445 : i32
      %dma_start3A_447 = arith.constant 2 : i32
      %dma_start3A_448 = arith.constant 0 : i32
      %dma_start3A_449 = tpu.memref_slice %arg7[%dma_start3A_447, %dma_start3A_448] : memref<3x32xi32, #tpu.memory_space<vmem>> -> memref<1x32xi32, #tpu.memory_space<vmem>>
      %dma_start3A_450 = tpu.memref_squeeze %dma_start3A_449 : memref<1x32xi32, #tpu.memory_space<vmem>> -> memref<32xi32, #tpu.memory_space<vmem>>
      %dma_start3A_451 = arith.constant 0 : i32
      %dma_start3A_452 = tpu.memref_slice %arg3[%arg1, %add3A_446, %dma_start3A_451] : memref<16x627x32xi32, #tpu.memory_space<hbm>> -> memref<1x1x32xi32, #tpu.memory_space<hbm>>
      %dma_start3A_453 = tpu.memref_squeeze %dma_start3A_452 : memref<1x1x32xi32, #tpu.memory_space<hbm>> -> memref<32xi32, #tpu.memory_space<hbm>>
      %dma_start3A_454 = arith.constant 0 : i32
      %dma_start3A_455 = tpu.memref_slice %arg7[%dma_start3A_447, %dma_start3A_454] : memref<3x32xi32, #tpu.memory_space<vmem>> -> memref<1x32xi32, #tpu.memory_space<vmem>>
      %dma_start3A_456 = tpu.memref_squeeze %dma_start3A_455 : memref<1x32xi32, #tpu.memory_space<vmem>> -> memref<32xi32, #tpu.memory_space<vmem>>
      %dma_start3A_457 = arith.constant 0 : i32
      %dma_start3A_458 = tpu.memref_slice %arg3[%arg1, %add3A_446, %dma_start3A_457] : memref<16x627x32xi32, #tpu.memory_space<hbm>> -> memref<1x1x32xi32, #tpu.memory_space<hbm>>
      %dma_start3A_459 = tpu.memref_squeeze %dma_start3A_458 : memref<1x1x32xi32, #tpu.memory_space<hbm>> -> memref<32xi32, #tpu.memory_space<hbm>>
      tpu.enqueue_dma source(%dma_start3A_459 : memref<32xi32, #tpu.memory_space<hbm>>) target(%dma_start3A_456 : memref<32xi32, #tpu.memory_space<vmem>>) target_semaphore(%arg18 : memref<!tpu.dma_semaphore, #tpu.memory_space<semaphore_mem>>)
      %dma_start3A_460 = arith.constant 2 : i32
      %dma_start3A_461 = arith.constant 0 : i32
      %dma_start3A_462 = tpu.memref_slice %arg8[%dma_start3A_460, %dma_start3A_461] : memref<3x32xi32, #tpu.memory_space<vmem>> -> memref<1x32xi32, #tpu.memory_space<vmem>>
      %dma_start3A_463 = tpu.memref_squeeze %dma_start3A_462 : memref<1x32xi32, #tpu.memory_space<vmem>> -> memref<32xi32, #tpu.memory_space<vmem>>
      %dma_start3A_464 = arith.constant 0 : i32
      %dma_start3A_465 = tpu.memref_slice %arg4[%arg1, %add3A_446, %dma_start3A_464] : memref<16x627x32xi32, #tpu.memory_space<hbm>> -> memref<1x1x32xi32, #tpu.memory_space<hbm>>
      %dma_start3A_466 = tpu.memref_squeeze %dma_start3A_465 : memref<1x1x32xi32, #tpu.memory_space<hbm>> -> memref<32xi32, #tpu.memory_space<hbm>>
      %dma_start3A_467 = arith.constant 0 : i32
      %dma_start3A_468 = tpu.memref_slice %arg8[%dma_start3A_460, %dma_start3A_467] : memref<3x32xi32, #tpu.memory_space<vmem>> -> memref<1x32xi32, #tpu.memory_space<vmem>>
      %dma_start3A_469 = tpu.memref_squeeze %dma_start3A_468 : memref<1x32xi32, #tpu.memory_space<vmem>> -> memref<32xi32, #tpu.memory_space<vmem>>
      %dma_start3A_470 = arith.constant 0 : i32
      %dma_start3A_471 = tpu.memref_slice %arg4[%arg1, %add3A_446, %dma_start3A_470] : memref<16x627x32xi32, #tpu.memory_space<hbm>> -> memref<1x1x32xi32, #tpu.memory_space<hbm>>
      %dma_start3A_472 = tpu.memref_squeeze %dma_start3A_471 : memref<1x1x32xi32, #tpu.memory_space<hbm>> -> memref<32xi32, #tpu.memory_space<hbm>>
      tpu.enqueue_dma source(%dma_start3A_472 : memref<32xi32, #tpu.memory_space<hbm>>) target(%dma_start3A_469 : memref<32xi32, #tpu.memory_space<vmem>>) target_semaphore(%arg18 : memref<!tpu.dma_semaphore, #tpu.memory_space<semaphore_mem>>)
      %dma_wait3A_473 = arith.constant 2 : i32
      %dma_wait3A_474 = arith.constant 0 : i32
      %dma_wait3A_475 = tpu.memref_slice %arg7[%dma_wait3A_473, %dma_wait3A_474] : memref<3x32xi32, #tpu.memory_space<vmem>> -> memref<1x32xi32, #tpu.memory_space<vmem>>
      %dma_wait3A_476 = tpu.memref_squeeze %dma_wait3A_475 : memref<1x32xi32, #tpu.memory_space<vmem>> -> memref<32xi32, #tpu.memory_space<vmem>>
      %dma_wait3A_477 = arith.constant 0 : i32
      %dma_wait3A_478 = tpu.memref_slice %arg3[%arg1, %add3A_446, %dma_wait3A_477] : memref<16x627x32xi32, #tpu.memory_space<hbm>> -> memref<1x1x32xi32, #tpu.memory_space<hbm>>
      %dma_wait3A_479 = tpu.memref_squeeze %dma_wait3A_478 : memref<1x1x32xi32, #tpu.memory_space<hbm>> -> memref<32xi32, #tpu.memory_space<hbm>>
      %dma_wait3A_480 = arith.constant 0 : i32
      %dma_wait3A_481 = tpu.memref_slice %arg7[%dma_wait3A_473, %dma_wait3A_480] : memref<3x32xi32, #tpu.memory_space<vmem>> -> memref<1x32xi32, #tpu.memory_space<vmem>>
      %dma_wait3A_482 = tpu.memref_squeeze %dma_wait3A_481 : memref<1x32xi32, #tpu.memory_space<vmem>> -> memref<32xi32, #tpu.memory_space<vmem>>
      %dma_wait3A_483 = arith.constant 0 : i32
      %dma_wait3A_484 = tpu.memref_slice %arg3[%arg1, %add3A_446, %dma_wait3A_483] : memref<16x627x32xi32, #tpu.memory_space<hbm>> -> memref<1x1x32xi32, #tpu.memory_space<hbm>>
      %dma_wait3A_485 = tpu.memref_squeeze %dma_wait3A_484 : memref<1x1x32xi32, #tpu.memory_space<hbm>> -> memref<32xi32, #tpu.memory_space<hbm>>
      tpu.wait_dma2 semaphore(%arg18 : memref<!tpu.dma_semaphore, #tpu.memory_space<semaphore_mem>>) src(%dma_wait3A_485 : memref<32xi32, #tpu.memory_space<hbm>>) dst(%dma_wait3A_482 : memref<32xi32, #tpu.memory_space<vmem>>)
      %dma_wait3A_486 = arith.constant 2 : i32
      %dma_wait3A_487 = arith.constant 0 : i32
      %dma_wait3A_488 = tpu.memref_slice %arg8[%dma_wait3A_486, %dma_wait3A_487] : memref<3x32xi32, #tpu.memory_space<vmem>> -> memref<1x32xi32, #tpu.memory_space<vmem>>
      %dma_wait3A_489 = tpu.memref_squeeze %dma_wait3A_488 : memref<1x32xi32, #tpu.memory_space<vmem>> -> memref<32xi32, #tpu.memory_space<vmem>>
      %dma_wait3A_490 = arith.constant 0 : i32
      %dma_wait3A_491 = tpu.memref_slice %arg4[%arg1, %add3A_446, %dma_wait3A_490] : memref<16x627x32xi32, #tpu.memory_space<hbm>> -> memref<1x1x32xi32, #tpu.memory_space<hbm>>
      %dma_wait3A_492 = tpu.memref_squeeze %dma_wait3A_491 : memref<1x1x32xi32, #tpu.memory_space<hbm>> -> memref<32xi32, #tpu.memory_space<hbm>>
      %dma_wait3A_493 = arith.constant 0 : i32
      %dma_wait3A_494 = tpu.memref_slice %arg8[%dma_wait3A_486, %dma_wait3A_493] : memref<3x32xi32, #tpu.memory_space<vmem>> -> memref<1x32xi32, #tpu.memory_space<vmem>>
      %dma_wait3A_495 = tpu.memref_squeeze %dma_wait3A_494 : memref<1x32xi32, #tpu.memory_space<vmem>> -> memref<32xi32, #tpu.memory_space<vmem>>
      %dma_wait3A_496 = arith.constant 0 : i32
      %dma_wait3A_497 = tpu.memref_slice %arg4[%arg1, %add3A_446, %dma_wait3A_496] : memref<16x627x32xi32, #tpu.memory_space<hbm>> -> memref<1x1x32xi32, #tpu.memory_space<hbm>>
      %dma_wait3A_498 = tpu.memref_squeeze %dma_wait3A_497 : memref<1x1x32xi32, #tpu.memory_space<hbm>> -> memref<32xi32, #tpu.memory_space<hbm>>
      tpu.wait_dma2 semaphore(%arg18 : memref<!tpu.dma_semaphore, #tpu.memory_space<semaphore_mem>>) src(%dma_wait3A_498 : memref<32xi32, #tpu.memory_space<hbm>>) dst(%dma_wait3A_495 : memref<32xi32, #tpu.memory_space<vmem>>)
      %scan3A_499 = arith.constant 0 : i32
      %scan3A_500 = arith.constant 2 : i32
      %scan3A_501 = arith.addi %scan3A_499, %scan3A_500 : i32
      %scan3A_502 = arith.constant 1 : i32
      scf.for %scan3A_511 = %scan3A_499 to %scan3A_501 step %scan3A_502  : i32 {
        %mul3A_512 = arith.constant 1 : i32
        %mul3A_513 = arith.muli %scan3A_511, %mul3A_512 : i32
        %add3A_514 = arith.constant 0 : i32
        %add3A_515 = arith.addi %add3A_514, %mul3A_513 : i32
        %mul3A_516 = arith.constant 16 : i32
        %mul3A_517 = arith.muli %add3A_515, %mul3A_516 : i32
        %get3A = arith.constant 2 : i32
        %get3A_518 = arith.index_cast %get3A : i32 to index
        %get3A_519 = arith.index_cast %mul3A_517 : i32 to index
        %get3A_520 = tpu.vector_load %arg8[%get3A_518, %get3A_519] {strides = array<i32>} : memref<3x32xi32, #tpu.memory_space<vmem>>, vector<16xi32>,
        %sub3A = vector.broadcast %mul3A_0 : i32 to vector<16xi32>
        %sub3A_521 = arith.subi %get3A_520, %sub3A : vector<16xi32>
        %ge3A = arith.constant 0 : i32
        %ge3A_522 = vector.broadcast %ge3A : i32 to vector<16xi32>
        %ge3A_523 = arith.cmpi sge, %sub3A_521, %ge3A_522 : vector<16xi32>
        %lt3A_524 = arith.constant 5000 : i32
        %lt3A_525 = vector.broadcast %lt3A_524 : i32 to vector<16xi32>
        %lt3A_526 = arith.cmpi slt, %sub3A_521, %lt3A_525 : vector<16xi32>
        %and3A = arith.andi %ge3A_523, %lt3A_526 : vector<16xi1>
        %jit3A = arith.constant 5000 : i32
        %broadcast_in_dim3A_527 = vector.broadcast %jit3A : i32 to vector<16xi32>
        %select_n3A = arith.select %and3A, %sub3A_521, %broadcast_in_dim3A_527 : vector<16xi1>, vector<16xi32>
        %mul3A_528 = arith.constant 16 : i32
        %mul3A_529 = arith.muli %add3A_515, %mul3A_528 : i32
        %swap3A = arith.constant 2 : i32
        %swap3A_530 = arith.index_cast %swap3A : i32 to index
        %swap3A_531 = arith.index_cast %mul3A_529 : i32 to index
        %swap3A_532 = tpu.vector_load %arg8[%swap3A_530, %swap3A_531] {strides = array<i32>} : memref<3x32xi32, #tpu.memory_space<vmem>>, vector<16xi32>,
        tpu.vector_store %arg8[%swap3A_530, %swap3A_531], %select_n3A {strides = array<i32>} : memref<3x32xi32, #tpu.memory_space<vmem>>, vector<16xi32>,
      }
      %scan3A_503 = arith.constant 2 : i32
      %dma_start3A_504 = arith.constant 2 : i32
      %dma_start3A_505 = arith.constant 0 : i32
      %dma_start3A_506 = tpu.memref_slice %arg7[%dma_start3A_504, %dma_start3A_505] : memref<3x32xi32, #tpu.memory_space<vmem>> -> memref<1x32xi32, #tpu.memory_space<vmem>>
      %dma_start3A_507 = tpu.memref_squeeze %dma_start3A_506 : memref<1x32xi32, #tpu.memory_space<vmem>> -> memref<32xi32, #tpu.memory_space<vmem>>
      %dma_start3A_508 = arith.constant 0 : i32
      %dma_start3A_509 = arith.constant 0 : i32
      %dma_start3A_510 = tpu.memref_slice %arg2[%dma_start3A_508, %dma_start3A_509] : memref<10000x128xf32, #tpu.memory_space<hbm>> -> memref<10000x128xf32, #tpu.memory_space<hbm>>
      tpu.enqueue_indirect_dma source(%dma_start3A_510 : memref<10000x128xf32, #tpu.memory_space<hbm>>) target(%arg11 : memref<32x128xf32, #tpu.memory_space<vmem>>) offsets(%dma_start3A_507 : memref<32xi32, #tpu.memory_space<vmem>>) semaphore(%arg15 : memref<!tpu.dma_semaphore, #tpu.memory_space<semaphore_mem>>)
    }
    %scan3A_225 = arith.constant 208 : i32
    %dma_wait3A_226 = arith.constant 0 : i32
    %dma_wait3A_227 = arith.constant 0 : i32
    %dma_wait3A_228 = tpu.memref_slice %arg7[%dma_wait3A_226, %dma_wait3A_227] : memref<3x32xi32, #tpu.memory_space<vmem>> -> memref<1x32xi32, #tpu.memory_space<vmem>>
    %dma_wait3A_229 = tpu.memref_squeeze %dma_wait3A_228 : memref<1x32xi32, #tpu.memory_space<vmem>> -> memref<32xi32, #tpu.memory_space<vmem>>
    %dma_wait3A_230 = arith.constant 0 : i32
    %dma_wait3A_231 = arith.constant 0 : i32
    %dma_wait3A_232 = tpu.memref_slice %arg2[%dma_wait3A_230, %dma_wait3A_231] : memref<10000x128xf32, #tpu.memory_space<hbm>> -> memref<10000x128xf32, #tpu.memory_space<hbm>>
    tpu.wait_indirect_dma semaphore(%arg13 : memref<!tpu.dma_semaphore, #tpu.memory_space<semaphore_mem>>) src(%dma_wait3A_232 : memref<10000x128xf32, #tpu.memory_space<hbm>>) dst(%arg9 : memref<32x128xf32, #tpu.memory_space<vmem>>)
    %run_scoped3A = arith.constant 0 : i32
    "tpu.region"() ({
      %run_scoped3A_270 = tpu.sem_alloc : memref<!tpu.dma_semaphore, #tpu.memory_space<semaphore_mem>>
      %dma_start3A_271 = arith.constant 0 : i32
      %dma_start3A_272 = tpu.memref_slice %arg8[%run_scoped3A, %dma_start3A_271] : memref<3x32xi32, #tpu.memory_space<vmem>> -> memref<1x32xi32, #tpu.memory_space<vmem>>
      %dma_start3A_273 = tpu.memref_squeeze %dma_start3A_272 : memref<1x32xi32, #tpu.memory_space<vmem>> -> memref<32xi32, #tpu.memory_space<vmem>>
      %dma_start3A_274 = arith.constant 0 : i32
      %dma_start3A_275 = arith.constant 0 : i32
      %dma_start3A_276 = tpu.memref_slice %arg12[%dma_start3A_274, %dma_start3A_275] : memref<5008x128xf32, #tpu.memory_space<vmem_shared>> -> memref<5008x128xf32, #tpu.memory_space<vmem_shared>>
      tpu.enqueue_indirect_dma source(%arg9 : memref<32x128xf32, #tpu.memory_space<vmem>>) target(%dma_start3A_276 : memref<5008x128xf32, #tpu.memory_space<vmem_shared>>) offsets(%dma_start3A_273 : memref<32xi32, #tpu.memory_space<vmem>>) semaphore(%run_scoped3A_270 : memref<!tpu.dma_semaphore, #tpu.memory_space<semaphore_mem>>) {add = true}
      %dma_wait3A_277 = arith.constant 0 : i32
      %dma_wait3A_278 = tpu.memref_slice %arg8[%run_scoped3A, %dma_wait3A_277] : memref<3x32xi32, #tpu.memory_space<vmem>> -> memref<1x32xi32, #tpu.memory_space<vmem>>
      %dma_wait3A_279 = tpu.memref_squeeze %dma_wait3A_278 : memref<1x32xi32, #tpu.memory_space<vmem>> -> memref<32xi32, #tpu.memory_space<vmem>>
      %dma_wait3A_280 = arith.constant 0 : i32
      %dma_wait3A_281 = arith.constant 0 : i32
      %dma_wait3A_282 = tpu.memref_slice %arg12[%dma_wait3A_280, %dma_wait3A_281] : memref<5008x128xf32, #tpu.memory_space<vmem_shared>> -> memref<5008x128xf32, #tpu.memory_space<vmem_shared>>
      tpu.wait_indirect_dma semaphore(%run_scoped3A_270 : memref<!tpu.dma_semaphore, #tpu.memory_space<semaphore_mem>>) src(%arg9 : memref<32x128xf32, #tpu.memory_space<vmem>>) dst(%dma_wait3A_282 : memref<5008x128xf32, #tpu.memory_space<vmem_shared>>)
      tpu.yield
    }) : () -> ()
    %scan3A_233 = arith.constant 0 : i32
    %scan3A_234 = arith.constant 2 : i32
    %scan3A_235 = arith.addi %scan3A_233, %scan3A_234 : i32
    %scan3A_236 = arith.constant 1 : i32
    scf.for %scan3A_270 = %scan3A_233 to %scan3A_235 step %scan3A_236  : i32 {
      %mul3A_271 = arith.constant 1 : i32
      %mul3A_272 = arith.muli %scan3A_270, %mul3A_271 : i32
      %add3A = arith.constant 0 : i32
      %add3A_273 = arith.addi %add3A, %mul3A_272 : i32
      %mul3A_274 = arith.constant 16 : i32
      %mul3A_275 = arith.muli %add3A_273, %mul3A_274 : i32
      %get3A = arith.constant 0 : i32
      %get3A_276 = arith.index_cast %get3A : i32 to index
      %get3A_277 = arith.index_cast %mul3A_275 : i32 to index
      %get3A_278 = tpu.vector_load %arg8[%get3A_276, %get3A_277] {strides = array<i32>} : memref<3x32xi32, #tpu.memory_space<vmem>>, vector<16xi32>,
      tpu.vector_store_idx %arg19[%get3A_278], %broadcast_in_dim3A_3 {add = true} : memref<5008xf32, #tpu.memory_space<vmem>>[vector<16xi32>], vector<16xf32>,
    }
    %scan3A_237 = arith.constant 2 : i32
    %dma_wait3A_238 = arith.constant 1 : i32
    %dma_wait3A_239 = arith.constant 0 : i32
    %dma_wait3A_240 = tpu.memref_slice %arg7[%dma_wait3A_238, %dma_wait3A_239] : memref<3x32xi32, #tpu.memory_space<vmem>> -> memref<1x32xi32, #tpu.memory_space<vmem>>
    %dma_wait3A_241 = tpu.memref_squeeze %dma_wait3A_240 : memref<1x32xi32, #tpu.memory_space<vmem>> -> memref<32xi32, #tpu.memory_space<vmem>>
    %dma_wait3A_242 = arith.constant 0 : i32
    %dma_wait3A_243 = arith.constant 0 : i32
    %dma_wait3A_244 = tpu.memref_slice %arg2[%dma_wait3A_242, %dma_wait3A_243] : memref<10000x128xf32, #tpu.memory_space<hbm>> -> memref<10000x128xf32, #tpu.memory_space<hbm>>
    tpu.wait_indirect_dma semaphore(%arg14 : memref<!tpu.dma_semaphore, #tpu.memory_space<semaphore_mem>>) src(%dma_wait3A_244 : memref<10000x128xf32, #tpu.memory_space<hbm>>) dst(%arg10 : memref<32x128xf32, #tpu.memory_space<vmem>>)
    %run_scoped3A_245 = arith.constant 1 : i32
    "tpu.region"() ({
      %run_scoped3A_270 = tpu.sem_alloc : memref<!tpu.dma_semaphore, #tpu.memory_space<semaphore_mem>>
      %dma_start3A_271 = arith.constant 0 : i32
      %dma_start3A_272 = tpu.memref_slice %arg8[%run_scoped3A_245, %dma_start3A_271] : memref<3x32xi32, #tpu.memory_space<vmem>> -> memref<1x32xi32, #tpu.memory_space<vmem>>
      %dma_start3A_273 = tpu.memref_squeeze %dma_start3A_272 : memref<1x32xi32, #tpu.memory_space<vmem>> -> memref<32xi32, #tpu.memory_space<vmem>>
      %dma_start3A_274 = arith.constant 0 : i32
      %dma_start3A_275 = arith.constant 0 : i32
      %dma_start3A_276 = tpu.memref_slice %arg12[%dma_start3A_274, %dma_start3A_275] : memref<5008x128xf32, #tpu.memory_space<vmem_shared>> -> memref<5008x128xf32, #tpu.memory_space<vmem_shared>>
      tpu.enqueue_indirect_dma source(%arg10 : memref<32x128xf32, #tpu.memory_space<vmem>>) target(%dma_start3A_276 : memref<5008x128xf32, #tpu.memory_space<vmem_shared>>) offsets(%dma_start3A_273 : memref<32xi32, #tpu.memory_space<vmem>>) semaphore(%run_scoped3A_270 : memref<!tpu.dma_semaphore, #tpu.memory_space<semaphore_mem>>) {add = true}
      %dma_wait3A_277 = arith.constant 0 : i32
      %dma_wait3A_278 = tpu.memref_slice %arg8[%run_scoped3A_245, %dma_wait3A_277] : memref<3x32xi32, #tpu.memory_space<vmem>> -> memref<1x32xi32, #tpu.memory_space<vmem>>
      %dma_wait3A_279 = tpu.memref_squeeze %dma_wait3A_278 : memref<1x32xi32, #tpu.memory_space<vmem>> -> memref<32xi32, #tpu.memory_space<vmem>>
      %dma_wait3A_280 = arith.constant 0 : i32
      %dma_wait3A_281 = arith.constant 0 : i32
      %dma_wait3A_282 = tpu.memref_slice %arg12[%dma_wait3A_280, %dma_wait3A_281] : memref<5008x128xf32, #tpu.memory_space<vmem_shared>> -> memref<5008x128xf32, #tpu.memory_space<vmem_shared>>
      tpu.wait_indirect_dma semaphore(%run_scoped3A_270 : memref<!tpu.dma_semaphore, #tpu.memory_space<semaphore_mem>>) src(%arg10 : memref<32x128xf32, #tpu.memory_space<vmem>>) dst(%dma_wait3A_282 : memref<5008x128xf32, #tpu.memory_space<vmem_shared>>)
      tpu.yield
    }) : () -> ()
    %scan3A_246 = arith.constant 0 : i32
    %scan3A_247 = arith.constant 2 : i32
    %scan3A_248 = arith.addi %scan3A_246, %scan3A_247 : i32
    %scan3A_249 = arith.constant 1 : i32
    scf.for %scan3A_270 = %scan3A_246 to %scan3A_248 step %scan3A_249  : i32 {
      %mul3A_271 = arith.constant 1 : i32
      %mul3A_272 = arith.muli %scan3A_270, %mul3A_271 : i32
      %add3A = arith.constant 0 : i32
      %add3A_273 = arith.addi %add3A, %mul3A_272 : i32
      %mul3A_274 = arith.constant 16 : i32
      %mul3A_275 = arith.muli %add3A_273, %mul3A_274 : i32
      %get3A = arith.constant 1 : i32
      %get3A_276 = arith.index_cast %get3A : i32 to index
      %get3A_277 = arith.index_cast %mul3A_275 : i32 to index
      %get3A_278 = tpu.vector_load %arg8[%get3A_276, %get3A_277] {strides = array<i32>} : memref<3x32xi32, #tpu.memory_space<vmem>>, vector<16xi32>,
      tpu.vector_store_idx %arg19[%get3A_278], %broadcast_in_dim3A_3 {add = true} : memref<5008xf32, #tpu.memory_space<vmem>>[vector<16xi32>], vector<16xf32>,
    }
    %scan3A_250 = arith.constant 2 : i32
    %dma_wait3A_251 = arith.constant 2 : i32
    %dma_wait3A_252 = arith.constant 0 : i32
    %dma_wait3A_253 = tpu.memref_slice %arg7[%dma_wait3A_251, %dma_wait3A_252] : memref<3x32xi32, #tpu.memory_space<vmem>> -> memref<1x32xi32, #tpu.memory_space<vmem>>
    %dma_wait3A_254 = tpu.memref_squeeze %dma_wait3A_253 : memref<1x32xi32, #tpu.memory_space<vmem>> -> memref<32xi32, #tpu.memory_space<vmem>>
    %dma_wait3A_255 = arith.constant 0 : i32
    %dma_wait3A_256 = arith.constant 0 : i32
    %dma_wait3A_257 = tpu.memref_slice %arg2[%dma_wait3A_255, %dma_wait3A_256] : memref<10000x128xf32, #tpu.memory_space<hbm>> -> memref<10000x128xf32, #tpu.memory_space<hbm>>
    tpu.wait_indirect_dma semaphore(%arg15 : memref<!tpu.dma_semaphore, #tpu.memory_space<semaphore_mem>>) src(%dma_wait3A_257 : memref<10000x128xf32, #tpu.memory_space<hbm>>) dst(%arg11 : memref<32x128xf32, #tpu.memory_space<vmem>>)
    %run_scoped3A_258 = arith.constant 2 : i32
    "tpu.region"() ({
      %run_scoped3A_270 = tpu.sem_alloc : memref<!tpu.dma_semaphore, #tpu.memory_space<semaphore_mem>>
      %dma_start3A_271 = arith.constant 0 : i32
      %dma_start3A_272 = tpu.memref_slice %arg8[%run_scoped3A_258, %dma_start3A_271] : memref<3x32xi32, #tpu.memory_space<vmem>> -> memref<1x32xi32, #tpu.memory_space<vmem>>
      %dma_start3A_273 = tpu.memref_squeeze %dma_start3A_272 : memref<1x32xi32, #tpu.memory_space<vmem>> -> memref<32xi32, #tpu.memory_space<vmem>>
      %dma_start3A_274 = arith.constant 0 : i32
      %dma_start3A_275 = arith.constant 0 : i32
      %dma_start3A_276 = tpu.memref_slice %arg12[%dma_start3A_274, %dma_start3A_275] : memref<5008x128xf32, #tpu.memory_space<vmem_shared>> -> memref<5008x128xf32, #tpu.memory_space<vmem_shared>>
      tpu.enqueue_indirect_dma source(%arg11 : memref<32x128xf32, #tpu.memory_space<vmem>>) target(%dma_start3A_276 : memref<5008x128xf32, #tpu.memory_space<vmem_shared>>) offsets(%dma_start3A_273 : memref<32xi32, #tpu.memory_space<vmem>>) semaphore(%run_scoped3A_270 : memref<!tpu.dma_semaphore, #tpu.memory_space<semaphore_mem>>) {add = true}
      %dma_wait3A_277 = arith.constant 0 : i32
      %dma_wait3A_278 = tpu.memref_slice %arg8[%run_scoped3A_258, %dma_wait3A_277] : memref<3x32xi32, #tpu.memory_space<vmem>> -> memref<1x32xi32, #tpu.memory_space<vmem>>
      %dma_wait3A_279 = tpu.memref_squeeze %dma_wait3A_278 : memref<1x32xi32, #tpu.memory_space<vmem>> -> memref<32xi32, #tpu.memory_space<vmem>>
      %dma_wait3A_280 = arith.constant 0 : i32
      %dma_wait3A_281 = arith.constant 0 : i32
      %dma_wait3A_282 = tpu.memref_slice %arg12[%dma_wait3A_280, %dma_wait3A_281] : memref<5008x128xf32, #tpu.memory_space<vmem_shared>> -> memref<5008x128xf32, #tpu.memory_space<vmem_shared>>
      tpu.wait_indirect_dma semaphore(%run_scoped3A_270 : memref<!tpu.dma_semaphore, #tpu.memory_space<semaphore_mem>>) src(%arg11 : memref<32x128xf32, #tpu.memory_space<vmem>>) dst(%dma_wait3A_282 : memref<5008x128xf32, #tpu.memory_space<vmem_shared>>)
      tpu.yield
    }) : () -> ()
    %scan3A_259 = arith.constant 0 : i32
    %scan3A_260 = arith.constant 2 : i32
    %scan3A_261 = arith.addi %scan3A_259, %scan3A_260 : i32
    %scan3A_262 = arith.constant 1 : i32
    scf.for %scan3A_270 = %scan3A_259 to %scan3A_261 step %scan3A_262  : i32 {
      %mul3A_271 = arith.constant 1 : i32
      %mul3A_272 = arith.muli %scan3A_270, %mul3A_271 : i32
      %add3A = arith.constant 0 : i32
      %add3A_273 = arith.addi %add3A, %mul3A_272 : i32
      %mul3A_274 = arith.constant 16 : i32
      %mul3A_275 = arith.muli %add3A_273, %mul3A_274 : i32
      %get3A = arith.constant 2 : i32
      %get3A_276 = arith.index_cast %get3A : i32 to index
      %get3A_277 = arith.index_cast %mul3A_275 : i32 to index
      %get3A_278 = tpu.vector_load %arg8[%get3A_276, %get3A_277] {strides = array<i32>} : memref<3x32xi32, #tpu.memory_space<vmem>>, vector<16xi32>,
      tpu.vector_store_idx %arg19[%get3A_278], %broadcast_in_dim3A_3 {add = true} : memref<5008xf32, #tpu.memory_space<vmem>>[vector<16xi32>], vector<16xf32>,
    }
    %scan3A_263 = arith.constant 2 : i32
    %barrier3A_264 = arith.constant 0 : index
    tpu.barrier barrier_id(%barrier3A_264)
    %lt3A_265 = arith.constant 5 : i32
    %lt3A_266 = arith.cmpi slt, %arg1, %lt3A_265 : i32
    %convert_element_type3A_267 = arith.extui %lt3A_266 : i1 to i32
    %cond3A_268 = arith.constant 0 : i32
    %cond3A_269 = arith.cmpi ne, %convert_element_type3A_267, %cond3A_268 : i32
    scf.if %cond3A_269 {
      %mul3A_270 = arith.constant 1000 : i32
      %mul3A_271 = arith.muli %arg1, %mul3A_270 : i32
      %mul3A_272 = arith.constant 1000 : i32
      %mul3A_273 = arith.muli %arg1, %mul3A_272 : i32
      %add3A = arith.addi %mul3A_0, %mul3A_273 : i32
      "tpu.region"() ({
        %run_scoped3A_274 = tpu.sem_alloc : memref<!tpu.dma_semaphore, #tpu.memory_space<semaphore_mem>>
        %dma_start3A_275 = arith.constant 0 : i32
        %dma_start3A_276 = tpu.memref_slice %arg5[%add3A, %dma_start3A_275] : memref<10000x128xf32, #tpu.memory_space<hbm>> -> memref<1000x128xf32, #tpu.memory_space<hbm>>
        %dma_start3A_277 = arith.constant 0 : i32
        %dma_start3A_278 = tpu.memref_slice %arg12[%mul3A_271, %dma_start3A_277] : memref<5008x128xf32, #tpu.memory_space<vmem_shared>> -> memref<1000x128xf32, #tpu.memory_space<vmem_shared>>
        tpu.enqueue_dma source(%dma_start3A_278 : memref<1000x128xf32, #tpu.memory_space<vmem_shared>>) target(%dma_start3A_276 : memref<1000x128xf32, #tpu.memory_space<hbm>>) target_semaphore(%run_scoped3A_274 : memref<!tpu.dma_semaphore, #tpu.memory_space<semaphore_mem>>)
        %dma_wait3A_279 = arith.constant 0 : i32
        %dma_wait3A_280 = tpu.memref_slice %arg5[%add3A, %dma_wait3A_279] : memref<10000x128xf32, #tpu.memory_space<hbm>> -> memref<1000x128xf32, #tpu.memory_space<hbm>>
        %dma_wait3A_281 = arith.constant 0 : i32
        %dma_wait3A_282 = tpu.memref_slice %arg12[%mul3A_271, %dma_wait3A_281] : memref<5008x128xf32, #tpu.memory_space<vmem_shared>> -> memref<1000x128xf32, #tpu.memory_space<vmem_shared>>
        tpu.wait_dma2 semaphore(%run_scoped3A_274 : memref<!tpu.dma_semaphore, #tpu.memory_space<semaphore_mem>>) src(%dma_wait3A_282 : memref<1000x128xf32, #tpu.memory_space<vmem_shared>>) dst(%dma_wait3A_280 : memref<1000x128xf32, #tpu.memory_space<hbm>>)
        tpu.yield
      }) : () -> ()
    } else {
    }
    "tpu.region"() ({
      %run_scoped3A_270 = tpu.sem_alloc : memref<!tpu.dma_semaphore, #tpu.memory_space<semaphore_mem>>
      %dma_start3A_271 = arith.constant 0 : i32
      %dma_start3A_272 = tpu.memref_slice %arg6[%arg0, %arg1, %dma_start3A_271] : memref<2x16x5008xf32, #tpu.memory_space<hbm>> -> memref<1x1x5008xf32, #tpu.memory_space<hbm>>
      %dma_start3A_273 = tpu.memref_squeeze %dma_start3A_272 : memref<1x1x5008xf32, #tpu.memory_space<hbm>> -> memref<5008xf32, #tpu.memory_space<hbm>>
      %dma_start3A_274 = arith.constant 0 : i32
      %dma_start3A_275 = tpu.memref_slice %arg6[%arg0, %arg1, %dma_start3A_274] : memref<2x16x5008xf32, #tpu.memory_space<hbm>> -> memref<1x1x5008xf32, #tpu.memory_space<hbm>>
      %dma_start3A_276 = tpu.memref_squeeze %dma_start3A_275 : memref<1x1x5008xf32, #tpu.memory_space<hbm>> -> memref<5008xf32, #tpu.memory_space<hbm>>
      tpu.enqueue_dma source(%arg19 : memref<5008xf32, #tpu.memory_space<vmem>>) target(%dma_start3A_276 : memref<5008xf32, #tpu.memory_space<hbm>>) target_semaphore(%run_scoped3A_270 : memref<!tpu.dma_semaphore, #tpu.memory_space<semaphore_mem>>)
      %dma_wait3A_277 = arith.constant 0 : i32
      %dma_wait3A_278 = tpu.memref_slice %arg6[%arg0, %arg1, %dma_wait3A_277] : memref<2x16x5008xf32, #tpu.memory_space<hbm>> -> memref<1x1x5008xf32, #tpu.memory_space<hbm>>
      %dma_wait3A_279 = tpu.memref_squeeze %dma_wait3A_278 : memref<1x1x5008xf32, #tpu.memory_space<hbm>> -> memref<5008xf32, #tpu.memory_space<hbm>>
      %dma_wait3A_280 = arith.constant 0 : i32
      %dma_wait3A_281 = tpu.memref_slice %arg6[%arg0, %arg1, %dma_wait3A_280] : memref<2x16x5008xf32, #tpu.memory_space<hbm>> -> memref<1x1x5008xf32, #tpu.memory_space<hbm>>
      %dma_wait3A_282 = tpu.memref_squeeze %dma_wait3A_281 : memref<1x1x5008xf32, #tpu.memory_space<hbm>> -> memref<5008xf32, #tpu.memory_space<hbm>>
      tpu.wait_dma2 semaphore(%run_scoped3A_270 : memref<!tpu.dma_semaphore, #tpu.memory_space<semaphore_mem>>) src(%arg19 : memref<5008xf32, #tpu.memory_space<vmem>>) dst(%dma_wait3A_282 : memref<5008xf32, #tpu.memory_space<hbm>>)
      tpu.yield
    }) : () -> ()
    return
  }
}

#map = affine_map<(d0, d1) -> (0, 0)>
#map1 = affine_map<(d0, d1) -> (0, 0, 0)>
module attributes {stable_mosaic.version = 14 : i64} {
  func.func @body(%arg0: i32, %arg1: i32, %arg2: memref<10000x128xf32, #tpu.memory_space<hbm>>, %arg3: memref<16x627x32xi32, #tpu.memory_space<hbm>>, %arg4: memref<16x627x32xi32, #tpu.memory_space<hbm>>, %arg5: memref<10000x128xf32, #tpu.memory_space<hbm>>, %arg6: memref<3x32xi32, #tpu.memory_space<vmem>>, %arg7: memref<3x32xi32, #tpu.memory_space<vmem>>, %arg8: memref<32x128xf32, #tpu.memory_space<vmem>>, %arg9: memref<32x128xf32, #tpu.memory_space<vmem>>, %arg10: memref<32x128xf32, #tpu.memory_space<vmem>>, %arg11: memref<5008x128xf32, #tpu.memory_space<vmem_shared>>, %arg12: memref<!tpu.dma_semaphore, #tpu.memory_space<semaphore_mem>>, %arg13: memref<!tpu.dma_semaphore, #tpu.memory_space<semaphore_mem>>, %arg14: memref<!tpu.dma_semaphore, #tpu.memory_space<semaphore_mem>>, %arg15: memref<!tpu.dma_semaphore, #tpu.memory_space<semaphore_mem>>, %arg16: memref<!tpu.dma_semaphore, #tpu.memory_space<semaphore_mem>>, %arg17: memref<!tpu.dma_semaphore, #tpu.memory_space<semaphore_mem>>) attributes {dimension_semantics = [#tpu.dimension_semantics<core_parallel>, #tpu.dimension_semantics<subcore_parallel>], iteration_bounds = array<i64: 2, 16>, scalar_prefetch = 0 : i64, scratch_operands = 12 : i64, tpu.core_type = #tpu.core_type<sc_vector_subcore>, window_params = [{transform_indices = #map}, {transform_indices = #map1}, {transform_indices = #map1}, {transform_indices = #map}]} {
    %mul3A = arith.constant 5000 : i32
    %mul3A_0 = arith.muli %arg0, %mul3A : i32
    %broadcast_in_dim3A = arith.constant 0.000000e+00 : f32
    %broadcast_in_dim3A_1 = vector.broadcast %broadcast_in_dim3A : f32 to vector<16xf32>
    %broadcast_in_dim3A_2 = arith.constant 1.000000e+00 : f32
    %broadcast_in_dim3A_3 = vector.broadcast %broadcast_in_dim3A_2 : f32 to vector<16xf32>
    %scan3A = arith.constant 0 : i32
    %scan3A_4 = arith.constant 32 : i32
    %scan3A_5 = arith.addi %scan3A, %scan3A_4 : i32
    %scan3A_6 = arith.constant 1 : i32
    scf.for %scan3A_250 = %scan3A to %scan3A_5 step %scan3A_6  : i32 {
      %mul3A_251 = arith.constant 1 : i32
      %mul3A_252 = arith.muli %scan3A_250, %mul3A_251 : i32
      %add3A = arith.constant 0 : i32
      %add3A_253 = arith.addi %add3A, %mul3A_252 : i32
      %scan3A_254 = arith.constant 0 : i32
      %scan3A_255 = arith.constant 8 : i32
      %scan3A_256 = arith.addi %scan3A_254, %scan3A_255 : i32
      %scan3A_257 = arith.constant 1 : i32
      scf.for %scan3A_259 = %scan3A_254 to %scan3A_256 step %scan3A_257  : i32 {
        %mul3A_260 = arith.constant 1 : i32
        %mul3A_261 = arith.muli %scan3A_259, %mul3A_260 : i32
        %add3A_262 = arith.constant 0 : i32
        %add3A_263 = arith.addi %add3A_262, %mul3A_261 : i32
        %mul3A_264 = arith.constant 16 : i32
        %mul3A_265 = arith.muli %add3A_263, %mul3A_264 : i32
        %swap3A = arith.index_cast %add3A_253 : i32 to index
        %swap3A_266 = arith.index_cast %mul3A_265 : i32 to index
        %swap3A_267 = tpu.vector_load %arg8[%swap3A, %swap3A_266] {strides = array<i32>} : memref<32x128xf32, #tpu.memory_space<vmem>>, vector<16xf32>,
        tpu.vector_store %arg8[%swap3A, %swap3A_266], %broadcast_in_dim3A_1 {strides = array<i32>} : memref<32x128xf32, #tpu.memory_space<vmem>>, vector<16xf32>,
      }
      %scan3A_258 = arith.constant 8 : i32
    }
    %scan3A_7 = arith.constant 32 : i32
    %lt3A = arith.constant 5 : i32
    %lt3A_8 = arith.cmpi slt, %arg1, %lt3A : i32
    %convert_element_type3A = arith.extui %lt3A_8 : i1 to i32
    %cond3A = arith.constant 0 : i32
    %cond3A_9 = arith.cmpi ne, %convert_element_type3A, %cond3A : i32
    scf.if %cond3A_9 {
      %scan3A_250 = arith.constant 0 : i32
      %scan3A_251 = arith.constant 31 : i32
      %scan3A_252 = arith.addi %scan3A_250, %scan3A_251 : i32
      %scan3A_253 = arith.constant 1 : i32
      scf.for %scan3A_258 = %scan3A_250 to %scan3A_252 step %scan3A_253  : i32 {
        %mul3A_259 = arith.constant 1 : i32
        %mul3A_260 = arith.muli %scan3A_258, %mul3A_259 : i32
        %add3A_261 = arith.constant 0 : i32
        %add3A_262 = arith.addi %add3A_261, %mul3A_260 : i32
        %mul3A_263 = arith.constant 1000 : i32
        %mul3A_264 = arith.muli %arg1, %mul3A_263 : i32
        %mul3A_265 = arith.constant 32 : i32
        %mul3A_266 = arith.muli %add3A_262, %mul3A_265 : i32
        %add3A_267 = arith.addi %mul3A_264, %mul3A_266 : i32
        "tpu.region"() ({
          %run_scoped3A_268 = tpu.sem_alloc : memref<!tpu.dma_semaphore, #tpu.memory_space<semaphore_mem>>
          %dma_start3A_269 = arith.constant 0 : i32
          %dma_start3A_270 = tpu.memref_slice %arg11[%add3A_267, %dma_start3A_269] : memref<5008x128xf32, #tpu.memory_space<vmem_shared>> -> memref<32x128xf32, #tpu.memory_space<vmem_shared>>
          %dma_start3A_271 = arith.constant 0 : i32
          %dma_start3A_272 = tpu.memref_slice %arg11[%add3A_267, %dma_start3A_271] : memref<5008x128xf32, #tpu.memory_space<vmem_shared>> -> memref<32x128xf32, #tpu.memory_space<vmem_shared>>
          tpu.enqueue_dma source(%arg8 : memref<32x128xf32, #tpu.memory_space<vmem>>) target(%dma_start3A_272 : memref<32x128xf32, #tpu.memory_space<vmem_shared>>) target_semaphore(%run_scoped3A_268 : memref<!tpu.dma_semaphore, #tpu.memory_space<semaphore_mem>>)
          %dma_wait3A_273 = arith.constant 0 : i32
          %dma_wait3A_274 = tpu.memref_slice %arg11[%add3A_267, %dma_wait3A_273] : memref<5008x128xf32, #tpu.memory_space<vmem_shared>> -> memref<32x128xf32, #tpu.memory_space<vmem_shared>>
          %dma_wait3A_275 = arith.constant 0 : i32
          %dma_wait3A_276 = tpu.memref_slice %arg11[%add3A_267, %dma_wait3A_275] : memref<5008x128xf32, #tpu.memory_space<vmem_shared>> -> memref<32x128xf32, #tpu.memory_space<vmem_shared>>
          tpu.wait_dma2 semaphore(%run_scoped3A_268 : memref<!tpu.dma_semaphore, #tpu.memory_space<semaphore_mem>>) src(%arg8 : memref<32x128xf32, #tpu.memory_space<vmem>>) dst(%dma_wait3A_276 : memref<32x128xf32, #tpu.memory_space<vmem_shared>>)
          tpu.yield
        }) : () -> ()
      }
      %scan3A_254 = arith.constant 31 : i32
      %mul3A_255 = arith.constant 1000 : i32
      %mul3A_256 = arith.muli %arg1, %mul3A_255 : i32
      %add3A = arith.constant 992 : i32
      %add3A_257 = arith.addi %mul3A_256, %add3A : i32
      "tpu.region"() ({
        %run_scoped3A_258 = tpu.sem_alloc : memref<!tpu.dma_semaphore, #tpu.memory_space<semaphore_mem>>
        %dma_start3A_259 = arith.constant 0 : i32
        %dma_start3A_260 = arith.constant 0 : i32
        %dma_start3A_261 = tpu.memref_slice %arg8[%dma_start3A_259, %dma_start3A_260] : memref<32x128xf32, #tpu.memory_space<vmem>> -> memref<8x128xf32, #tpu.memory_space<vmem>>
        %dma_start3A_262 = arith.constant 0 : i32
        %dma_start3A_263 = tpu.memref_slice %arg11[%add3A_257, %dma_start3A_262] : memref<5008x128xf32, #tpu.memory_space<vmem_shared>> -> memref<8x128xf32, #tpu.memory_space<vmem_shared>>
        %dma_start3A_264 = arith.constant 0 : i32
        %dma_start3A_265 = tpu.memref_slice %arg11[%add3A_257, %dma_start3A_264] : memref<5008x128xf32, #tpu.memory_space<vmem_shared>> -> memref<8x128xf32, #tpu.memory_space<vmem_shared>>
        %dma_start3A_266 = arith.constant 0 : i32
        %dma_start3A_267 = arith.constant 0 : i32
        %dma_start3A_268 = tpu.memref_slice %arg8[%dma_start3A_266, %dma_start3A_267] : memref<32x128xf32, #tpu.memory_space<vmem>> -> memref<8x128xf32, #tpu.memory_space<vmem>>
        tpu.enqueue_dma source(%dma_start3A_268 : memref<8x128xf32, #tpu.memory_space<vmem>>) target(%dma_start3A_265 : memref<8x128xf32, #tpu.memory_space<vmem_shared>>) target_semaphore(%run_scoped3A_258 : memref<!tpu.dma_semaphore, #tpu.memory_space<semaphore_mem>>)
        %dma_wait3A_269 = arith.constant 0 : i32
        %dma_wait3A_270 = arith.constant 0 : i32
        %dma_wait3A_271 = tpu.memref_slice %arg8[%dma_wait3A_269, %dma_wait3A_270] : memref<32x128xf32, #tpu.memory_space<vmem>> -> memref<8x128xf32, #tpu.memory_space<vmem>>
        %dma_wait3A_272 = arith.constant 0 : i32
        %dma_wait3A_273 = tpu.memref_slice %arg11[%add3A_257, %dma_wait3A_272] : memref<5008x128xf32, #tpu.memory_space<vmem_shared>> -> memref<8x128xf32, #tpu.memory_space<vmem_shared>>
        %dma_wait3A_274 = arith.constant 0 : i32
        %dma_wait3A_275 = tpu.memref_slice %arg11[%add3A_257, %dma_wait3A_274] : memref<5008x128xf32, #tpu.memory_space<vmem_shared>> -> memref<8x128xf32, #tpu.memory_space<vmem_shared>>
        %dma_wait3A_276 = arith.constant 0 : i32
        %dma_wait3A_277 = arith.constant 0 : i32
        %dma_wait3A_278 = tpu.memref_slice %arg8[%dma_wait3A_276, %dma_wait3A_277] : memref<32x128xf32, #tpu.memory_space<vmem>> -> memref<8x128xf32, #tpu.memory_space<vmem>>
        tpu.wait_dma2 semaphore(%run_scoped3A_258 : memref<!tpu.dma_semaphore, #tpu.memory_space<semaphore_mem>>) src(%dma_wait3A_278 : memref<8x128xf32, #tpu.memory_space<vmem>>) dst(%dma_wait3A_275 : memref<8x128xf32, #tpu.memory_space<vmem_shared>>)
        tpu.yield
      }) : () -> ()
    } else {
    }
    %eq3A = arith.constant 5 : i32
    %eq3A_10 = arith.cmpi eq, %arg1, %eq3A : i32
    %convert_element_type3A_11 = arith.extui %eq3A_10 : i1 to i32
    %cond3A_12 = arith.constant 0 : i32
    %cond3A_13 = arith.cmpi ne, %convert_element_type3A_11, %cond3A_12 : i32
    scf.if %cond3A_13 {
      "tpu.region"() ({
        %run_scoped3A_250 = tpu.sem_alloc : memref<!tpu.dma_semaphore, #tpu.memory_space<semaphore_mem>>
        %dma_start3A_251 = arith.constant 0 : i32
        %dma_start3A_252 = arith.constant 0 : i32
        %dma_start3A_253 = tpu.memref_slice %arg8[%dma_start3A_251, %dma_start3A_252] : memref<32x128xf32, #tpu.memory_space<vmem>> -> memref<8x128xf32, #tpu.memory_space<vmem>>
        %dma_start3A_254 = arith.constant 5000 : i32
        %dma_start3A_255 = arith.constant 0 : i32
        %dma_start3A_256 = tpu.memref_slice %arg11[%dma_start3A_254, %dma_start3A_255] : memref<5008x128xf32, #tpu.memory_space<vmem_shared>> -> memref<8x128xf32, #tpu.memory_space<vmem_shared>>
        %dma_start3A_257 = arith.constant 5000 : i32
        %dma_start3A_258 = arith.constant 0 : i32
        %dma_start3A_259 = tpu.memref_slice %arg11[%dma_start3A_257, %dma_start3A_258] : memref<5008x128xf32, #tpu.memory_space<vmem_shared>> -> memref<8x128xf32, #tpu.memory_space<vmem_shared>>
        %dma_start3A_260 = arith.constant 0 : i32
        %dma_start3A_261 = arith.constant 0 : i32
        %dma_start3A_262 = tpu.memref_slice %arg8[%dma_start3A_260, %dma_start3A_261] : memref<32x128xf32, #tpu.memory_space<vmem>> -> memref<8x128xf32, #tpu.memory_space<vmem>>
        tpu.enqueue_dma source(%dma_start3A_262 : memref<8x128xf32, #tpu.memory_space<vmem>>) target(%dma_start3A_259 : memref<8x128xf32, #tpu.memory_space<vmem_shared>>) target_semaphore(%run_scoped3A_250 : memref<!tpu.dma_semaphore, #tpu.memory_space<semaphore_mem>>)
        %dma_wait3A_263 = arith.constant 0 : i32
        %dma_wait3A_264 = arith.constant 0 : i32
        %dma_wait3A_265 = tpu.memref_slice %arg8[%dma_wait3A_263, %dma_wait3A_264] : memref<32x128xf32, #tpu.memory_space<vmem>> -> memref<8x128xf32, #tpu.memory_space<vmem>>
        %dma_wait3A_266 = arith.constant 5000 : i32
        %dma_wait3A_267 = arith.constant 0 : i32
        %dma_wait3A_268 = tpu.memref_slice %arg11[%dma_wait3A_266, %dma_wait3A_267] : memref<5008x128xf32, #tpu.memory_space<vmem_shared>> -> memref<8x128xf32, #tpu.memory_space<vmem_shared>>
        %dma_wait3A_269 = arith.constant 5000 : i32
        %dma_wait3A_270 = arith.constant 0 : i32
        %dma_wait3A_271 = tpu.memref_slice %arg11[%dma_wait3A_269, %dma_wait3A_270] : memref<5008x128xf32, #tpu.memory_space<vmem_shared>> -> memref<8x128xf32, #tpu.memory_space<vmem_shared>>
        %dma_wait3A_272 = arith.constant 0 : i32
        %dma_wait3A_273 = arith.constant 0 : i32
        %dma_wait3A_274 = tpu.memref_slice %arg8[%dma_wait3A_272, %dma_wait3A_273] : memref<32x128xf32, #tpu.memory_space<vmem>> -> memref<8x128xf32, #tpu.memory_space<vmem>>
        tpu.wait_dma2 semaphore(%run_scoped3A_250 : memref<!tpu.dma_semaphore, #tpu.memory_space<semaphore_mem>>) src(%dma_wait3A_274 : memref<8x128xf32, #tpu.memory_space<vmem>>) dst(%dma_wait3A_271 : memref<8x128xf32, #tpu.memory_space<vmem_shared>>)
        tpu.yield
      }) : () -> ()
    } else {
    }
    %barrier3A = arith.constant 0 : index
    tpu.barrier barrier_id(%barrier3A)
    %dma_start3A = arith.constant 0 : i32
    %dma_start3A_14 = arith.constant 0 : i32
    %dma_start3A_15 = arith.constant 0 : i32
    %dma_start3A_16 = tpu.memref_slice %arg6[%dma_start3A_14, %dma_start3A_15] : memref<3x32xi32, #tpu.memory_space<vmem>> -> memref<1x32xi32, #tpu.memory_space<vmem>>
    %dma_start3A_17 = tpu.memref_squeeze %dma_start3A_16 : memref<1x32xi32, #tpu.memory_space<vmem>> -> memref<32xi32, #tpu.memory_space<vmem>>
    %dma_start3A_18 = arith.constant 0 : i32
    %dma_start3A_19 = tpu.memref_slice %arg3[%arg1, %dma_start3A, %dma_start3A_18] : memref<16x627x32xi32, #tpu.memory_space<hbm>> -> memref<1x1x32xi32, #tpu.memory_space<hbm>>
    %dma_start3A_20 = tpu.memref_squeeze %dma_start3A_19 : memref<1x1x32xi32, #tpu.memory_space<hbm>> -> memref<32xi32, #tpu.memory_space<hbm>>
    %dma_start3A_21 = arith.constant 0 : i32
    %dma_start3A_22 = tpu.memref_slice %arg6[%dma_start3A_14, %dma_start3A_21] : memref<3x32xi32, #tpu.memory_space<vmem>> -> memref<1x32xi32, #tpu.memory_space<vmem>>
    %dma_start3A_23 = tpu.memref_squeeze %dma_start3A_22 : memref<1x32xi32, #tpu.memory_space<vmem>> -> memref<32xi32, #tpu.memory_space<vmem>>
    %dma_start3A_24 = arith.constant 0 : i32
    %dma_start3A_25 = tpu.memref_slice %arg3[%arg1, %dma_start3A, %dma_start3A_24] : memref<16x627x32xi32, #tpu.memory_space<hbm>> -> memref<1x1x32xi32, #tpu.memory_space<hbm>>
    %dma_start3A_26 = tpu.memref_squeeze %dma_start3A_25 : memref<1x1x32xi32, #tpu.memory_space<hbm>> -> memref<32xi32, #tpu.memory_space<hbm>>
    tpu.enqueue_dma source(%dma_start3A_26 : memref<32xi32, #tpu.memory_space<hbm>>) target(%dma_start3A_23 : memref<32xi32, #tpu.memory_space<vmem>>) target_semaphore(%arg15 : memref<!tpu.dma_semaphore, #tpu.memory_space<semaphore_mem>>)
    %dma_start3A_27 = arith.constant 0 : i32
    %dma_start3A_28 = arith.constant 0 : i32
    %dma_start3A_29 = arith.constant 0 : i32
    %dma_start3A_30 = tpu.memref_slice %arg7[%dma_start3A_28, %dma_start3A_29] : memref<3x32xi32, #tpu.memory_space<vmem>> -> memref<1x32xi32, #tpu.memory_space<vmem>>
    %dma_start3A_31 = tpu.memref_squeeze %dma_start3A_30 : memref<1x32xi32, #tpu.memory_space<vmem>> -> memref<32xi32, #tpu.memory_space<vmem>>
    %dma_start3A_32 = arith.constant 0 : i32
    %dma_start3A_33 = tpu.memref_slice %arg4[%arg1, %dma_start3A_27, %dma_start3A_32] : memref<16x627x32xi32, #tpu.memory_space<hbm>> -> memref<1x1x32xi32, #tpu.memory_space<hbm>>
    %dma_start3A_34 = tpu.memref_squeeze %dma_start3A_33 : memref<1x1x32xi32, #tpu.memory_space<hbm>> -> memref<32xi32, #tpu.memory_space<hbm>>
    %dma_start3A_35 = arith.constant 0 : i32
    %dma_start3A_36 = tpu.memref_slice %arg7[%dma_start3A_28, %dma_start3A_35] : memref<3x32xi32, #tpu.memory_space<vmem>> -> memref<1x32xi32, #tpu.memory_space<vmem>>
    %dma_start3A_37 = tpu.memref_squeeze %dma_start3A_36 : memref<1x32xi32, #tpu.memory_space<vmem>> -> memref<32xi32, #tpu.memory_space<vmem>>
    %dma_start3A_38 = arith.constant 0 : i32
    %dma_start3A_39 = tpu.memref_slice %arg4[%arg1, %dma_start3A_27, %dma_start3A_38] : memref<16x627x32xi32, #tpu.memory_space<hbm>> -> memref<1x1x32xi32, #tpu.memory_space<hbm>>
    %dma_start3A_40 = tpu.memref_squeeze %dma_start3A_39 : memref<1x1x32xi32, #tpu.memory_space<hbm>> -> memref<32xi32, #tpu.memory_space<hbm>>
    tpu.enqueue_dma source(%dma_start3A_40 : memref<32xi32, #tpu.memory_space<hbm>>) target(%dma_start3A_37 : memref<32xi32, #tpu.memory_space<vmem>>) target_semaphore(%arg15 : memref<!tpu.dma_semaphore, #tpu.memory_space<semaphore_mem>>)
    %dma_wait3A = arith.constant 0 : i32
    %dma_wait3A_41 = arith.constant 0 : i32
    %dma_wait3A_42 = arith.constant 0 : i32
    %dma_wait3A_43 = tpu.memref_slice %arg6[%dma_wait3A_41, %dma_wait3A_42] : memref<3x32xi32, #tpu.memory_space<vmem>> -> memref<1x32xi32, #tpu.memory_space<vmem>>
    %dma_wait3A_44 = tpu.memref_squeeze %dma_wait3A_43 : memref<1x32xi32, #tpu.memory_space<vmem>> -> memref<32xi32, #tpu.memory_space<vmem>>
    %dma_wait3A_45 = arith.constant 0 : i32
    %dma_wait3A_46 = tpu.memref_slice %arg3[%arg1, %dma_wait3A, %dma_wait3A_45] : memref<16x627x32xi32, #tpu.memory_space<hbm>> -> memref<1x1x32xi32, #tpu.memory_space<hbm>>
    %dma_wait3A_47 = tpu.memref_squeeze %dma_wait3A_46 : memref<1x1x32xi32, #tpu.memory_space<hbm>> -> memref<32xi32, #tpu.memory_space<hbm>>
    %dma_wait3A_48 = arith.constant 0 : i32
    %dma_wait3A_49 = tpu.memref_slice %arg6[%dma_wait3A_41, %dma_wait3A_48] : memref<3x32xi32, #tpu.memory_space<vmem>> -> memref<1x32xi32, #tpu.memory_space<vmem>>
    %dma_wait3A_50 = tpu.memref_squeeze %dma_wait3A_49 : memref<1x32xi32, #tpu.memory_space<vmem>> -> memref<32xi32, #tpu.memory_space<vmem>>
    %dma_wait3A_51 = arith.constant 0 : i32
    %dma_wait3A_52 = tpu.memref_slice %arg3[%arg1, %dma_wait3A, %dma_wait3A_51] : memref<16x627x32xi32, #tpu.memory_space<hbm>> -> memref<1x1x32xi32, #tpu.memory_space<hbm>>
    %dma_wait3A_53 = tpu.memref_squeeze %dma_wait3A_52 : memref<1x1x32xi32, #tpu.memory_space<hbm>> -> memref<32xi32, #tpu.memory_space<hbm>>
    tpu.wait_dma2 semaphore(%arg15 : memref<!tpu.dma_semaphore, #tpu.memory_space<semaphore_mem>>) src(%dma_wait3A_53 : memref<32xi32, #tpu.memory_space<hbm>>) dst(%dma_wait3A_50 : memref<32xi32, #tpu.memory_space<vmem>>)
    %dma_wait3A_54 = arith.constant 0 : i32
    %dma_wait3A_55 = arith.constant 0 : i32
    %dma_wait3A_56 = arith.constant 0 : i32
    %dma_wait3A_57 = tpu.memref_slice %arg7[%dma_wait3A_55, %dma_wait3A_56] : memref<3x32xi32, #tpu.memory_space<vmem>> -> memref<1x32xi32, #tpu.memory_space<vmem>>
    %dma_wait3A_58 = tpu.memref_squeeze %dma_wait3A_57 : memref<1x32xi32, #tpu.memory_space<vmem>> -> memref<32xi32, #tpu.memory_space<vmem>>
    %dma_wait3A_59 = arith.constant 0 : i32
    %dma_wait3A_60 = tpu.memref_slice %arg4[%arg1, %dma_wait3A_54, %dma_wait3A_59] : memref<16x627x32xi32, #tpu.memory_space<hbm>> -> memref<1x1x32xi32, #tpu.memory_space<hbm>>
    %dma_wait3A_61 = tpu.memref_squeeze %dma_wait3A_60 : memref<1x1x32xi32, #tpu.memory_space<hbm>> -> memref<32xi32, #tpu.memory_space<hbm>>
    %dma_wait3A_62 = arith.constant 0 : i32
    %dma_wait3A_63 = tpu.memref_slice %arg7[%dma_wait3A_55, %dma_wait3A_62] : memref<3x32xi32, #tpu.memory_space<vmem>> -> memref<1x32xi32, #tpu.memory_space<vmem>>
    %dma_wait3A_64 = tpu.memref_squeeze %dma_wait3A_63 : memref<1x32xi32, #tpu.memory_space<vmem>> -> memref<32xi32, #tpu.memory_space<vmem>>
    %dma_wait3A_65 = arith.constant 0 : i32
    %dma_wait3A_66 = tpu.memref_slice %arg4[%arg1, %dma_wait3A_54, %dma_wait3A_65] : memref<16x627x32xi32, #tpu.memory_space<hbm>> -> memref<1x1x32xi32, #tpu.memory_space<hbm>>
    %dma_wait3A_67 = tpu.memref_squeeze %dma_wait3A_66 : memref<1x1x32xi32, #tpu.memory_space<hbm>> -> memref<32xi32, #tpu.memory_space<hbm>>
    tpu.wait_dma2 semaphore(%arg15 : memref<!tpu.dma_semaphore, #tpu.memory_space<semaphore_mem>>) src(%dma_wait3A_67 : memref<32xi32, #tpu.memory_space<hbm>>) dst(%dma_wait3A_64 : memref<32xi32, #tpu.memory_space<vmem>>)
    %scan3A_68 = arith.constant 0 : i32
    %scan3A_69 = arith.constant 2 : i32
    %scan3A_70 = arith.addi %scan3A_68, %scan3A_69 : i32
    %scan3A_71 = arith.constant 1 : i32
    scf.for %scan3A_250 = %scan3A_68 to %scan3A_70 step %scan3A_71  : i32 {
      %mul3A_251 = arith.constant 1 : i32
      %mul3A_252 = arith.muli %scan3A_250, %mul3A_251 : i32
      %add3A = arith.constant 0 : i32
      %add3A_253 = arith.addi %add3A, %mul3A_252 : i32
      %mul3A_254 = arith.constant 16 : i32
      %mul3A_255 = arith.muli %add3A_253, %mul3A_254 : i32
      %get3A = arith.constant 0 : i32
      %get3A_256 = arith.index_cast %get3A : i32 to index
      %get3A_257 = arith.index_cast %mul3A_255 : i32 to index
      %get3A_258 = tpu.vector_load %arg7[%get3A_256, %get3A_257] {strides = array<i32>} : memref<3x32xi32, #tpu.memory_space<vmem>>, vector<16xi32>,
      %sub3A = vector.broadcast %mul3A_0 : i32 to vector<16xi32>
      %sub3A_259 = arith.subi %get3A_258, %sub3A : vector<16xi32>
      %ge3A = arith.constant 0 : i32
      %ge3A_260 = vector.broadcast %ge3A : i32 to vector<16xi32>
      %ge3A_261 = arith.cmpi sge, %sub3A_259, %ge3A_260 : vector<16xi32>
      %lt3A_262 = arith.constant 5000 : i32
      %lt3A_263 = vector.broadcast %lt3A_262 : i32 to vector<16xi32>
      %lt3A_264 = arith.cmpi slt, %sub3A_259, %lt3A_263 : vector<16xi32>
      %and3A = arith.andi %ge3A_261, %lt3A_264 : vector<16xi1>
      %jit3A = arith.constant 5000 : i32
      %broadcast_in_dim3A_265 = vector.broadcast %jit3A : i32 to vector<16xi32>
      %select_n3A = arith.select %and3A, %sub3A_259, %broadcast_in_dim3A_265 : vector<16xi1>, vector<16xi32>
      %mul3A_266 = arith.constant 16 : i32
      %mul3A_267 = arith.muli %add3A_253, %mul3A_266 : i32
      %swap3A = arith.constant 0 : i32
      %swap3A_268 = arith.index_cast %swap3A : i32 to index
      %swap3A_269 = arith.index_cast %mul3A_267 : i32 to index
      %swap3A_270 = tpu.vector_load %arg7[%swap3A_268, %swap3A_269] {strides = array<i32>} : memref<3x32xi32, #tpu.memory_space<vmem>>, vector<16xi32>,
      tpu.vector_store %arg7[%swap3A_268, %swap3A_269], %select_n3A {strides = array<i32>} : memref<3x32xi32, #tpu.memory_space<vmem>>, vector<16xi32>,
    }
    %scan3A_72 = arith.constant 2 : i32
    %dma_start3A_73 = arith.constant 0 : i32
    %dma_start3A_74 = arith.constant 0 : i32
    %dma_start3A_75 = tpu.memref_slice %arg6[%dma_start3A_73, %dma_start3A_74] : memref<3x32xi32, #tpu.memory_space<vmem>> -> memref<1x32xi32, #tpu.memory_space<vmem>>
    %dma_start3A_76 = tpu.memref_squeeze %dma_start3A_75 : memref<1x32xi32, #tpu.memory_space<vmem>> -> memref<32xi32, #tpu.memory_space<vmem>>
    %dma_start3A_77 = arith.constant 0 : i32
    %dma_start3A_78 = arith.constant 0 : i32
    %dma_start3A_79 = tpu.memref_slice %arg2[%dma_start3A_77, %dma_start3A_78] : memref<10000x128xf32, #tpu.memory_space<hbm>> -> memref<10000x128xf32, #tpu.memory_space<hbm>>
    tpu.enqueue_indirect_dma source(%dma_start3A_79 : memref<10000x128xf32, #tpu.memory_space<hbm>>) target(%arg8 : memref<32x128xf32, #tpu.memory_space<vmem>>) offsets(%dma_start3A_76 : memref<32xi32, #tpu.memory_space<vmem>>) semaphore(%arg12 : memref<!tpu.dma_semaphore, #tpu.memory_space<semaphore_mem>>)
    %dma_start3A_80 = arith.constant 1 : i32
    %dma_start3A_81 = arith.constant 1 : i32
    %dma_start3A_82 = arith.constant 0 : i32
    %dma_start3A_83 = tpu.memref_slice %arg6[%dma_start3A_81, %dma_start3A_82] : memref<3x32xi32, #tpu.memory_space<vmem>> -> memref<1x32xi32, #tpu.memory_space<vmem>>
    %dma_start3A_84 = tpu.memref_squeeze %dma_start3A_83 : memref<1x32xi32, #tpu.memory_space<vmem>> -> memref<32xi32, #tpu.memory_space<vmem>>
    %dma_start3A_85 = arith.constant 0 : i32
    %dma_start3A_86 = tpu.memref_slice %arg3[%arg1, %dma_start3A_80, %dma_start3A_85] : memref<16x627x32xi32, #tpu.memory_space<hbm>> -> memref<1x1x32xi32, #tpu.memory_space<hbm>>
    %dma_start3A_87 = tpu.memref_squeeze %dma_start3A_86 : memref<1x1x32xi32, #tpu.memory_space<hbm>> -> memref<32xi32, #tpu.memory_space<hbm>>
    %dma_start3A_88 = arith.constant 0 : i32
    %dma_start3A_89 = tpu.memref_slice %arg6[%dma_start3A_81, %dma_start3A_88] : memref<3x32xi32, #tpu.memory_space<vmem>> -> memref<1x32xi32, #tpu.memory_space<vmem>>
    %dma_start3A_90 = tpu.memref_squeeze %dma_start3A_89 : memref<1x32xi32, #tpu.memory_space<vmem>> -> memref<32xi32, #tpu.memory_space<vmem>>
    %dma_start3A_91 = arith.constant 0 : i32
    %dma_start3A_92 = tpu.memref_slice %arg3[%arg1, %dma_start3A_80, %dma_start3A_91] : memref<16x627x32xi32, #tpu.memory_space<hbm>> -> memref<1x1x32xi32, #tpu.memory_space<hbm>>
    %dma_start3A_93 = tpu.memref_squeeze %dma_start3A_92 : memref<1x1x32xi32, #tpu.memory_space<hbm>> -> memref<32xi32, #tpu.memory_space<hbm>>
    tpu.enqueue_dma source(%dma_start3A_93 : memref<32xi32, #tpu.memory_space<hbm>>) target(%dma_start3A_90 : memref<32xi32, #tpu.memory_space<vmem>>) target_semaphore(%arg16 : memref<!tpu.dma_semaphore, #tpu.memory_space<semaphore_mem>>)
    %dma_start3A_94 = arith.constant 1 : i32
    %dma_start3A_95 = arith.constant 1 : i32
    %dma_start3A_96 = arith.constant 0 : i32
    %dma_start3A_97 = tpu.memref_slice %arg7[%dma_start3A_95, %dma_start3A_96] : memref<3x32xi32, #tpu.memory_space<vmem>> -> memref<1x32xi32, #tpu.memory_space<vmem>>
    %dma_start3A_98 = tpu.memref_squeeze %dma_start3A_97 : memref<1x32xi32, #tpu.memory_space<vmem>> -> memref<32xi32, #tpu.memory_space<vmem>>
    %dma_start3A_99 = arith.constant 0 : i32
    %dma_start3A_100 = tpu.memref_slice %arg4[%arg1, %dma_start3A_94, %dma_start3A_99] : memref<16x627x32xi32, #tpu.memory_space<hbm>> -> memref<1x1x32xi32, #tpu.memory_space<hbm>>
    %dma_start3A_101 = tpu.memref_squeeze %dma_start3A_100 : memref<1x1x32xi32, #tpu.memory_space<hbm>> -> memref<32xi32, #tpu.memory_space<hbm>>
    %dma_start3A_102 = arith.constant 0 : i32
    %dma_start3A_103 = tpu.memref_slice %arg7[%dma_start3A_95, %dma_start3A_102] : memref<3x32xi32, #tpu.memory_space<vmem>> -> memref<1x32xi32, #tpu.memory_space<vmem>>
    %dma_start3A_104 = tpu.memref_squeeze %dma_start3A_103 : memref<1x32xi32, #tpu.memory_space<vmem>> -> memref<32xi32, #tpu.memory_space<vmem>>
    %dma_start3A_105 = arith.constant 0 : i32
    %dma_start3A_106 = tpu.memref_slice %arg4[%arg1, %dma_start3A_94, %dma_start3A_105] : memref<16x627x32xi32, #tpu.memory_space<hbm>> -> memref<1x1x32xi32, #tpu.memory_space<hbm>>
    %dma_start3A_107 = tpu.memref_squeeze %dma_start3A_106 : memref<1x1x32xi32, #tpu.memory_space<hbm>> -> memref<32xi32, #tpu.memory_space<hbm>>
    tpu.enqueue_dma source(%dma_start3A_107 : memref<32xi32, #tpu.memory_space<hbm>>) target(%dma_start3A_104 : memref<32xi32, #tpu.memory_space<vmem>>) target_semaphore(%arg16 : memref<!tpu.dma_semaphore, #tpu.memory_space<semaphore_mem>>)
    %dma_wait3A_108 = arith.constant 1 : i32
    %dma_wait3A_109 = arith.constant 1 : i32
    %dma_wait3A_110 = arith.constant 0 : i32
    %dma_wait3A_111 = tpu.memref_slice %arg6[%dma_wait3A_109, %dma_wait3A_110] : memref<3x32xi32, #tpu.memory_space<vmem>> -> memref<1x32xi32, #tpu.memory_space<vmem>>
    %dma_wait3A_112 = tpu.memref_squeeze %dma_wait3A_111 : memref<1x32xi32, #tpu.memory_space<vmem>> -> memref<32xi32, #tpu.memory_space<vmem>>
    %dma_wait3A_113 = arith.constant 0 : i32
    %dma_wait3A_114 = tpu.memref_slice %arg3[%arg1, %dma_wait3A_108, %dma_wait3A_113] : memref<16x627x32xi32, #tpu.memory_space<hbm>> -> memref<1x1x32xi32, #tpu.memory_space<hbm>>
    %dma_wait3A_115 = tpu.memref_squeeze %dma_wait3A_114 : memref<1x1x32xi32, #tpu.memory_space<hbm>> -> memref<32xi32, #tpu.memory_space<hbm>>
    %dma_wait3A_116 = arith.constant 0 : i32
    %dma_wait3A_117 = tpu.memref_slice %arg6[%dma_wait3A_109, %dma_wait3A_116] : memref<3x32xi32, #tpu.memory_space<vmem>> -> memref<1x32xi32, #tpu.memory_space<vmem>>
    %dma_wait3A_118 = tpu.memref_squeeze %dma_wait3A_117 : memref<1x32xi32, #tpu.memory_space<vmem>> -> memref<32xi32, #tpu.memory_space<vmem>>
    %dma_wait3A_119 = arith.constant 0 : i32
    %dma_wait3A_120 = tpu.memref_slice %arg3[%arg1, %dma_wait3A_108, %dma_wait3A_119] : memref<16x627x32xi32, #tpu.memory_space<hbm>> -> memref<1x1x32xi32, #tpu.memory_space<hbm>>
    %dma_wait3A_121 = tpu.memref_squeeze %dma_wait3A_120 : memref<1x1x32xi32, #tpu.memory_space<hbm>> -> memref<32xi32, #tpu.memory_space<hbm>>
    tpu.wait_dma2 semaphore(%arg16 : memref<!tpu.dma_semaphore, #tpu.memory_space<semaphore_mem>>) src(%dma_wait3A_121 : memref<32xi32, #tpu.memory_space<hbm>>) dst(%dma_wait3A_118 : memref<32xi32, #tpu.memory_space<vmem>>)
    %dma_wait3A_122 = arith.constant 1 : i32
    %dma_wait3A_123 = arith.constant 1 : i32
    %dma_wait3A_124 = arith.constant 0 : i32
    %dma_wait3A_125 = tpu.memref_slice %arg7[%dma_wait3A_123, %dma_wait3A_124] : memref<3x32xi32, #tpu.memory_space<vmem>> -> memref<1x32xi32, #tpu.memory_space<vmem>>
    %dma_wait3A_126 = tpu.memref_squeeze %dma_wait3A_125 : memref<1x32xi32, #tpu.memory_space<vmem>> -> memref<32xi32, #tpu.memory_space<vmem>>
    %dma_wait3A_127 = arith.constant 0 : i32
    %dma_wait3A_128 = tpu.memref_slice %arg4[%arg1, %dma_wait3A_122, %dma_wait3A_127] : memref<16x627x32xi32, #tpu.memory_space<hbm>> -> memref<1x1x32xi32, #tpu.memory_space<hbm>>
    %dma_wait3A_129 = tpu.memref_squeeze %dma_wait3A_128 : memref<1x1x32xi32, #tpu.memory_space<hbm>> -> memref<32xi32, #tpu.memory_space<hbm>>
    %dma_wait3A_130 = arith.constant 0 : i32
    %dma_wait3A_131 = tpu.memref_slice %arg7[%dma_wait3A_123, %dma_wait3A_130] : memref<3x32xi32, #tpu.memory_space<vmem>> -> memref<1x32xi32, #tpu.memory_space<vmem>>
    %dma_wait3A_132 = tpu.memref_squeeze %dma_wait3A_131 : memref<1x32xi32, #tpu.memory_space<vmem>> -> memref<32xi32, #tpu.memory_space<vmem>>
    %dma_wait3A_133 = arith.constant 0 : i32
    %dma_wait3A_134 = tpu.memref_slice %arg4[%arg1, %dma_wait3A_122, %dma_wait3A_133] : memref<16x627x32xi32, #tpu.memory_space<hbm>> -> memref<1x1x32xi32, #tpu.memory_space<hbm>>
    %dma_wait3A_135 = tpu.memref_squeeze %dma_wait3A_134 : memref<1x1x32xi32, #tpu.memory_space<hbm>> -> memref<32xi32, #tpu.memory_space<hbm>>
    tpu.wait_dma2 semaphore(%arg16 : memref<!tpu.dma_semaphore, #tpu.memory_space<semaphore_mem>>) src(%dma_wait3A_135 : memref<32xi32, #tpu.memory_space<hbm>>) dst(%dma_wait3A_132 : memref<32xi32, #tpu.memory_space<vmem>>)
    %scan3A_136 = arith.constant 0 : i32
    %scan3A_137 = arith.constant 2 : i32
    %scan3A_138 = arith.addi %scan3A_136, %scan3A_137 : i32
    %scan3A_139 = arith.constant 1 : i32
    scf.for %scan3A_250 = %scan3A_136 to %scan3A_138 step %scan3A_139  : i32 {
      %mul3A_251 = arith.constant 1 : i32
      %mul3A_252 = arith.muli %scan3A_250, %mul3A_251 : i32
      %add3A = arith.constant 0 : i32
      %add3A_253 = arith.addi %add3A, %mul3A_252 : i32
      %mul3A_254 = arith.constant 16 : i32
      %mul3A_255 = arith.muli %add3A_253, %mul3A_254 : i32
      %get3A = arith.constant 1 : i32
      %get3A_256 = arith.index_cast %get3A : i32 to index
      %get3A_257 = arith.index_cast %mul3A_255 : i32 to index
      %get3A_258 = tpu.vector_load %arg7[%get3A_256, %get3A_257] {strides = array<i32>} : memref<3x32xi32, #tpu.memory_space<vmem>>, vector<16xi32>,
      %sub3A = vector.broadcast %mul3A_0 : i32 to vector<16xi32>
      %sub3A_259 = arith.subi %get3A_258, %sub3A : vector<16xi32>
      %ge3A = arith.constant 0 : i32
      %ge3A_260 = vector.broadcast %ge3A : i32 to vector<16xi32>
      %ge3A_261 = arith.cmpi sge, %sub3A_259, %ge3A_260 : vector<16xi32>
      %lt3A_262 = arith.constant 5000 : i32
      %lt3A_263 = vector.broadcast %lt3A_262 : i32 to vector<16xi32>
      %lt3A_264 = arith.cmpi slt, %sub3A_259, %lt3A_263 : vector<16xi32>
      %and3A = arith.andi %ge3A_261, %lt3A_264 : vector<16xi1>
      %jit3A = arith.constant 5000 : i32
      %broadcast_in_dim3A_265 = vector.broadcast %jit3A : i32 to vector<16xi32>
      %select_n3A = arith.select %and3A, %sub3A_259, %broadcast_in_dim3A_265 : vector<16xi1>, vector<16xi32>
      %mul3A_266 = arith.constant 16 : i32
      %mul3A_267 = arith.muli %add3A_253, %mul3A_266 : i32
      %swap3A = arith.constant 1 : i32
      %swap3A_268 = arith.index_cast %swap3A : i32 to index
      %swap3A_269 = arith.index_cast %mul3A_267 : i32 to index
      %swap3A_270 = tpu.vector_load %arg7[%swap3A_268, %swap3A_269] {strides = array<i32>} : memref<3x32xi32, #tpu.memory_space<vmem>>, vector<16xi32>,
      tpu.vector_store %arg7[%swap3A_268, %swap3A_269], %select_n3A {strides = array<i32>} : memref<3x32xi32, #tpu.memory_space<vmem>>, vector<16xi32>,
    }
    %scan3A_140 = arith.constant 2 : i32
    %dma_start3A_141 = arith.constant 1 : i32
    %dma_start3A_142 = arith.constant 0 : i32
    %dma_start3A_143 = tpu.memref_slice %arg6[%dma_start3A_141, %dma_start3A_142] : memref<3x32xi32, #tpu.memory_space<vmem>> -> memref<1x32xi32, #tpu.memory_space<vmem>>
    %dma_start3A_144 = tpu.memref_squeeze %dma_start3A_143 : memref<1x32xi32, #tpu.memory_space<vmem>> -> memref<32xi32, #tpu.memory_space<vmem>>
    %dma_start3A_145 = arith.constant 0 : i32
    %dma_start3A_146 = arith.constant 0 : i32
    %dma_start3A_147 = tpu.memref_slice %arg2[%dma_start3A_145, %dma_start3A_146] : memref<10000x128xf32, #tpu.memory_space<hbm>> -> memref<10000x128xf32, #tpu.memory_space<hbm>>
    tpu.enqueue_indirect_dma source(%dma_start3A_147 : memref<10000x128xf32, #tpu.memory_space<hbm>>) target(%arg9 : memref<32x128xf32, #tpu.memory_space<vmem>>) offsets(%dma_start3A_144 : memref<32xi32, #tpu.memory_space<vmem>>) semaphore(%arg13 : memref<!tpu.dma_semaphore, #tpu.memory_space<semaphore_mem>>)
    %dma_start3A_148 = arith.constant 2 : i32
    %dma_start3A_149 = arith.constant 2 : i32
    %dma_start3A_150 = arith.constant 0 : i32
    %dma_start3A_151 = tpu.memref_slice %arg6[%dma_start3A_149, %dma_start3A_150] : memref<3x32xi32, #tpu.memory_space<vmem>> -> memref<1x32xi32, #tpu.memory_space<vmem>>
    %dma_start3A_152 = tpu.memref_squeeze %dma_start3A_151 : memref<1x32xi32, #tpu.memory_space<vmem>> -> memref<32xi32, #tpu.memory_space<vmem>>
    %dma_start3A_153 = arith.constant 0 : i32
    %dma_start3A_154 = tpu.memref_slice %arg3[%arg1, %dma_start3A_148, %dma_start3A_153] : memref<16x627x32xi32, #tpu.memory_space<hbm>> -> memref<1x1x32xi32, #tpu.memory_space<hbm>>
    %dma_start3A_155 = tpu.memref_squeeze %dma_start3A_154 : memref<1x1x32xi32, #tpu.memory_space<hbm>> -> memref<32xi32, #tpu.memory_space<hbm>>
    %dma_start3A_156 = arith.constant 0 : i32
    %dma_start3A_157 = tpu.memref_slice %arg6[%dma_start3A_149, %dma_start3A_156] : memref<3x32xi32, #tpu.memory_space<vmem>> -> memref<1x32xi32, #tpu.memory_space<vmem>>
    %dma_start3A_158 = tpu.memref_squeeze %dma_start3A_157 : memref<1x32xi32, #tpu.memory_space<vmem>> -> memref<32xi32, #tpu.memory_space<vmem>>
    %dma_start3A_159 = arith.constant 0 : i32
    %dma_start3A_160 = tpu.memref_slice %arg3[%arg1, %dma_start3A_148, %dma_start3A_159] : memref<16x627x32xi32, #tpu.memory_space<hbm>> -> memref<1x1x32xi32, #tpu.memory_space<hbm>>
    %dma_start3A_161 = tpu.memref_squeeze %dma_start3A_160 : memref<1x1x32xi32, #tpu.memory_space<hbm>> -> memref<32xi32, #tpu.memory_space<hbm>>
    tpu.enqueue_dma source(%dma_start3A_161 : memref<32xi32, #tpu.memory_space<hbm>>) target(%dma_start3A_158 : memref<32xi32, #tpu.memory_space<vmem>>) target_semaphore(%arg17 : memref<!tpu.dma_semaphore, #tpu.memory_space<semaphore_mem>>)
    %dma_start3A_162 = arith.constant 2 : i32
    %dma_start3A_163 = arith.constant 2 : i32
    %dma_start3A_164 = arith.constant 0 : i32
    %dma_start3A_165 = tpu.memref_slice %arg7[%dma_start3A_163, %dma_start3A_164] : memref<3x32xi32, #tpu.memory_space<vmem>> -> memref<1x32xi32, #tpu.memory_space<vmem>>
    %dma_start3A_166 = tpu.memref_squeeze %dma_start3A_165 : memref<1x32xi32, #tpu.memory_space<vmem>> -> memref<32xi32, #tpu.memory_space<vmem>>
    %dma_start3A_167 = arith.constant 0 : i32
    %dma_start3A_168 = tpu.memref_slice %arg4[%arg1, %dma_start3A_162, %dma_start3A_167] : memref<16x627x32xi32, #tpu.memory_space<hbm>> -> memref<1x1x32xi32, #tpu.memory_space<hbm>>
    %dma_start3A_169 = tpu.memref_squeeze %dma_start3A_168 : memref<1x1x32xi32, #tpu.memory_space<hbm>> -> memref<32xi32, #tpu.memory_space<hbm>>
    %dma_start3A_170 = arith.constant 0 : i32
    %dma_start3A_171 = tpu.memref_slice %arg7[%dma_start3A_163, %dma_start3A_170] : memref<3x32xi32, #tpu.memory_space<vmem>> -> memref<1x32xi32, #tpu.memory_space<vmem>>
    %dma_start3A_172 = tpu.memref_squeeze %dma_start3A_171 : memref<1x32xi32, #tpu.memory_space<vmem>> -> memref<32xi32, #tpu.memory_space<vmem>>
    %dma_start3A_173 = arith.constant 0 : i32
    %dma_start3A_174 = tpu.memref_slice %arg4[%arg1, %dma_start3A_162, %dma_start3A_173] : memref<16x627x32xi32, #tpu.memory_space<hbm>> -> memref<1x1x32xi32, #tpu.memory_space<hbm>>
    %dma_start3A_175 = tpu.memref_squeeze %dma_start3A_174 : memref<1x1x32xi32, #tpu.memory_space<hbm>> -> memref<32xi32, #tpu.memory_space<hbm>>
    tpu.enqueue_dma source(%dma_start3A_175 : memref<32xi32, #tpu.memory_space<hbm>>) target(%dma_start3A_172 : memref<32xi32, #tpu.memory_space<vmem>>) target_semaphore(%arg17 : memref<!tpu.dma_semaphore, #tpu.memory_space<semaphore_mem>>)
    %dma_wait3A_176 = arith.constant 2 : i32
    %dma_wait3A_177 = arith.constant 2 : i32
    %dma_wait3A_178 = arith.constant 0 : i32
    %dma_wait3A_179 = tpu.memref_slice %arg6[%dma_wait3A_177, %dma_wait3A_178] : memref<3x32xi32, #tpu.memory_space<vmem>> -> memref<1x32xi32, #tpu.memory_space<vmem>>
    %dma_wait3A_180 = tpu.memref_squeeze %dma_wait3A_179 : memref<1x32xi32, #tpu.memory_space<vmem>> -> memref<32xi32, #tpu.memory_space<vmem>>
    %dma_wait3A_181 = arith.constant 0 : i32
    %dma_wait3A_182 = tpu.memref_slice %arg3[%arg1, %dma_wait3A_176, %dma_wait3A_181] : memref<16x627x32xi32, #tpu.memory_space<hbm>> -> memref<1x1x32xi32, #tpu.memory_space<hbm>>
    %dma_wait3A_183 = tpu.memref_squeeze %dma_wait3A_182 : memref<1x1x32xi32, #tpu.memory_space<hbm>> -> memref<32xi32, #tpu.memory_space<hbm>>
    %dma_wait3A_184 = arith.constant 0 : i32
    %dma_wait3A_185 = tpu.memref_slice %arg6[%dma_wait3A_177, %dma_wait3A_184] : memref<3x32xi32, #tpu.memory_space<vmem>> -> memref<1x32xi32, #tpu.memory_space<vmem>>
    %dma_wait3A_186 = tpu.memref_squeeze %dma_wait3A_185 : memref<1x32xi32, #tpu.memory_space<vmem>> -> memref<32xi32, #tpu.memory_space<vmem>>
    %dma_wait3A_187 = arith.constant 0 : i32
    %dma_wait3A_188 = tpu.memref_slice %arg3[%arg1, %dma_wait3A_176, %dma_wait3A_187] : memref<16x627x32xi32, #tpu.memory_space<hbm>> -> memref<1x1x32xi32, #tpu.memory_space<hbm>>
    %dma_wait3A_189 = tpu.memref_squeeze %dma_wait3A_188 : memref<1x1x32xi32, #tpu.memory_space<hbm>> -> memref<32xi32, #tpu.memory_space<hbm>>
    tpu.wait_dma2 semaphore(%arg17 : memref<!tpu.dma_semaphore, #tpu.memory_space<semaphore_mem>>) src(%dma_wait3A_189 : memref<32xi32, #tpu.memory_space<hbm>>) dst(%dma_wait3A_186 : memref<32xi32, #tpu.memory_space<vmem>>)
    %dma_wait3A_190 = arith.constant 2 : i32
    %dma_wait3A_191 = arith.constant 2 : i32
    %dma_wait3A_192 = arith.constant 0 : i32
    %dma_wait3A_193 = tpu.memref_slice %arg7[%dma_wait3A_191, %dma_wait3A_192] : memref<3x32xi32, #tpu.memory_space<vmem>> -> memref<1x32xi32, #tpu.memory_space<vmem>>
    %dma_wait3A_194 = tpu.memref_squeeze %dma_wait3A_193 : memref<1x32xi32, #tpu.memory_space<vmem>> -> memref<32xi32, #tpu.memory_space<vmem>>
    %dma_wait3A_195 = arith.constant 0 : i32
    %dma_wait3A_196 = tpu.memref_slice %arg4[%arg1, %dma_wait3A_190, %dma_wait3A_195] : memref<16x627x32xi32, #tpu.memory_space<hbm>> -> memref<1x1x32xi32, #tpu.memory_space<hbm>>
    %dma_wait3A_197 = tpu.memref_squeeze %dma_wait3A_196 : memref<1x1x32xi32, #tpu.memory_space<hbm>> -> memref<32xi32, #tpu.memory_space<hbm>>
    %dma_wait3A_198 = arith.constant 0 : i32
    %dma_wait3A_199 = tpu.memref_slice %arg7[%dma_wait3A_191, %dma_wait3A_198] : memref<3x32xi32, #tpu.memory_space<vmem>> -> memref<1x32xi32, #tpu.memory_space<vmem>>
    %dma_wait3A_200 = tpu.memref_squeeze %dma_wait3A_199 : memref<1x32xi32, #tpu.memory_space<vmem>> -> memref<32xi32, #tpu.memory_space<vmem>>
    %dma_wait3A_201 = arith.constant 0 : i32
    %dma_wait3A_202 = tpu.memref_slice %arg4[%arg1, %dma_wait3A_190, %dma_wait3A_201] : memref<16x627x32xi32, #tpu.memory_space<hbm>> -> memref<1x1x32xi32, #tpu.memory_space<hbm>>
    %dma_wait3A_203 = tpu.memref_squeeze %dma_wait3A_202 : memref<1x1x32xi32, #tpu.memory_space<hbm>> -> memref<32xi32, #tpu.memory_space<hbm>>
    tpu.wait_dma2 semaphore(%arg17 : memref<!tpu.dma_semaphore, #tpu.memory_space<semaphore_mem>>) src(%dma_wait3A_203 : memref<32xi32, #tpu.memory_space<hbm>>) dst(%dma_wait3A_200 : memref<32xi32, #tpu.memory_space<vmem>>)
    %scan3A_204 = arith.constant 0 : i32
    %scan3A_205 = arith.constant 2 : i32
    %scan3A_206 = arith.addi %scan3A_204, %scan3A_205 : i32
    %scan3A_207 = arith.constant 1 : i32
    scf.for %scan3A_250 = %scan3A_204 to %scan3A_206 step %scan3A_207  : i32 {
      %mul3A_251 = arith.constant 1 : i32
      %mul3A_252 = arith.muli %scan3A_250, %mul3A_251 : i32
      %add3A = arith.constant 0 : i32
      %add3A_253 = arith.addi %add3A, %mul3A_252 : i32
      %mul3A_254 = arith.constant 16 : i32
      %mul3A_255 = arith.muli %add3A_253, %mul3A_254 : i32
      %get3A = arith.constant 2 : i32
      %get3A_256 = arith.index_cast %get3A : i32 to index
      %get3A_257 = arith.index_cast %mul3A_255 : i32 to index
      %get3A_258 = tpu.vector_load %arg7[%get3A_256, %get3A_257] {strides = array<i32>} : memref<3x32xi32, #tpu.memory_space<vmem>>, vector<16xi32>,
      %sub3A = vector.broadcast %mul3A_0 : i32 to vector<16xi32>
      %sub3A_259 = arith.subi %get3A_258, %sub3A : vector<16xi32>
      %ge3A = arith.constant 0 : i32
      %ge3A_260 = vector.broadcast %ge3A : i32 to vector<16xi32>
      %ge3A_261 = arith.cmpi sge, %sub3A_259, %ge3A_260 : vector<16xi32>
      %lt3A_262 = arith.constant 5000 : i32
      %lt3A_263 = vector.broadcast %lt3A_262 : i32 to vector<16xi32>
      %lt3A_264 = arith.cmpi slt, %sub3A_259, %lt3A_263 : vector<16xi32>
      %and3A = arith.andi %ge3A_261, %lt3A_264 : vector<16xi1>
      %jit3A = arith.constant 5000 : i32
      %broadcast_in_dim3A_265 = vector.broadcast %jit3A : i32 to vector<16xi32>
      %select_n3A = arith.select %and3A, %sub3A_259, %broadcast_in_dim3A_265 : vector<16xi1>, vector<16xi32>
      %mul3A_266 = arith.constant 16 : i32
      %mul3A_267 = arith.muli %add3A_253, %mul3A_266 : i32
      %swap3A = arith.constant 2 : i32
      %swap3A_268 = arith.index_cast %swap3A : i32 to index
      %swap3A_269 = arith.index_cast %mul3A_267 : i32 to index
      %swap3A_270 = tpu.vector_load %arg7[%swap3A_268, %swap3A_269] {strides = array<i32>} : memref<3x32xi32, #tpu.memory_space<vmem>>, vector<16xi32>,
      tpu.vector_store %arg7[%swap3A_268, %swap3A_269], %select_n3A {strides = array<i32>} : memref<3x32xi32, #tpu.memory_space<vmem>>, vector<16xi32>,
    }
    %scan3A_208 = arith.constant 2 : i32
    %dma_start3A_209 = arith.constant 2 : i32
    %dma_start3A_210 = arith.constant 0 : i32
    %dma_start3A_211 = tpu.memref_slice %arg6[%dma_start3A_209, %dma_start3A_210] : memref<3x32xi32, #tpu.memory_space<vmem>> -> memref<1x32xi32, #tpu.memory_space<vmem>>
    %dma_start3A_212 = tpu.memref_squeeze %dma_start3A_211 : memref<1x32xi32, #tpu.memory_space<vmem>> -> memref<32xi32, #tpu.memory_space<vmem>>
    %dma_start3A_213 = arith.constant 0 : i32
    %dma_start3A_214 = arith.constant 0 : i32
    %dma_start3A_215 = tpu.memref_slice %arg2[%dma_start3A_213, %dma_start3A_214] : memref<10000x128xf32, #tpu.memory_space<hbm>> -> memref<10000x128xf32, #tpu.memory_space<hbm>>
    tpu.enqueue_indirect_dma source(%dma_start3A_215 : memref<10000x128xf32, #tpu.memory_space<hbm>>) target(%arg10 : memref<32x128xf32, #tpu.memory_space<vmem>>) offsets(%dma_start3A_212 : memref<32xi32, #tpu.memory_space<vmem>>) semaphore(%arg14 : memref<!tpu.dma_semaphore, #tpu.memory_space<semaphore_mem>>)
    %scan3A_216 = arith.constant 0 : i32
    %scan3A_217 = arith.constant 208 : i32
    %scan3A_218 = arith.addi %scan3A_216, %scan3A_217 : i32
    %scan3A_219 = arith.constant 1 : i32
    scf.for %scan3A_250 = %scan3A_216 to %scan3A_218 step %scan3A_219  : i32 {
      %mul3A_251 = arith.constant 3 : i32
      %mul3A_252 = arith.muli %scan3A_250, %mul3A_251 : i32
      %add3A = arith.constant 0 : i32
      %add3A_253 = arith.addi %add3A, %mul3A_252 : i32
      %dma_wait3A_254 = arith.constant 0 : i32
      %dma_wait3A_255 = arith.constant 0 : i32
      %dma_wait3A_256 = tpu.memref_slice %arg6[%dma_wait3A_254, %dma_wait3A_255] : memref<3x32xi32, #tpu.memory_space<vmem>> -> memref<1x32xi32, #tpu.memory_space<vmem>>
      %dma_wait3A_257 = tpu.memref_squeeze %dma_wait3A_256 : memref<1x32xi32, #tpu.memory_space<vmem>> -> memref<32xi32, #tpu.memory_space<vmem>>
      %dma_wait3A_258 = arith.constant 0 : i32
      %dma_wait3A_259 = arith.constant 0 : i32
      %dma_wait3A_260 = tpu.memref_slice %arg2[%dma_wait3A_258, %dma_wait3A_259] : memref<10000x128xf32, #tpu.memory_space<hbm>> -> memref<10000x128xf32, #tpu.memory_space<hbm>>
      tpu.wait_indirect_dma semaphore(%arg12 : memref<!tpu.dma_semaphore, #tpu.memory_space<semaphore_mem>>) src(%dma_wait3A_260 : memref<10000x128xf32, #tpu.memory_space<hbm>>) dst(%arg8 : memref<32x128xf32, #tpu.memory_space<vmem>>)
      %run_scoped3A_261 = arith.constant 0 : i32
      "tpu.region"() ({
        %run_scoped3A_476 = tpu.sem_alloc : memref<!tpu.dma_semaphore, #tpu.memory_space<semaphore_mem>>
        %dma_start3A_477 = arith.constant 0 : i32
        %dma_start3A_478 = tpu.memref_slice %arg7[%run_scoped3A_261, %dma_start3A_477] : memref<3x32xi32, #tpu.memory_space<vmem>> -> memref<1x32xi32, #tpu.memory_space<vmem>>
        %dma_start3A_479 = tpu.memref_squeeze %dma_start3A_478 : memref<1x32xi32, #tpu.memory_space<vmem>> -> memref<32xi32, #tpu.memory_space<vmem>>
        %dma_start3A_480 = arith.constant 0 : i32
        %dma_start3A_481 = arith.constant 0 : i32
        %dma_start3A_482 = tpu.memref_slice %arg11[%dma_start3A_480, %dma_start3A_481] : memref<5008x128xf32, #tpu.memory_space<vmem_shared>> -> memref<5008x128xf32, #tpu.memory_space<vmem_shared>>
        tpu.enqueue_indirect_dma source(%arg8 : memref<32x128xf32, #tpu.memory_space<vmem>>) target(%dma_start3A_482 : memref<5008x128xf32, #tpu.memory_space<vmem_shared>>) offsets(%dma_start3A_479 : memref<32xi32, #tpu.memory_space<vmem>>) semaphore(%run_scoped3A_476 : memref<!tpu.dma_semaphore, #tpu.memory_space<semaphore_mem>>) {add = true}
        %dma_wait3A_483 = arith.constant 0 : i32
        %dma_wait3A_484 = tpu.memref_slice %arg7[%run_scoped3A_261, %dma_wait3A_483] : memref<3x32xi32, #tpu.memory_space<vmem>> -> memref<1x32xi32, #tpu.memory_space<vmem>>
        %dma_wait3A_485 = tpu.memref_squeeze %dma_wait3A_484 : memref<1x32xi32, #tpu.memory_space<vmem>> -> memref<32xi32, #tpu.memory_space<vmem>>
        %dma_wait3A_486 = arith.constant 0 : i32
        %dma_wait3A_487 = arith.constant 0 : i32
        %dma_wait3A_488 = tpu.memref_slice %arg11[%dma_wait3A_486, %dma_wait3A_487] : memref<5008x128xf32, #tpu.memory_space<vmem_shared>> -> memref<5008x128xf32, #tpu.memory_space<vmem_shared>>
        tpu.wait_indirect_dma semaphore(%run_scoped3A_476 : memref<!tpu.dma_semaphore, #tpu.memory_space<semaphore_mem>>) src(%arg8 : memref<32x128xf32, #tpu.memory_space<vmem>>) dst(%dma_wait3A_488 : memref<5008x128xf32, #tpu.memory_space<vmem_shared>>)
        tpu.yield
      }) : () -> ()
      %add3A_262 = arith.constant 3 : i32
      %add3A_263 = arith.addi %add3A_253, %add3A_262 : i32
      %dma_start3A_264 = arith.constant 0 : i32
      %dma_start3A_265 = arith.constant 0 : i32
      %dma_start3A_266 = tpu.memref_slice %arg6[%dma_start3A_264, %dma_start3A_265] : memref<3x32xi32, #tpu.memory_space<vmem>> -> memref<1x32xi32, #tpu.memory_space<vmem>>
      %dma_start3A_267 = tpu.memref_squeeze %dma_start3A_266 : memref<1x32xi32, #tpu.memory_space<vmem>> -> memref<32xi32, #tpu.memory_space<vmem>>
      %dma_start3A_268 = arith.constant 0 : i32
      %dma_start3A_269 = tpu.memref_slice %arg3[%arg1, %add3A_263, %dma_start3A_268] : memref<16x627x32xi32, #tpu.memory_space<hbm>> -> memref<1x1x32xi32, #tpu.memory_space<hbm>>
      %dma_start3A_270 = tpu.memref_squeeze %dma_start3A_269 : memref<1x1x32xi32, #tpu.memory_space<hbm>> -> memref<32xi32, #tpu.memory_space<hbm>>
      %dma_start3A_271 = arith.constant 0 : i32
      %dma_start3A_272 = tpu.memref_slice %arg6[%dma_start3A_264, %dma_start3A_271] : memref<3x32xi32, #tpu.memory_space<vmem>> -> memref<1x32xi32, #tpu.memory_space<vmem>>
      %dma_start3A_273 = tpu.memref_squeeze %dma_start3A_272 : memref<1x32xi32, #tpu.memory_space<vmem>> -> memref<32xi32, #tpu.memory_space<vmem>>
      %dma_start3A_274 = arith.constant 0 : i32
      %dma_start3A_275 = tpu.memref_slice %arg3[%arg1, %add3A_263, %dma_start3A_274] : memref<16x627x32xi32, #tpu.memory_space<hbm>> -> memref<1x1x32xi32, #tpu.memory_space<hbm>>
      %dma_start3A_276 = tpu.memref_squeeze %dma_start3A_275 : memref<1x1x32xi32, #tpu.memory_space<hbm>> -> memref<32xi32, #tpu.memory_space<hbm>>
      tpu.enqueue_dma source(%dma_start3A_276 : memref<32xi32, #tpu.memory_space<hbm>>) target(%dma_start3A_273 : memref<32xi32, #tpu.memory_space<vmem>>) target_semaphore(%arg15 : memref<!tpu.dma_semaphore, #tpu.memory_space<semaphore_mem>>)
      %dma_start3A_277 = arith.constant 0 : i32
      %dma_start3A_278 = arith.constant 0 : i32
      %dma_start3A_279 = tpu.memref_slice %arg7[%dma_start3A_277, %dma_start3A_278] : memref<3x32xi32, #tpu.memory_space<vmem>> -> memref<1x32xi32, #tpu.memory_space<vmem>>
      %dma_start3A_280 = tpu.memref_squeeze %dma_start3A_279 : memref<1x32xi32, #tpu.memory_space<vmem>> -> memref<32xi32, #tpu.memory_space<vmem>>
      %dma_start3A_281 = arith.constant 0 : i32
      %dma_start3A_282 = tpu.memref_slice %arg4[%arg1, %add3A_263, %dma_start3A_281] : memref<16x627x32xi32, #tpu.memory_space<hbm>> -> memref<1x1x32xi32, #tpu.memory_space<hbm>>
      %dma_start3A_283 = tpu.memref_squeeze %dma_start3A_282 : memref<1x1x32xi32, #tpu.memory_space<hbm>> -> memref<32xi32, #tpu.memory_space<hbm>>
      %dma_start3A_284 = arith.constant 0 : i32
      %dma_start3A_285 = tpu.memref_slice %arg7[%dma_start3A_277, %dma_start3A_284] : memref<3x32xi32, #tpu.memory_space<vmem>> -> memref<1x32xi32, #tpu.memory_space<vmem>>
      %dma_start3A_286 = tpu.memref_squeeze %dma_start3A_285 : memref<1x32xi32, #tpu.memory_space<vmem>> -> memref<32xi32, #tpu.memory_space<vmem>>
      %dma_start3A_287 = arith.constant 0 : i32
      %dma_start3A_288 = tpu.memref_slice %arg4[%arg1, %add3A_263, %dma_start3A_287] : memref<16x627x32xi32, #tpu.memory_space<hbm>> -> memref<1x1x32xi32, #tpu.memory_space<hbm>>
      %dma_start3A_289 = tpu.memref_squeeze %dma_start3A_288 : memref<1x1x32xi32, #tpu.memory_space<hbm>> -> memref<32xi32, #tpu.memory_space<hbm>>
      tpu.enqueue_dma source(%dma_start3A_289 : memref<32xi32, #tpu.memory_space<hbm>>) target(%dma_start3A_286 : memref<32xi32, #tpu.memory_space<vmem>>) target_semaphore(%arg15 : memref<!tpu.dma_semaphore, #tpu.memory_space<semaphore_mem>>)
      %dma_wait3A_290 = arith.constant 0 : i32
      %dma_wait3A_291 = arith.constant 0 : i32
      %dma_wait3A_292 = tpu.memref_slice %arg6[%dma_wait3A_290, %dma_wait3A_291] : memref<3x32xi32, #tpu.memory_space<vmem>> -> memref<1x32xi32, #tpu.memory_space<vmem>>
      %dma_wait3A_293 = tpu.memref_squeeze %dma_wait3A_292 : memref<1x32xi32, #tpu.memory_space<vmem>> -> memref<32xi32, #tpu.memory_space<vmem>>
      %dma_wait3A_294 = arith.constant 0 : i32
      %dma_wait3A_295 = tpu.memref_slice %arg3[%arg1, %add3A_263, %dma_wait3A_294] : memref<16x627x32xi32, #tpu.memory_space<hbm>> -> memref<1x1x32xi32, #tpu.memory_space<hbm>>
      %dma_wait3A_296 = tpu.memref_squeeze %dma_wait3A_295 : memref<1x1x32xi32, #tpu.memory_space<hbm>> -> memref<32xi32, #tpu.memory_space<hbm>>
      %dma_wait3A_297 = arith.constant 0 : i32
      %dma_wait3A_298 = tpu.memref_slice %arg6[%dma_wait3A_290, %dma_wait3A_297] : memref<3x32xi32, #tpu.memory_space<vmem>> -> memref<1x32xi32, #tpu.memory_space<vmem>>
      %dma_wait3A_299 = tpu.memref_squeeze %dma_wait3A_298 : memref<1x32xi32, #tpu.memory_space<vmem>> -> memref<32xi32, #tpu.memory_space<vmem>>
      %dma_wait3A_300 = arith.constant 0 : i32
      %dma_wait3A_301 = tpu.memref_slice %arg3[%arg1, %add3A_263, %dma_wait3A_300] : memref<16x627x32xi32, #tpu.memory_space<hbm>> -> memref<1x1x32xi32, #tpu.memory_space<hbm>>
      %dma_wait3A_302 = tpu.memref_squeeze %dma_wait3A_301 : memref<1x1x32xi32, #tpu.memory_space<hbm>> -> memref<32xi32, #tpu.memory_space<hbm>>
      tpu.wait_dma2 semaphore(%arg15 : memref<!tpu.dma_semaphore, #tpu.memory_space<semaphore_mem>>) src(%dma_wait3A_302 : memref<32xi32, #tpu.memory_space<hbm>>) dst(%dma_wait3A_299 : memref<32xi32, #tpu.memory_space<vmem>>)
      %dma_wait3A_303 = arith.constant 0 : i32
      %dma_wait3A_304 = arith.constant 0 : i32
      %dma_wait3A_305 = tpu.memref_slice %arg7[%dma_wait3A_303, %dma_wait3A_304] : memref<3x32xi32, #tpu.memory_space<vmem>> -> memref<1x32xi32, #tpu.memory_space<vmem>>
      %dma_wait3A_306 = tpu.memref_squeeze %dma_wait3A_305 : memref<1x32xi32, #tpu.memory_space<vmem>> -> memref<32xi32, #tpu.memory_space<vmem>>
      %dma_wait3A_307 = arith.constant 0 : i32
      %dma_wait3A_308 = tpu.memref_slice %arg4[%arg1, %add3A_263, %dma_wait3A_307] : memref<16x627x32xi32, #tpu.memory_space<hbm>> -> memref<1x1x32xi32, #tpu.memory_space<hbm>>
      %dma_wait3A_309 = tpu.memref_squeeze %dma_wait3A_308 : memref<1x1x32xi32, #tpu.memory_space<hbm>> -> memref<32xi32, #tpu.memory_space<hbm>>
      %dma_wait3A_310 = arith.constant 0 : i32
      %dma_wait3A_311 = tpu.memref_slice %arg7[%dma_wait3A_303, %dma_wait3A_310] : memref<3x32xi32, #tpu.memory_space<vmem>> -> memref<1x32xi32, #tpu.memory_space<vmem>>
      %dma_wait3A_312 = tpu.memref_squeeze %dma_wait3A_311 : memref<1x32xi32, #tpu.memory_space<vmem>> -> memref<32xi32, #tpu.memory_space<vmem>>
      %dma_wait3A_313 = arith.constant 0 : i32
      %dma_wait3A_314 = tpu.memref_slice %arg4[%arg1, %add3A_263, %dma_wait3A_313] : memref<16x627x32xi32, #tpu.memory_space<hbm>> -> memref<1x1x32xi32, #tpu.memory_space<hbm>>
      %dma_wait3A_315 = tpu.memref_squeeze %dma_wait3A_314 : memref<1x1x32xi32, #tpu.memory_space<hbm>> -> memref<32xi32, #tpu.memory_space<hbm>>
      tpu.wait_dma2 semaphore(%arg15 : memref<!tpu.dma_semaphore, #tpu.memory_space<semaphore_mem>>) src(%dma_wait3A_315 : memref<32xi32, #tpu.memory_space<hbm>>) dst(%dma_wait3A_312 : memref<32xi32, #tpu.memory_space<vmem>>)
      %scan3A_316 = arith.constant 0 : i32
      %scan3A_317 = arith.constant 2 : i32
      %scan3A_318 = arith.addi %scan3A_316, %scan3A_317 : i32
      %scan3A_319 = arith.constant 1 : i32
      scf.for %scan3A_476 = %scan3A_316 to %scan3A_318 step %scan3A_319  : i32 {
        %mul3A_477 = arith.constant 1 : i32
        %mul3A_478 = arith.muli %scan3A_476, %mul3A_477 : i32
        %add3A_479 = arith.constant 0 : i32
        %add3A_480 = arith.addi %add3A_479, %mul3A_478 : i32
        %mul3A_481 = arith.constant 16 : i32
        %mul3A_482 = arith.muli %add3A_480, %mul3A_481 : i32
        %get3A = arith.constant 0 : i32
        %get3A_483 = arith.index_cast %get3A : i32 to index
        %get3A_484 = arith.index_cast %mul3A_482 : i32 to index
        %get3A_485 = tpu.vector_load %arg7[%get3A_483, %get3A_484] {strides = array<i32>} : memref<3x32xi32, #tpu.memory_space<vmem>>, vector<16xi32>,
        %sub3A = vector.broadcast %mul3A_0 : i32 to vector<16xi32>
        %sub3A_486 = arith.subi %get3A_485, %sub3A : vector<16xi32>
        %ge3A = arith.constant 0 : i32
        %ge3A_487 = vector.broadcast %ge3A : i32 to vector<16xi32>
        %ge3A_488 = arith.cmpi sge, %sub3A_486, %ge3A_487 : vector<16xi32>
        %lt3A_489 = arith.constant 5000 : i32
        %lt3A_490 = vector.broadcast %lt3A_489 : i32 to vector<16xi32>
        %lt3A_491 = arith.cmpi slt, %sub3A_486, %lt3A_490 : vector<16xi32>
        %and3A = arith.andi %ge3A_488, %lt3A_491 : vector<16xi1>
        %jit3A = arith.constant 5000 : i32
        %broadcast_in_dim3A_492 = vector.broadcast %jit3A : i32 to vector<16xi32>
        %select_n3A = arith.select %and3A, %sub3A_486, %broadcast_in_dim3A_492 : vector<16xi1>, vector<16xi32>
        %mul3A_493 = arith.constant 16 : i32
        %mul3A_494 = arith.muli %add3A_480, %mul3A_493 : i32
        %swap3A = arith.constant 0 : i32
        %swap3A_495 = arith.index_cast %swap3A : i32 to index
        %swap3A_496 = arith.index_cast %mul3A_494 : i32 to index
        %swap3A_497 = tpu.vector_load %arg7[%swap3A_495, %swap3A_496] {strides = array<i32>} : memref<3x32xi32, #tpu.memory_space<vmem>>, vector<16xi32>,
        tpu.vector_store %arg7[%swap3A_495, %swap3A_496], %select_n3A {strides = array<i32>} : memref<3x32xi32, #tpu.memory_space<vmem>>, vector<16xi32>,
      }
      %scan3A_320 = arith.constant 2 : i32
      %dma_start3A_321 = arith.constant 0 : i32
      %dma_start3A_322 = arith.constant 0 : i32
      %dma_start3A_323 = tpu.memref_slice %arg6[%dma_start3A_321, %dma_start3A_322] : memref<3x32xi32, #tpu.memory_space<vmem>> -> memref<1x32xi32, #tpu.memory_space<vmem>>
      %dma_start3A_324 = tpu.memref_squeeze %dma_start3A_323 : memref<1x32xi32, #tpu.memory_space<vmem>> -> memref<32xi32, #tpu.memory_space<vmem>>
      %dma_start3A_325 = arith.constant 0 : i32
      %dma_start3A_326 = arith.constant 0 : i32
      %dma_start3A_327 = tpu.memref_slice %arg2[%dma_start3A_325, %dma_start3A_326] : memref<10000x128xf32, #tpu.memory_space<hbm>> -> memref<10000x128xf32, #tpu.memory_space<hbm>>
      tpu.enqueue_indirect_dma source(%dma_start3A_327 : memref<10000x128xf32, #tpu.memory_space<hbm>>) target(%arg8 : memref<32x128xf32, #tpu.memory_space<vmem>>) offsets(%dma_start3A_324 : memref<32xi32, #tpu.memory_space<vmem>>) semaphore(%arg12 : memref<!tpu.dma_semaphore, #tpu.memory_space<semaphore_mem>>)
      %dma_wait3A_328 = arith.constant 1 : i32
      %dma_wait3A_329 = arith.constant 0 : i32
      %dma_wait3A_330 = tpu.memref_slice %arg6[%dma_wait3A_328, %dma_wait3A_329] : memref<3x32xi32, #tpu.memory_space<vmem>> -> memref<1x32xi32, #tpu.memory_space<vmem>>
      %dma_wait3A_331 = tpu.memref_squeeze %dma_wait3A_330 : memref<1x32xi32, #tpu.memory_space<vmem>> -> memref<32xi32, #tpu.memory_space<vmem>>
      %dma_wait3A_332 = arith.constant 0 : i32
      %dma_wait3A_333 = arith.constant 0 : i32
      %dma_wait3A_334 = tpu.memref_slice %arg2[%dma_wait3A_332, %dma_wait3A_333] : memref<10000x128xf32, #tpu.memory_space<hbm>> -> memref<10000x128xf32, #tpu.memory_space<hbm>>
      tpu.wait_indirect_dma semaphore(%arg13 : memref<!tpu.dma_semaphore, #tpu.memory_space<semaphore_mem>>) src(%dma_wait3A_334 : memref<10000x128xf32, #tpu.memory_space<hbm>>) dst(%arg9 : memref<32x128xf32, #tpu.memory_space<vmem>>)
      %run_scoped3A_335 = arith.constant 1 : i32
      "tpu.region"() ({
        %run_scoped3A_476 = tpu.sem_alloc : memref<!tpu.dma_semaphore, #tpu.memory_space<semaphore_mem>>
        %dma_start3A_477 = arith.constant 0 : i32
        %dma_start3A_478 = tpu.memref_slice %arg7[%run_scoped3A_335, %dma_start3A_477] : memref<3x32xi32, #tpu.memory_space<vmem>> -> memref<1x32xi32, #tpu.memory_space<vmem>>
        %dma_start3A_479 = tpu.memref_squeeze %dma_start3A_478 : memref<1x32xi32, #tpu.memory_space<vmem>> -> memref<32xi32, #tpu.memory_space<vmem>>
        %dma_start3A_480 = arith.constant 0 : i32
        %dma_start3A_481 = arith.constant 0 : i32
        %dma_start3A_482 = tpu.memref_slice %arg11[%dma_start3A_480, %dma_start3A_481] : memref<5008x128xf32, #tpu.memory_space<vmem_shared>> -> memref<5008x128xf32, #tpu.memory_space<vmem_shared>>
        tpu.enqueue_indirect_dma source(%arg9 : memref<32x128xf32, #tpu.memory_space<vmem>>) target(%dma_start3A_482 : memref<5008x128xf32, #tpu.memory_space<vmem_shared>>) offsets(%dma_start3A_479 : memref<32xi32, #tpu.memory_space<vmem>>) semaphore(%run_scoped3A_476 : memref<!tpu.dma_semaphore, #tpu.memory_space<semaphore_mem>>) {add = true}
        %dma_wait3A_483 = arith.constant 0 : i32
        %dma_wait3A_484 = tpu.memref_slice %arg7[%run_scoped3A_335, %dma_wait3A_483] : memref<3x32xi32, #tpu.memory_space<vmem>> -> memref<1x32xi32, #tpu.memory_space<vmem>>
        %dma_wait3A_485 = tpu.memref_squeeze %dma_wait3A_484 : memref<1x32xi32, #tpu.memory_space<vmem>> -> memref<32xi32, #tpu.memory_space<vmem>>
        %dma_wait3A_486 = arith.constant 0 : i32
        %dma_wait3A_487 = arith.constant 0 : i32
        %dma_wait3A_488 = tpu.memref_slice %arg11[%dma_wait3A_486, %dma_wait3A_487] : memref<5008x128xf32, #tpu.memory_space<vmem_shared>> -> memref<5008x128xf32, #tpu.memory_space<vmem_shared>>
        tpu.wait_indirect_dma semaphore(%run_scoped3A_476 : memref<!tpu.dma_semaphore, #tpu.memory_space<semaphore_mem>>) src(%arg9 : memref<32x128xf32, #tpu.memory_space<vmem>>) dst(%dma_wait3A_488 : memref<5008x128xf32, #tpu.memory_space<vmem_shared>>)
        tpu.yield
      }) : () -> ()
      %add3A_336 = arith.constant 4 : i32
      %add3A_337 = arith.addi %add3A_253, %add3A_336 : i32
      %dma_start3A_338 = arith.constant 1 : i32
      %dma_start3A_339 = arith.constant 0 : i32
      %dma_start3A_340 = tpu.memref_slice %arg6[%dma_start3A_338, %dma_start3A_339] : memref<3x32xi32, #tpu.memory_space<vmem>> -> memref<1x32xi32, #tpu.memory_space<vmem>>
      %dma_start3A_341 = tpu.memref_squeeze %dma_start3A_340 : memref<1x32xi32, #tpu.memory_space<vmem>> -> memref<32xi32, #tpu.memory_space<vmem>>
      %dma_start3A_342 = arith.constant 0 : i32
      %dma_start3A_343 = tpu.memref_slice %arg3[%arg1, %add3A_337, %dma_start3A_342] : memref<16x627x32xi32, #tpu.memory_space<hbm>> -> memref<1x1x32xi32, #tpu.memory_space<hbm>>
      %dma_start3A_344 = tpu.memref_squeeze %dma_start3A_343 : memref<1x1x32xi32, #tpu.memory_space<hbm>> -> memref<32xi32, #tpu.memory_space<hbm>>
      %dma_start3A_345 = arith.constant 0 : i32
      %dma_start3A_346 = tpu.memref_slice %arg6[%dma_start3A_338, %dma_start3A_345] : memref<3x32xi32, #tpu.memory_space<vmem>> -> memref<1x32xi32, #tpu.memory_space<vmem>>
      %dma_start3A_347 = tpu.memref_squeeze %dma_start3A_346 : memref<1x32xi32, #tpu.memory_space<vmem>> -> memref<32xi32, #tpu.memory_space<vmem>>
      %dma_start3A_348 = arith.constant 0 : i32
      %dma_start3A_349 = tpu.memref_slice %arg3[%arg1, %add3A_337, %dma_start3A_348] : memref<16x627x32xi32, #tpu.memory_space<hbm>> -> memref<1x1x32xi32, #tpu.memory_space<hbm>>
      %dma_start3A_350 = tpu.memref_squeeze %dma_start3A_349 : memref<1x1x32xi32, #tpu.memory_space<hbm>> -> memref<32xi32, #tpu.memory_space<hbm>>
      tpu.enqueue_dma source(%dma_start3A_350 : memref<32xi32, #tpu.memory_space<hbm>>) target(%dma_start3A_347 : memref<32xi32, #tpu.memory_space<vmem>>) target_semaphore(%arg16 : memref<!tpu.dma_semaphore, #tpu.memory_space<semaphore_mem>>)
      %dma_start3A_351 = arith.constant 1 : i32
      %dma_start3A_352 = arith.constant 0 : i32
      %dma_start3A_353 = tpu.memref_slice %arg7[%dma_start3A_351, %dma_start3A_352] : memref<3x32xi32, #tpu.memory_space<vmem>> -> memref<1x32xi32, #tpu.memory_space<vmem>>
      %dma_start3A_354 = tpu.memref_squeeze %dma_start3A_353 : memref<1x32xi32, #tpu.memory_space<vmem>> -> memref<32xi32, #tpu.memory_space<vmem>>
      %dma_start3A_355 = arith.constant 0 : i32
      %dma_start3A_356 = tpu.memref_slice %arg4[%arg1, %add3A_337, %dma_start3A_355] : memref<16x627x32xi32, #tpu.memory_space<hbm>> -> memref<1x1x32xi32, #tpu.memory_space<hbm>>
      %dma_start3A_357 = tpu.memref_squeeze %dma_start3A_356 : memref<1x1x32xi32, #tpu.memory_space<hbm>> -> memref<32xi32, #tpu.memory_space<hbm>>
      %dma_start3A_358 = arith.constant 0 : i32
      %dma_start3A_359 = tpu.memref_slice %arg7[%dma_start3A_351, %dma_start3A_358] : memref<3x32xi32, #tpu.memory_space<vmem>> -> memref<1x32xi32, #tpu.memory_space<vmem>>
      %dma_start3A_360 = tpu.memref_squeeze %dma_start3A_359 : memref<1x32xi32, #tpu.memory_space<vmem>> -> memref<32xi32, #tpu.memory_space<vmem>>
      %dma_start3A_361 = arith.constant 0 : i32
      %dma_start3A_362 = tpu.memref_slice %arg4[%arg1, %add3A_337, %dma_start3A_361] : memref<16x627x32xi32, #tpu.memory_space<hbm>> -> memref<1x1x32xi32, #tpu.memory_space<hbm>>
      %dma_start3A_363 = tpu.memref_squeeze %dma_start3A_362 : memref<1x1x32xi32, #tpu.memory_space<hbm>> -> memref<32xi32, #tpu.memory_space<hbm>>
      tpu.enqueue_dma source(%dma_start3A_363 : memref<32xi32, #tpu.memory_space<hbm>>) target(%dma_start3A_360 : memref<32xi32, #tpu.memory_space<vmem>>) target_semaphore(%arg16 : memref<!tpu.dma_semaphore, #tpu.memory_space<semaphore_mem>>)
      %dma_wait3A_364 = arith.constant 1 : i32
      %dma_wait3A_365 = arith.constant 0 : i32
      %dma_wait3A_366 = tpu.memref_slice %arg6[%dma_wait3A_364, %dma_wait3A_365] : memref<3x32xi32, #tpu.memory_space<vmem>> -> memref<1x32xi32, #tpu.memory_space<vmem>>
      %dma_wait3A_367 = tpu.memref_squeeze %dma_wait3A_366 : memref<1x32xi32, #tpu.memory_space<vmem>> -> memref<32xi32, #tpu.memory_space<vmem>>
      %dma_wait3A_368 = arith.constant 0 : i32
      %dma_wait3A_369 = tpu.memref_slice %arg3[%arg1, %add3A_337, %dma_wait3A_368] : memref<16x627x32xi32, #tpu.memory_space<hbm>> -> memref<1x1x32xi32, #tpu.memory_space<hbm>>
      %dma_wait3A_370 = tpu.memref_squeeze %dma_wait3A_369 : memref<1x1x32xi32, #tpu.memory_space<hbm>> -> memref<32xi32, #tpu.memory_space<hbm>>
      %dma_wait3A_371 = arith.constant 0 : i32
      %dma_wait3A_372 = tpu.memref_slice %arg6[%dma_wait3A_364, %dma_wait3A_371] : memref<3x32xi32, #tpu.memory_space<vmem>> -> memref<1x32xi32, #tpu.memory_space<vmem>>
      %dma_wait3A_373 = tpu.memref_squeeze %dma_wait3A_372 : memref<1x32xi32, #tpu.memory_space<vmem>> -> memref<32xi32, #tpu.memory_space<vmem>>
      %dma_wait3A_374 = arith.constant 0 : i32
      %dma_wait3A_375 = tpu.memref_slice %arg3[%arg1, %add3A_337, %dma_wait3A_374] : memref<16x627x32xi32, #tpu.memory_space<hbm>> -> memref<1x1x32xi32, #tpu.memory_space<hbm>>
      %dma_wait3A_376 = tpu.memref_squeeze %dma_wait3A_375 : memref<1x1x32xi32, #tpu.memory_space<hbm>> -> memref<32xi32, #tpu.memory_space<hbm>>
      tpu.wait_dma2 semaphore(%arg16 : memref<!tpu.dma_semaphore, #tpu.memory_space<semaphore_mem>>) src(%dma_wait3A_376 : memref<32xi32, #tpu.memory_space<hbm>>) dst(%dma_wait3A_373 : memref<32xi32, #tpu.memory_space<vmem>>)
      %dma_wait3A_377 = arith.constant 1 : i32
      %dma_wait3A_378 = arith.constant 0 : i32
      %dma_wait3A_379 = tpu.memref_slice %arg7[%dma_wait3A_377, %dma_wait3A_378] : memref<3x32xi32, #tpu.memory_space<vmem>> -> memref<1x32xi32, #tpu.memory_space<vmem>>
      %dma_wait3A_380 = tpu.memref_squeeze %dma_wait3A_379 : memref<1x32xi32, #tpu.memory_space<vmem>> -> memref<32xi32, #tpu.memory_space<vmem>>
      %dma_wait3A_381 = arith.constant 0 : i32
      %dma_wait3A_382 = tpu.memref_slice %arg4[%arg1, %add3A_337, %dma_wait3A_381] : memref<16x627x32xi32, #tpu.memory_space<hbm>> -> memref<1x1x32xi32, #tpu.memory_space<hbm>>
      %dma_wait3A_383 = tpu.memref_squeeze %dma_wait3A_382 : memref<1x1x32xi32, #tpu.memory_space<hbm>> -> memref<32xi32, #tpu.memory_space<hbm>>
      %dma_wait3A_384 = arith.constant 0 : i32
      %dma_wait3A_385 = tpu.memref_slice %arg7[%dma_wait3A_377, %dma_wait3A_384] : memref<3x32xi32, #tpu.memory_space<vmem>> -> memref<1x32xi32, #tpu.memory_space<vmem>>
      %dma_wait3A_386 = tpu.memref_squeeze %dma_wait3A_385 : memref<1x32xi32, #tpu.memory_space<vmem>> -> memref<32xi32, #tpu.memory_space<vmem>>
      %dma_wait3A_387 = arith.constant 0 : i32
      %dma_wait3A_388 = tpu.memref_slice %arg4[%arg1, %add3A_337, %dma_wait3A_387] : memref<16x627x32xi32, #tpu.memory_space<hbm>> -> memref<1x1x32xi32, #tpu.memory_space<hbm>>
      %dma_wait3A_389 = tpu.memref_squeeze %dma_wait3A_388 : memref<1x1x32xi32, #tpu.memory_space<hbm>> -> memref<32xi32, #tpu.memory_space<hbm>>
      tpu.wait_dma2 semaphore(%arg16 : memref<!tpu.dma_semaphore, #tpu.memory_space<semaphore_mem>>) src(%dma_wait3A_389 : memref<32xi32, #tpu.memory_space<hbm>>) dst(%dma_wait3A_386 : memref<32xi32, #tpu.memory_space<vmem>>)
      %scan3A_390 = arith.constant 0 : i32
      %scan3A_391 = arith.constant 2 : i32
      %scan3A_392 = arith.addi %scan3A_390, %scan3A_391 : i32
      %scan3A_393 = arith.constant 1 : i32
      scf.for %scan3A_476 = %scan3A_390 to %scan3A_392 step %scan3A_393  : i32 {
        %mul3A_477 = arith.constant 1 : i32
        %mul3A_478 = arith.muli %scan3A_476, %mul3A_477 : i32
        %add3A_479 = arith.constant 0 : i32
        %add3A_480 = arith.addi %add3A_479, %mul3A_478 : i32
        %mul3A_481 = arith.constant 16 : i32
        %mul3A_482 = arith.muli %add3A_480, %mul3A_481 : i32
        %get3A = arith.constant 1 : i32
        %get3A_483 = arith.index_cast %get3A : i32 to index
        %get3A_484 = arith.index_cast %mul3A_482 : i32 to index
        %get3A_485 = tpu.vector_load %arg7[%get3A_483, %get3A_484] {strides = array<i32>} : memref<3x32xi32, #tpu.memory_space<vmem>>, vector<16xi32>,
        %sub3A = vector.broadcast %mul3A_0 : i32 to vector<16xi32>
        %sub3A_486 = arith.subi %get3A_485, %sub3A : vector<16xi32>
        %ge3A = arith.constant 0 : i32
        %ge3A_487 = vector.broadcast %ge3A : i32 to vector<16xi32>
        %ge3A_488 = arith.cmpi sge, %sub3A_486, %ge3A_487 : vector<16xi32>
        %lt3A_489 = arith.constant 5000 : i32
        %lt3A_490 = vector.broadcast %lt3A_489 : i32 to vector<16xi32>
        %lt3A_491 = arith.cmpi slt, %sub3A_486, %lt3A_490 : vector<16xi32>
        %and3A = arith.andi %ge3A_488, %lt3A_491 : vector<16xi1>
        %jit3A = arith.constant 5000 : i32
        %broadcast_in_dim3A_492 = vector.broadcast %jit3A : i32 to vector<16xi32>
        %select_n3A = arith.select %and3A, %sub3A_486, %broadcast_in_dim3A_492 : vector<16xi1>, vector<16xi32>
        %mul3A_493 = arith.constant 16 : i32
        %mul3A_494 = arith.muli %add3A_480, %mul3A_493 : i32
        %swap3A = arith.constant 1 : i32
        %swap3A_495 = arith.index_cast %swap3A : i32 to index
        %swap3A_496 = arith.index_cast %mul3A_494 : i32 to index
        %swap3A_497 = tpu.vector_load %arg7[%swap3A_495, %swap3A_496] {strides = array<i32>} : memref<3x32xi32, #tpu.memory_space<vmem>>, vector<16xi32>,
        tpu.vector_store %arg7[%swap3A_495, %swap3A_496], %select_n3A {strides = array<i32>} : memref<3x32xi32, #tpu.memory_space<vmem>>, vector<16xi32>,
      }
      %scan3A_394 = arith.constant 2 : i32
      %dma_start3A_395 = arith.constant 1 : i32
      %dma_start3A_396 = arith.constant 0 : i32
      %dma_start3A_397 = tpu.memref_slice %arg6[%dma_start3A_395, %dma_start3A_396] : memref<3x32xi32, #tpu.memory_space<vmem>> -> memref<1x32xi32, #tpu.memory_space<vmem>>
      %dma_start3A_398 = tpu.memref_squeeze %dma_start3A_397 : memref<1x32xi32, #tpu.memory_space<vmem>> -> memref<32xi32, #tpu.memory_space<vmem>>
      %dma_start3A_399 = arith.constant 0 : i32
      %dma_start3A_400 = arith.constant 0 : i32
      %dma_start3A_401 = tpu.memref_slice %arg2[%dma_start3A_399, %dma_start3A_400] : memref<10000x128xf32, #tpu.memory_space<hbm>> -> memref<10000x128xf32, #tpu.memory_space<hbm>>
      tpu.enqueue_indirect_dma source(%dma_start3A_401 : memref<10000x128xf32, #tpu.memory_space<hbm>>) target(%arg9 : memref<32x128xf32, #tpu.memory_space<vmem>>) offsets(%dma_start3A_398 : memref<32xi32, #tpu.memory_space<vmem>>) semaphore(%arg13 : memref<!tpu.dma_semaphore, #tpu.memory_space<semaphore_mem>>)
      %dma_wait3A_402 = arith.constant 2 : i32
      %dma_wait3A_403 = arith.constant 0 : i32
      %dma_wait3A_404 = tpu.memref_slice %arg6[%dma_wait3A_402, %dma_wait3A_403] : memref<3x32xi32, #tpu.memory_space<vmem>> -> memref<1x32xi32, #tpu.memory_space<vmem>>
      %dma_wait3A_405 = tpu.memref_squeeze %dma_wait3A_404 : memref<1x32xi32, #tpu.memory_space<vmem>> -> memref<32xi32, #tpu.memory_space<vmem>>
      %dma_wait3A_406 = arith.constant 0 : i32
      %dma_wait3A_407 = arith.constant 0 : i32
      %dma_wait3A_408 = tpu.memref_slice %arg2[%dma_wait3A_406, %dma_wait3A_407] : memref<10000x128xf32, #tpu.memory_space<hbm>> -> memref<10000x128xf32, #tpu.memory_space<hbm>>
      tpu.wait_indirect_dma semaphore(%arg14 : memref<!tpu.dma_semaphore, #tpu.memory_space<semaphore_mem>>) src(%dma_wait3A_408 : memref<10000x128xf32, #tpu.memory_space<hbm>>) dst(%arg10 : memref<32x128xf32, #tpu.memory_space<vmem>>)
      %run_scoped3A_409 = arith.constant 2 : i32
      "tpu.region"() ({
        %run_scoped3A_476 = tpu.sem_alloc : memref<!tpu.dma_semaphore, #tpu.memory_space<semaphore_mem>>
        %dma_start3A_477 = arith.constant 0 : i32
        %dma_start3A_478 = tpu.memref_slice %arg7[%run_scoped3A_409, %dma_start3A_477] : memref<3x32xi32, #tpu.memory_space<vmem>> -> memref<1x32xi32, #tpu.memory_space<vmem>>
        %dma_start3A_479 = tpu.memref_squeeze %dma_start3A_478 : memref<1x32xi32, #tpu.memory_space<vmem>> -> memref<32xi32, #tpu.memory_space<vmem>>
        %dma_start3A_480 = arith.constant 0 : i32
        %dma_start3A_481 = arith.constant 0 : i32
        %dma_start3A_482 = tpu.memref_slice %arg11[%dma_start3A_480, %dma_start3A_481] : memref<5008x128xf32, #tpu.memory_space<vmem_shared>> -> memref<5008x128xf32, #tpu.memory_space<vmem_shared>>
        tpu.enqueue_indirect_dma source(%arg10 : memref<32x128xf32, #tpu.memory_space<vmem>>) target(%dma_start3A_482 : memref<5008x128xf32, #tpu.memory_space<vmem_shared>>) offsets(%dma_start3A_479 : memref<32xi32, #tpu.memory_space<vmem>>) semaphore(%run_scoped3A_476 : memref<!tpu.dma_semaphore, #tpu.memory_space<semaphore_mem>>) {add = true}
        %dma_wait3A_483 = arith.constant 0 : i32
        %dma_wait3A_484 = tpu.memref_slice %arg7[%run_scoped3A_409, %dma_wait3A_483] : memref<3x32xi32, #tpu.memory_space<vmem>> -> memref<1x32xi32, #tpu.memory_space<vmem>>
        %dma_wait3A_485 = tpu.memref_squeeze %dma_wait3A_484 : memref<1x32xi32, #tpu.memory_space<vmem>> -> memref<32xi32, #tpu.memory_space<vmem>>
        %dma_wait3A_486 = arith.constant 0 : i32
        %dma_wait3A_487 = arith.constant 0 : i32
        %dma_wait3A_488 = tpu.memref_slice %arg11[%dma_wait3A_486, %dma_wait3A_487] : memref<5008x128xf32, #tpu.memory_space<vmem_shared>> -> memref<5008x128xf32, #tpu.memory_space<vmem_shared>>
        tpu.wait_indirect_dma semaphore(%run_scoped3A_476 : memref<!tpu.dma_semaphore, #tpu.memory_space<semaphore_mem>>) src(%arg10 : memref<32x128xf32, #tpu.memory_space<vmem>>) dst(%dma_wait3A_488 : memref<5008x128xf32, #tpu.memory_space<vmem_shared>>)
        tpu.yield
      }) : () -> ()
      %add3A_410 = arith.constant 5 : i32
      %add3A_411 = arith.addi %add3A_253, %add3A_410 : i32
      %dma_start3A_412 = arith.constant 2 : i32
      %dma_start3A_413 = arith.constant 0 : i32
      %dma_start3A_414 = tpu.memref_slice %arg6[%dma_start3A_412, %dma_start3A_413] : memref<3x32xi32, #tpu.memory_space<vmem>> -> memref<1x32xi32, #tpu.memory_space<vmem>>
      %dma_start3A_415 = tpu.memref_squeeze %dma_start3A_414 : memref<1x32xi32, #tpu.memory_space<vmem>> -> memref<32xi32, #tpu.memory_space<vmem>>
      %dma_start3A_416 = arith.constant 0 : i32
      %dma_start3A_417 = tpu.memref_slice %arg3[%arg1, %add3A_411, %dma_start3A_416] : memref<16x627x32xi32, #tpu.memory_space<hbm>> -> memref<1x1x32xi32, #tpu.memory_space<hbm>>
      %dma_start3A_418 = tpu.memref_squeeze %dma_start3A_417 : memref<1x1x32xi32, #tpu.memory_space<hbm>> -> memref<32xi32, #tpu.memory_space<hbm>>
      %dma_start3A_419 = arith.constant 0 : i32
      %dma_start3A_420 = tpu.memref_slice %arg6[%dma_start3A_412, %dma_start3A_419] : memref<3x32xi32, #tpu.memory_space<vmem>> -> memref<1x32xi32, #tpu.memory_space<vmem>>
      %dma_start3A_421 = tpu.memref_squeeze %dma_start3A_420 : memref<1x32xi32, #tpu.memory_space<vmem>> -> memref<32xi32, #tpu.memory_space<vmem>>
      %dma_start3A_422 = arith.constant 0 : i32
      %dma_start3A_423 = tpu.memref_slice %arg3[%arg1, %add3A_411, %dma_start3A_422] : memref<16x627x32xi32, #tpu.memory_space<hbm>> -> memref<1x1x32xi32, #tpu.memory_space<hbm>>
      %dma_start3A_424 = tpu.memref_squeeze %dma_start3A_423 : memref<1x1x32xi32, #tpu.memory_space<hbm>> -> memref<32xi32, #tpu.memory_space<hbm>>
      tpu.enqueue_dma source(%dma_start3A_424 : memref<32xi32, #tpu.memory_space<hbm>>) target(%dma_start3A_421 : memref<32xi32, #tpu.memory_space<vmem>>) target_semaphore(%arg17 : memref<!tpu.dma_semaphore, #tpu.memory_space<semaphore_mem>>)
      %dma_start3A_425 = arith.constant 2 : i32
      %dma_start3A_426 = arith.constant 0 : i32
      %dma_start3A_427 = tpu.memref_slice %arg7[%dma_start3A_425, %dma_start3A_426] : memref<3x32xi32, #tpu.memory_space<vmem>> -> memref<1x32xi32, #tpu.memory_space<vmem>>
      %dma_start3A_428 = tpu.memref_squeeze %dma_start3A_427 : memref<1x32xi32, #tpu.memory_space<vmem>> -> memref<32xi32, #tpu.memory_space<vmem>>
      %dma_start3A_429 = arith.constant 0 : i32
      %dma_start3A_430 = tpu.memref_slice %arg4[%arg1, %add3A_411, %dma_start3A_429] : memref<16x627x32xi32, #tpu.memory_space<hbm>> -> memref<1x1x32xi32, #tpu.memory_space<hbm>>
      %dma_start3A_431 = tpu.memref_squeeze %dma_start3A_430 : memref<1x1x32xi32, #tpu.memory_space<hbm>> -> memref<32xi32, #tpu.memory_space<hbm>>
      %dma_start3A_432 = arith.constant 0 : i32
      %dma_start3A_433 = tpu.memref_slice %arg7[%dma_start3A_425, %dma_start3A_432] : memref<3x32xi32, #tpu.memory_space<vmem>> -> memref<1x32xi32, #tpu.memory_space<vmem>>
      %dma_start3A_434 = tpu.memref_squeeze %dma_start3A_433 : memref<1x32xi32, #tpu.memory_space<vmem>> -> memref<32xi32, #tpu.memory_space<vmem>>
      %dma_start3A_435 = arith.constant 0 : i32
      %dma_start3A_436 = tpu.memref_slice %arg4[%arg1, %add3A_411, %dma_start3A_435] : memref<16x627x32xi32, #tpu.memory_space<hbm>> -> memref<1x1x32xi32, #tpu.memory_space<hbm>>
      %dma_start3A_437 = tpu.memref_squeeze %dma_start3A_436 : memref<1x1x32xi32, #tpu.memory_space<hbm>> -> memref<32xi32, #tpu.memory_space<hbm>>
      tpu.enqueue_dma source(%dma_start3A_437 : memref<32xi32, #tpu.memory_space<hbm>>) target(%dma_start3A_434 : memref<32xi32, #tpu.memory_space<vmem>>) target_semaphore(%arg17 : memref<!tpu.dma_semaphore, #tpu.memory_space<semaphore_mem>>)
      %dma_wait3A_438 = arith.constant 2 : i32
      %dma_wait3A_439 = arith.constant 0 : i32
      %dma_wait3A_440 = tpu.memref_slice %arg6[%dma_wait3A_438, %dma_wait3A_439] : memref<3x32xi32, #tpu.memory_space<vmem>> -> memref<1x32xi32, #tpu.memory_space<vmem>>
      %dma_wait3A_441 = tpu.memref_squeeze %dma_wait3A_440 : memref<1x32xi32, #tpu.memory_space<vmem>> -> memref<32xi32, #tpu.memory_space<vmem>>
      %dma_wait3A_442 = arith.constant 0 : i32
      %dma_wait3A_443 = tpu.memref_slice %arg3[%arg1, %add3A_411, %dma_wait3A_442] : memref<16x627x32xi32, #tpu.memory_space<hbm>> -> memref<1x1x32xi32, #tpu.memory_space<hbm>>
      %dma_wait3A_444 = tpu.memref_squeeze %dma_wait3A_443 : memref<1x1x32xi32, #tpu.memory_space<hbm>> -> memref<32xi32, #tpu.memory_space<hbm>>
      %dma_wait3A_445 = arith.constant 0 : i32
      %dma_wait3A_446 = tpu.memref_slice %arg6[%dma_wait3A_438, %dma_wait3A_445] : memref<3x32xi32, #tpu.memory_space<vmem>> -> memref<1x32xi32, #tpu.memory_space<vmem>>
      %dma_wait3A_447 = tpu.memref_squeeze %dma_wait3A_446 : memref<1x32xi32, #tpu.memory_space<vmem>> -> memref<32xi32, #tpu.memory_space<vmem>>
      %dma_wait3A_448 = arith.constant 0 : i32
      %dma_wait3A_449 = tpu.memref_slice %arg3[%arg1, %add3A_411, %dma_wait3A_448] : memref<16x627x32xi32, #tpu.memory_space<hbm>> -> memref<1x1x32xi32, #tpu.memory_space<hbm>>
      %dma_wait3A_450 = tpu.memref_squeeze %dma_wait3A_449 : memref<1x1x32xi32, #tpu.memory_space<hbm>> -> memref<32xi32, #tpu.memory_space<hbm>>
      tpu.wait_dma2 semaphore(%arg17 : memref<!tpu.dma_semaphore, #tpu.memory_space<semaphore_mem>>) src(%dma_wait3A_450 : memref<32xi32, #tpu.memory_space<hbm>>) dst(%dma_wait3A_447 : memref<32xi32, #tpu.memory_space<vmem>>)
      %dma_wait3A_451 = arith.constant 2 : i32
      %dma_wait3A_452 = arith.constant 0 : i32
      %dma_wait3A_453 = tpu.memref_slice %arg7[%dma_wait3A_451, %dma_wait3A_452] : memref<3x32xi32, #tpu.memory_space<vmem>> -> memref<1x32xi32, #tpu.memory_space<vmem>>
      %dma_wait3A_454 = tpu.memref_squeeze %dma_wait3A_453 : memref<1x32xi32, #tpu.memory_space<vmem>> -> memref<32xi32, #tpu.memory_space<vmem>>
      %dma_wait3A_455 = arith.constant 0 : i32
      %dma_wait3A_456 = tpu.memref_slice %arg4[%arg1, %add3A_411, %dma_wait3A_455] : memref<16x627x32xi32, #tpu.memory_space<hbm>> -> memref<1x1x32xi32, #tpu.memory_space<hbm>>
      %dma_wait3A_457 = tpu.memref_squeeze %dma_wait3A_456 : memref<1x1x32xi32, #tpu.memory_space<hbm>> -> memref<32xi32, #tpu.memory_space<hbm>>
      %dma_wait3A_458 = arith.constant 0 : i32
      %dma_wait3A_459 = tpu.memref_slice %arg7[%dma_wait3A_451, %dma_wait3A_458] : memref<3x32xi32, #tpu.memory_space<vmem>> -> memref<1x32xi32, #tpu.memory_space<vmem>>
      %dma_wait3A_460 = tpu.memref_squeeze %dma_wait3A_459 : memref<1x32xi32, #tpu.memory_space<vmem>> -> memref<32xi32, #tpu.memory_space<vmem>>
      %dma_wait3A_461 = arith.constant 0 : i32
      %dma_wait3A_462 = tpu.memref_slice %arg4[%arg1, %add3A_411, %dma_wait3A_461] : memref<16x627x32xi32, #tpu.memory_space<hbm>> -> memref<1x1x32xi32, #tpu.memory_space<hbm>>
      %dma_wait3A_463 = tpu.memref_squeeze %dma_wait3A_462 : memref<1x1x32xi32, #tpu.memory_space<hbm>> -> memref<32xi32, #tpu.memory_space<hbm>>
      tpu.wait_dma2 semaphore(%arg17 : memref<!tpu.dma_semaphore, #tpu.memory_space<semaphore_mem>>) src(%dma_wait3A_463 : memref<32xi32, #tpu.memory_space<hbm>>) dst(%dma_wait3A_460 : memref<32xi32, #tpu.memory_space<vmem>>)
      %scan3A_464 = arith.constant 0 : i32
      %scan3A_465 = arith.constant 2 : i32
      %scan3A_466 = arith.addi %scan3A_464, %scan3A_465 : i32
      %scan3A_467 = arith.constant 1 : i32
      scf.for %scan3A_476 = %scan3A_464 to %scan3A_466 step %scan3A_467  : i32 {
        %mul3A_477 = arith.constant 1 : i32
        %mul3A_478 = arith.muli %scan3A_476, %mul3A_477 : i32
        %add3A_479 = arith.constant 0 : i32
        %add3A_480 = arith.addi %add3A_479, %mul3A_478 : i32
        %mul3A_481 = arith.constant 16 : i32
        %mul3A_482 = arith.muli %add3A_480, %mul3A_481 : i32
        %get3A = arith.constant 2 : i32
        %get3A_483 = arith.index_cast %get3A : i32 to index
        %get3A_484 = arith.index_cast %mul3A_482 : i32 to index
        %get3A_485 = tpu.vector_load %arg7[%get3A_483, %get3A_484] {strides = array<i32>} : memref<3x32xi32, #tpu.memory_space<vmem>>, vector<16xi32>,
        %sub3A = vector.broadcast %mul3A_0 : i32 to vector<16xi32>
        %sub3A_486 = arith.subi %get3A_485, %sub3A : vector<16xi32>
        %ge3A = arith.constant 0 : i32
        %ge3A_487 = vector.broadcast %ge3A : i32 to vector<16xi32>
        %ge3A_488 = arith.cmpi sge, %sub3A_486, %ge3A_487 : vector<16xi32>
        %lt3A_489 = arith.constant 5000 : i32
        %lt3A_490 = vector.broadcast %lt3A_489 : i32 to vector<16xi32>
        %lt3A_491 = arith.cmpi slt, %sub3A_486, %lt3A_490 : vector<16xi32>
        %and3A = arith.andi %ge3A_488, %lt3A_491 : vector<16xi1>
        %jit3A = arith.constant 5000 : i32
        %broadcast_in_dim3A_492 = vector.broadcast %jit3A : i32 to vector<16xi32>
        %select_n3A = arith.select %and3A, %sub3A_486, %broadcast_in_dim3A_492 : vector<16xi1>, vector<16xi32>
        %mul3A_493 = arith.constant 16 : i32
        %mul3A_494 = arith.muli %add3A_480, %mul3A_493 : i32
        %swap3A = arith.constant 2 : i32
        %swap3A_495 = arith.index_cast %swap3A : i32 to index
        %swap3A_496 = arith.index_cast %mul3A_494 : i32 to index
        %swap3A_497 = tpu.vector_load %arg7[%swap3A_495, %swap3A_496] {strides = array<i32>} : memref<3x32xi32, #tpu.memory_space<vmem>>, vector<16xi32>,
        tpu.vector_store %arg7[%swap3A_495, %swap3A_496], %select_n3A {strides = array<i32>} : memref<3x32xi32, #tpu.memory_space<vmem>>, vector<16xi32>,
      }
      %scan3A_468 = arith.constant 2 : i32
      %dma_start3A_469 = arith.constant 2 : i32
      %dma_start3A_470 = arith.constant 0 : i32
      %dma_start3A_471 = tpu.memref_slice %arg6[%dma_start3A_469, %dma_start3A_470] : memref<3x32xi32, #tpu.memory_space<vmem>> -> memref<1x32xi32, #tpu.memory_space<vmem>>
      %dma_start3A_472 = tpu.memref_squeeze %dma_start3A_471 : memref<1x32xi32, #tpu.memory_space<vmem>> -> memref<32xi32, #tpu.memory_space<vmem>>
      %dma_start3A_473 = arith.constant 0 : i32
      %dma_start3A_474 = arith.constant 0 : i32
      %dma_start3A_475 = tpu.memref_slice %arg2[%dma_start3A_473, %dma_start3A_474] : memref<10000x128xf32, #tpu.memory_space<hbm>> -> memref<10000x128xf32, #tpu.memory_space<hbm>>
      tpu.enqueue_indirect_dma source(%dma_start3A_475 : memref<10000x128xf32, #tpu.memory_space<hbm>>) target(%arg10 : memref<32x128xf32, #tpu.memory_space<vmem>>) offsets(%dma_start3A_472 : memref<32xi32, #tpu.memory_space<vmem>>) semaphore(%arg14 : memref<!tpu.dma_semaphore, #tpu.memory_space<semaphore_mem>>)
    }
    %scan3A_220 = arith.constant 208 : i32
    %dma_wait3A_221 = arith.constant 0 : i32
    %dma_wait3A_222 = arith.constant 0 : i32
    %dma_wait3A_223 = tpu.memref_slice %arg6[%dma_wait3A_221, %dma_wait3A_222] : memref<3x32xi32, #tpu.memory_space<vmem>> -> memref<1x32xi32, #tpu.memory_space<vmem>>
    %dma_wait3A_224 = tpu.memref_squeeze %dma_wait3A_223 : memref<1x32xi32, #tpu.memory_space<vmem>> -> memref<32xi32, #tpu.memory_space<vmem>>
    %dma_wait3A_225 = arith.constant 0 : i32
    %dma_wait3A_226 = arith.constant 0 : i32
    %dma_wait3A_227 = tpu.memref_slice %arg2[%dma_wait3A_225, %dma_wait3A_226] : memref<10000x128xf32, #tpu.memory_space<hbm>> -> memref<10000x128xf32, #tpu.memory_space<hbm>>
    tpu.wait_indirect_dma semaphore(%arg12 : memref<!tpu.dma_semaphore, #tpu.memory_space<semaphore_mem>>) src(%dma_wait3A_227 : memref<10000x128xf32, #tpu.memory_space<hbm>>) dst(%arg8 : memref<32x128xf32, #tpu.memory_space<vmem>>)
    %run_scoped3A = arith.constant 0 : i32
    "tpu.region"() ({
      %run_scoped3A_250 = tpu.sem_alloc : memref<!tpu.dma_semaphore, #tpu.memory_space<semaphore_mem>>
      %dma_start3A_251 = arith.constant 0 : i32
      %dma_start3A_252 = tpu.memref_slice %arg7[%run_scoped3A, %dma_start3A_251] : memref<3x32xi32, #tpu.memory_space<vmem>> -> memref<1x32xi32, #tpu.memory_space<vmem>>
      %dma_start3A_253 = tpu.memref_squeeze %dma_start3A_252 : memref<1x32xi32, #tpu.memory_space<vmem>> -> memref<32xi32, #tpu.memory_space<vmem>>
      %dma_start3A_254 = arith.constant 0 : i32
      %dma_start3A_255 = arith.constant 0 : i32
      %dma_start3A_256 = tpu.memref_slice %arg11[%dma_start3A_254, %dma_start3A_255] : memref<5008x128xf32, #tpu.memory_space<vmem_shared>> -> memref<5008x128xf32, #tpu.memory_space<vmem_shared>>
      tpu.enqueue_indirect_dma source(%arg8 : memref<32x128xf32, #tpu.memory_space<vmem>>) target(%dma_start3A_256 : memref<5008x128xf32, #tpu.memory_space<vmem_shared>>) offsets(%dma_start3A_253 : memref<32xi32, #tpu.memory_space<vmem>>) semaphore(%run_scoped3A_250 : memref<!tpu.dma_semaphore, #tpu.memory_space<semaphore_mem>>) {add = true}
      %dma_wait3A_257 = arith.constant 0 : i32
      %dma_wait3A_258 = tpu.memref_slice %arg7[%run_scoped3A, %dma_wait3A_257] : memref<3x32xi32, #tpu.memory_space<vmem>> -> memref<1x32xi32, #tpu.memory_space<vmem>>
      %dma_wait3A_259 = tpu.memref_squeeze %dma_wait3A_258 : memref<1x32xi32, #tpu.memory_space<vmem>> -> memref<32xi32, #tpu.memory_space<vmem>>
      %dma_wait3A_260 = arith.constant 0 : i32
      %dma_wait3A_261 = arith.constant 0 : i32
      %dma_wait3A_262 = tpu.memref_slice %arg11[%dma_wait3A_260, %dma_wait3A_261] : memref<5008x128xf32, #tpu.memory_space<vmem_shared>> -> memref<5008x128xf32, #tpu.memory_space<vmem_shared>>
      tpu.wait_indirect_dma semaphore(%run_scoped3A_250 : memref<!tpu.dma_semaphore, #tpu.memory_space<semaphore_mem>>) src(%arg8 : memref<32x128xf32, #tpu.memory_space<vmem>>) dst(%dma_wait3A_262 : memref<5008x128xf32, #tpu.memory_space<vmem_shared>>)
      tpu.yield
    }) : () -> ()
    %dma_wait3A_228 = arith.constant 1 : i32
    %dma_wait3A_229 = arith.constant 0 : i32
    %dma_wait3A_230 = tpu.memref_slice %arg6[%dma_wait3A_228, %dma_wait3A_229] : memref<3x32xi32, #tpu.memory_space<vmem>> -> memref<1x32xi32, #tpu.memory_space<vmem>>
    %dma_wait3A_231 = tpu.memref_squeeze %dma_wait3A_230 : memref<1x32xi32, #tpu.memory_space<vmem>> -> memref<32xi32, #tpu.memory_space<vmem>>
    %dma_wait3A_232 = arith.constant 0 : i32
    %dma_wait3A_233 = arith.constant 0 : i32
    %dma_wait3A_234 = tpu.memref_slice %arg2[%dma_wait3A_232, %dma_wait3A_233] : memref<10000x128xf32, #tpu.memory_space<hbm>> -> memref<10000x128xf32, #tpu.memory_space<hbm>>
    tpu.wait_indirect_dma semaphore(%arg13 : memref<!tpu.dma_semaphore, #tpu.memory_space<semaphore_mem>>) src(%dma_wait3A_234 : memref<10000x128xf32, #tpu.memory_space<hbm>>) dst(%arg9 : memref<32x128xf32, #tpu.memory_space<vmem>>)
    %run_scoped3A_235 = arith.constant 1 : i32
    "tpu.region"() ({
      %run_scoped3A_250 = tpu.sem_alloc : memref<!tpu.dma_semaphore, #tpu.memory_space<semaphore_mem>>
      %dma_start3A_251 = arith.constant 0 : i32
      %dma_start3A_252 = tpu.memref_slice %arg7[%run_scoped3A_235, %dma_start3A_251] : memref<3x32xi32, #tpu.memory_space<vmem>> -> memref<1x32xi32, #tpu.memory_space<vmem>>
      %dma_start3A_253 = tpu.memref_squeeze %dma_start3A_252 : memref<1x32xi32, #tpu.memory_space<vmem>> -> memref<32xi32, #tpu.memory_space<vmem>>
      %dma_start3A_254 = arith.constant 0 : i32
      %dma_start3A_255 = arith.constant 0 : i32
      %dma_start3A_256 = tpu.memref_slice %arg11[%dma_start3A_254, %dma_start3A_255] : memref<5008x128xf32, #tpu.memory_space<vmem_shared>> -> memref<5008x128xf32, #tpu.memory_space<vmem_shared>>
      tpu.enqueue_indirect_dma source(%arg9 : memref<32x128xf32, #tpu.memory_space<vmem>>) target(%dma_start3A_256 : memref<5008x128xf32, #tpu.memory_space<vmem_shared>>) offsets(%dma_start3A_253 : memref<32xi32, #tpu.memory_space<vmem>>) semaphore(%run_scoped3A_250 : memref<!tpu.dma_semaphore, #tpu.memory_space<semaphore_mem>>) {add = true}
      %dma_wait3A_257 = arith.constant 0 : i32
      %dma_wait3A_258 = tpu.memref_slice %arg7[%run_scoped3A_235, %dma_wait3A_257] : memref<3x32xi32, #tpu.memory_space<vmem>> -> memref<1x32xi32, #tpu.memory_space<vmem>>
      %dma_wait3A_259 = tpu.memref_squeeze %dma_wait3A_258 : memref<1x32xi32, #tpu.memory_space<vmem>> -> memref<32xi32, #tpu.memory_space<vmem>>
      %dma_wait3A_260 = arith.constant 0 : i32
      %dma_wait3A_261 = arith.constant 0 : i32
      %dma_wait3A_262 = tpu.memref_slice %arg11[%dma_wait3A_260, %dma_wait3A_261] : memref<5008x128xf32, #tpu.memory_space<vmem_shared>> -> memref<5008x128xf32, #tpu.memory_space<vmem_shared>>
      tpu.wait_indirect_dma semaphore(%run_scoped3A_250 : memref<!tpu.dma_semaphore, #tpu.memory_space<semaphore_mem>>) src(%arg9 : memref<32x128xf32, #tpu.memory_space<vmem>>) dst(%dma_wait3A_262 : memref<5008x128xf32, #tpu.memory_space<vmem_shared>>)
      tpu.yield
    }) : () -> ()
    %dma_wait3A_236 = arith.constant 2 : i32
    %dma_wait3A_237 = arith.constant 0 : i32
    %dma_wait3A_238 = tpu.memref_slice %arg6[%dma_wait3A_236, %dma_wait3A_237] : memref<3x32xi32, #tpu.memory_space<vmem>> -> memref<1x32xi32, #tpu.memory_space<vmem>>
    %dma_wait3A_239 = tpu.memref_squeeze %dma_wait3A_238 : memref<1x32xi32, #tpu.memory_space<vmem>> -> memref<32xi32, #tpu.memory_space<vmem>>
    %dma_wait3A_240 = arith.constant 0 : i32
    %dma_wait3A_241 = arith.constant 0 : i32
    %dma_wait3A_242 = tpu.memref_slice %arg2[%dma_wait3A_240, %dma_wait3A_241] : memref<10000x128xf32, #tpu.memory_space<hbm>> -> memref<10000x128xf32, #tpu.memory_space<hbm>>
    tpu.wait_indirect_dma semaphore(%arg14 : memref<!tpu.dma_semaphore, #tpu.memory_space<semaphore_mem>>) src(%dma_wait3A_242 : memref<10000x128xf32, #tpu.memory_space<hbm>>) dst(%arg10 : memref<32x128xf32, #tpu.memory_space<vmem>>)
    %run_scoped3A_243 = arith.constant 2 : i32
    "tpu.region"() ({
      %run_scoped3A_250 = tpu.sem_alloc : memref<!tpu.dma_semaphore, #tpu.memory_space<semaphore_mem>>
      %dma_start3A_251 = arith.constant 0 : i32
      %dma_start3A_252 = tpu.memref_slice %arg7[%run_scoped3A_243, %dma_start3A_251] : memref<3x32xi32, #tpu.memory_space<vmem>> -> memref<1x32xi32, #tpu.memory_space<vmem>>
      %dma_start3A_253 = tpu.memref_squeeze %dma_start3A_252 : memref<1x32xi32, #tpu.memory_space<vmem>> -> memref<32xi32, #tpu.memory_space<vmem>>
      %dma_start3A_254 = arith.constant 0 : i32
      %dma_start3A_255 = arith.constant 0 : i32
      %dma_start3A_256 = tpu.memref_slice %arg11[%dma_start3A_254, %dma_start3A_255] : memref<5008x128xf32, #tpu.memory_space<vmem_shared>> -> memref<5008x128xf32, #tpu.memory_space<vmem_shared>>
      tpu.enqueue_indirect_dma source(%arg10 : memref<32x128xf32, #tpu.memory_space<vmem>>) target(%dma_start3A_256 : memref<5008x128xf32, #tpu.memory_space<vmem_shared>>) offsets(%dma_start3A_253 : memref<32xi32, #tpu.memory_space<vmem>>) semaphore(%run_scoped3A_250 : memref<!tpu.dma_semaphore, #tpu.memory_space<semaphore_mem>>) {add = true}
      %dma_wait3A_257 = arith.constant 0 : i32
      %dma_wait3A_258 = tpu.memref_slice %arg7[%run_scoped3A_243, %dma_wait3A_257] : memref<3x32xi32, #tpu.memory_space<vmem>> -> memref<1x32xi32, #tpu.memory_space<vmem>>
      %dma_wait3A_259 = tpu.memref_squeeze %dma_wait3A_258 : memref<1x32xi32, #tpu.memory_space<vmem>> -> memref<32xi32, #tpu.memory_space<vmem>>
      %dma_wait3A_260 = arith.constant 0 : i32
      %dma_wait3A_261 = arith.constant 0 : i32
      %dma_wait3A_262 = tpu.memref_slice %arg11[%dma_wait3A_260, %dma_wait3A_261] : memref<5008x128xf32, #tpu.memory_space<vmem_shared>> -> memref<5008x128xf32, #tpu.memory_space<vmem_shared>>
      tpu.wait_indirect_dma semaphore(%run_scoped3A_250 : memref<!tpu.dma_semaphore, #tpu.memory_space<semaphore_mem>>) src(%arg10 : memref<32x128xf32, #tpu.memory_space<vmem>>) dst(%dma_wait3A_262 : memref<5008x128xf32, #tpu.memory_space<vmem_shared>>)
      tpu.yield
    }) : () -> ()
    %barrier3A_244 = arith.constant 0 : index
    tpu.barrier barrier_id(%barrier3A_244)
    %lt3A_245 = arith.constant 5 : i32
    %lt3A_246 = arith.cmpi slt, %arg1, %lt3A_245 : i32
    %convert_element_type3A_247 = arith.extui %lt3A_246 : i1 to i32
    %cond3A_248 = arith.constant 0 : i32
    %cond3A_249 = arith.cmpi ne, %convert_element_type3A_247, %cond3A_248 : i32
    scf.if %cond3A_249 {
      %mul3A_250 = arith.constant 1000 : i32
      %mul3A_251 = arith.muli %arg1, %mul3A_250 : i32
      %mul3A_252 = arith.constant 1000 : i32
      %mul3A_253 = arith.muli %arg1, %mul3A_252 : i32
      %add3A = arith.addi %mul3A_0, %mul3A_253 : i32
      "tpu.region"() ({
        %run_scoped3A_254 = tpu.sem_alloc : memref<!tpu.dma_semaphore, #tpu.memory_space<semaphore_mem>>
        %dma_start3A_255 = arith.constant 0 : i32
        %dma_start3A_256 = tpu.memref_slice %arg5[%add3A, %dma_start3A_255] : memref<10000x128xf32, #tpu.memory_space<hbm>> -> memref<1000x128xf32, #tpu.memory_space<hbm>>
        %dma_start3A_257 = arith.constant 0 : i32
        %dma_start3A_258 = tpu.memref_slice %arg11[%mul3A_251, %dma_start3A_257] : memref<5008x128xf32, #tpu.memory_space<vmem_shared>> -> memref<1000x128xf32, #tpu.memory_space<vmem_shared>>
        tpu.enqueue_dma source(%dma_start3A_258 : memref<1000x128xf32, #tpu.memory_space<vmem_shared>>) target(%dma_start3A_256 : memref<1000x128xf32, #tpu.memory_space<hbm>>) target_semaphore(%run_scoped3A_254 : memref<!tpu.dma_semaphore, #tpu.memory_space<semaphore_mem>>)
        %dma_wait3A_259 = arith.constant 0 : i32
        %dma_wait3A_260 = tpu.memref_slice %arg5[%add3A, %dma_wait3A_259] : memref<10000x128xf32, #tpu.memory_space<hbm>> -> memref<1000x128xf32, #tpu.memory_space<hbm>>
        %dma_wait3A_261 = arith.constant 0 : i32
        %dma_wait3A_262 = tpu.memref_slice %arg11[%mul3A_251, %dma_wait3A_261] : memref<5008x128xf32, #tpu.memory_space<vmem_shared>> -> memref<1000x128xf32, #tpu.memory_space<vmem_shared>>
        tpu.wait_dma2 semaphore(%run_scoped3A_254 : memref<!tpu.dma_semaphore, #tpu.memory_space<semaphore_mem>>) src(%dma_wait3A_262 : memref<1000x128xf32, #tpu.memory_space<vmem_shared>>) dst(%dma_wait3A_260 : memref<1000x128xf32, #tpu.memory_space<hbm>>)
        tpu.yield
      }) : () -> ()
    } else {
    }
    return
  }
}

module attributes {stable_mosaic.version = 14 : i64} {
  func.func @body(%arg0: memref<2x16x5008xf32, #tpu.memory_space<vmem>>, %arg1: memref<2x5000x16xf32, #tpu.memory_space<vmem>>) attributes {dimension_semantics = [], scalar_prefetch = 0 : i64, scratch_operands = 0 : i64, tpu.core_type = #tpu.core_type<tc>} {
    %get3A = arith.constant 0 : index
    %get3A_0 = arith.constant 0 : index
    %get3A_1 = arith.constant 0 : index
    %get3A_2 = vector.load %arg0[%get3A, %get3A_0, %get3A_1] : memref<2x16x5008xf32, #tpu.memory_space<vmem>>, vector<1x16x5000xf32>
    %get3A_3 = vector.shape_cast %get3A_2 : vector<1x16x5000xf32> to vector<16x5000xf32>
    %reduce_sum3A = arith.constant dense<0.000000e+00> : vector<5000xf32>
    %reduce_sum3A_4 = vector.multi_reduction <add>, %get3A_3, %reduce_sum3A [0] : vector<16x5000xf32> to vector<5000xf32>
    %broadcast_in_dim3A = vector.shape_cast %reduce_sum3A_4 : vector<5000xf32> to vector<5000x1xf32>
    %broadcast_in_dim3A_5 = vector.shape_cast %broadcast_in_dim3A : vector<5000x1xf32> to vector<5000x1xf32>
    %broadcast_in_dim3A_6 = vector.broadcast %broadcast_in_dim3A_5 : vector<5000x1xf32> to vector<5000x16xf32>
    %swap3A = arith.constant 0 : index
    %swap3A_7 = arith.constant 0 : index
    %swap3A_8 = arith.constant 0 : index
    %swap3A_9 = vector.load %arg1[%swap3A, %swap3A_7, %swap3A_8] : memref<2x5000x16xf32, #tpu.memory_space<vmem>>, vector<1x5000x16xf32>
    %swap3A_10 = vector.shape_cast %swap3A_9 : vector<1x5000x16xf32> to vector<5000x16xf32>
    %swap3A_11 = vector.shape_cast %broadcast_in_dim3A_6 : vector<5000x16xf32> to vector<1x5000x16xf32>
    tpu.vector_store %arg1[%swap3A, %swap3A_7, %swap3A_8], %swap3A_11 {strides = array<i32>} : memref<2x5000x16xf32, #tpu.memory_space<vmem>>, vector<1x5000x16xf32>,
    %get3A_12 = arith.constant 1 : index
    %get3A_13 = arith.constant 0 : index
    %get3A_14 = arith.constant 0 : index
    %get3A_15 = vector.load %arg0[%get3A_12, %get3A_13, %get3A_14] : memref<2x16x5008xf32, #tpu.memory_space<vmem>>, vector<1x16x5000xf32>
    %get3A_16 = vector.shape_cast %get3A_15 : vector<1x16x5000xf32> to vector<16x5000xf32>
    %reduce_sum3A_17 = arith.constant dense<0.000000e+00> : vector<5000xf32>
    %reduce_sum3A_18 = vector.multi_reduction <add>, %get3A_16, %reduce_sum3A_17 [0] : vector<16x5000xf32> to vector<5000xf32>
    %broadcast_in_dim3A_19 = vector.shape_cast %reduce_sum3A_18 : vector<5000xf32> to vector<5000x1xf32>
    %broadcast_in_dim3A_20 = vector.shape_cast %broadcast_in_dim3A_19 : vector<5000x1xf32> to vector<5000x1xf32>
    %broadcast_in_dim3A_21 = vector.broadcast %broadcast_in_dim3A_20 : vector<5000x1xf32> to vector<5000x16xf32>
    %swap3A_22 = arith.constant 1 : index
    %swap3A_23 = arith.constant 0 : index
    %swap3A_24 = arith.constant 0 : index
    %swap3A_25 = vector.load %arg1[%swap3A_22, %swap3A_23, %swap3A_24] : memref<2x5000x16xf32, #tpu.memory_space<vmem>>, vector<1x5000x16xf32>
    %swap3A_26 = vector.shape_cast %swap3A_25 : vector<1x5000x16xf32> to vector<5000x16xf32>
    %swap3A_27 = vector.shape_cast %broadcast_in_dim3A_21 : vector<5000x16xf32> to vector<1x5000x16xf32>
    tpu.vector_store %arg1[%swap3A_22, %swap3A_23, %swap3A_24], %swap3A_27 {strides = array<i32>} : memref<2x5000x16xf32, #tpu.memory_space<vmem>>, vector<1x5000x16xf32>,
    return
  }
}

module attributes {stable_mosaic.version = 14 : i64} {
  func.func @body(%arg0: i32, %arg1: memref<1000x128xf32, #tpu.memory_space<vmem>>, %arg2: memref<1000x16xf32, #tpu.memory_space<vmem>>, %arg3: memref<1000x128xf32, #tpu.memory_space<vmem>>, %arg4: memref<128x128xf32, #tpu.memory_space<vmem>>, %arg5: memref<1x128xf32, #tpu.memory_space<vmem>>, %arg6: memref<128x128xf32, #tpu.memory_space<vmem>>, %arg7: memref<1000x128xf32, #tpu.memory_space<vmem>>) attributes {dimension_semantics = [#tpu.dimension_semantics<arbitrary>], iteration_bounds = array<i64: 10>, scalar_prefetch = 0 : i64, scratch_operands = 0 : i64, tpu.core_type = #tpu.core_type<tc>, window_params = [{transform_indices = @transform_0, window_bounds = array<i64: 1000, 128>}, {transform_indices = @transform_1, window_bounds = array<i64: 1000, 16>}, {transform_indices = @transform_2, window_bounds = array<i64: 1000, 128>}, {pipeline_mode = #tpu.pipeline_mode<synchronous>, transform_indices = @transform_3, window_bounds = array<i64: 128, 128>}, {pipeline_mode = #tpu.pipeline_mode<synchronous>, transform_indices = @transform_4, window_bounds = array<i64: 1, 128>}, {pipeline_mode = #tpu.pipeline_mode<synchronous>, transform_indices = @transform_5, window_bounds = array<i64: 128, 128>}, {transform_indices = @transform_6, window_bounds = array<i64: 1000, 128>}]} {
    %get3A = arith.constant 0 : index
    %get3A_0 = arith.constant 0 : index
    %get3A_1 = vector.load %arg2[%get3A, %get3A_0] : memref<1000x16xf32, #tpu.memory_space<vmem>>, vector<1000x1xf32>
    %max3A = arith.constant 1.000000e+00 : f32
    %max3A_2 = vector.broadcast %max3A : f32 to vector<1000x1xf32>
    %max3A_3 = arith.maximumf %get3A_1, %max3A_2 : vector<1000x1xf32>
    %get3A_4 = arith.constant 0 : index
    %get3A_5 = arith.constant 0 : index
    %get3A_6 = vector.load %arg1[%get3A_4, %get3A_5] : memref<1000x128xf32, #tpu.memory_space<vmem>>, vector<1000x128xf32>
    %div3A = vector.broadcast %max3A_3 : vector<1000x1xf32> to vector<1000x128xf32>
    %div3A_7 = arith.divf %get3A_6, %div3A : vector<1000x128xf32>
    %get3A_8 = arith.constant 0 : index
    %get3A_9 = arith.constant 0 : index
    %get3A_10 = vector.load %arg4[%get3A_8, %get3A_9] : memref<128x128xf32, #tpu.memory_space<vmem>>, vector<128x128xf32>
    %dot_general3A = arith.constant dense<0.000000e+00> : vector<1000x128xf32>
    %dot_general3A_11 = tpu.matmul %div3A_7, %get3A_10, %dot_general3A {dimension_numbers = #tpu.dot_dimension_numbers<[1], [1], [0], [0], [0, 0, 1, 0], [], []>, transpose_lhs_hint = false} : vector<1000x128xf32>, vector<128x128xf32>, vector<1000x128xf32> -> vector<1000x128xf32>
    %get3A_12 = arith.constant 0 : index
    %get3A_13 = arith.constant 0 : index
    %get3A_14 = vector.load %arg3[%get3A_12, %get3A_13] : memref<1000x128xf32, #tpu.memory_space<vmem>>, vector<1000x128xf32>
    %get3A_15 = arith.constant 0 : index
    %get3A_16 = arith.constant 0 : index
    %get3A_17 = vector.load %arg6[%get3A_15, %get3A_16] : memref<128x128xf32, #tpu.memory_space<vmem>>, vector<128x128xf32>
    %dot_general3A_18 = arith.constant dense<0.000000e+00> : vector<1000x128xf32>
    %dot_general3A_19 = tpu.matmul %get3A_14, %get3A_17, %dot_general3A_18 {dimension_numbers = #tpu.dot_dimension_numbers<[1], [1], [0], [0], [0, 0, 1, 0], [], []>, transpose_lhs_hint = false} : vector<1000x128xf32>, vector<128x128xf32>, vector<1000x128xf32> -> vector<1000x128xf32>
    %add3A = arith.addf %dot_general3A_11, %dot_general3A_19 : vector<1000x128xf32>
    %get3A_20 = arith.constant 0 : index
    %get3A_21 = arith.constant 0 : index
    %get3A_22 = vector.load %arg5[%get3A_20, %get3A_21] : memref<1x128xf32, #tpu.memory_space<vmem>>, vector<1x128xf32>
    %add3A_23 = vector.broadcast %get3A_22 : vector<1x128xf32> to vector<1000x128xf32>
    %add3A_24 = arith.addf %add3A, %add3A_23 : vector<1000x128xf32>
    %swap3A = arith.constant 0 : index
    %swap3A_25 = arith.constant 0 : index
    %swap3A_26 = vector.load %arg7[%swap3A, %swap3A_25] : memref<1000x128xf32, #tpu.memory_space<vmem>>, vector<1000x128xf32>
    tpu.vector_store %arg7[%swap3A, %swap3A_25], %add3A_24 {strides = array<i32>} : memref<1000x128xf32, #tpu.memory_space<vmem>>, vector<1000x128xf32>,
    return
  }
  func.func @transform_0(%arg0: i32) -> (i32, i32) {
    %c0_i32 = arith.constant 0 : i32
    %c0_i32_0 = arith.constant 0 : i32
    return %arg0, %c0_i32 : i32, i32
  }
  func.func @transform_1(%arg0: i32) -> (i32, i32) {
    %c0_i32 = arith.constant 0 : i32
    %c0_i32_0 = arith.constant 0 : i32
    return %arg0, %c0_i32 : i32, i32
  }
  func.func @transform_2(%arg0: i32) -> (i32, i32) {
    %c0_i32 = arith.constant 0 : i32
    %c0_i32_0 = arith.constant 0 : i32
    return %arg0, %c0_i32 : i32, i32
  }
  func.func @transform_3(%arg0: i32) -> (i32, i32) {
    %c0_i32 = arith.constant 0 : i32
    %c0_i32_0 = arith.constant 0 : i32
    %c0_i32_1 = arith.constant 0 : i32
    return %c0_i32, %c0_i32_0 : i32, i32
  }
  func.func @transform_4(%arg0: i32) -> (i32, i32) {
    %c0_i32 = arith.constant 0 : i32
    %c0_i32_0 = arith.constant 0 : i32
    %c0_i32_1 = arith.constant 0 : i32
    return %c0_i32, %c0_i32_0 : i32, i32
  }
  func.func @transform_5(%arg0: i32) -> (i32, i32) {
    %c0_i32 = arith.constant 0 : i32
    %c0_i32_0 = arith.constant 0 : i32
    %c0_i32_1 = arith.constant 0 : i32
    return %c0_i32, %c0_i32_0 : i32, i32
  }
  func.func @transform_6(%arg0: i32) -> (i32, i32) {
    %c0_i32 = arith.constant 0 : i32
    %c0_i32_0 = arith.constant 0 : i32
    return %arg0, %c0_i32 : i32, i32
  }
}

module attributes {stable_mosaic.version = 14 : i64} {
  func.func @body(%arg0: i32, %arg1: memref<1000x128xf32, #tpu.memory_space<vmem>>, %arg2: memref<1000x16xf32, #tpu.memory_space<vmem>>, %arg3: memref<1000x128xf32, #tpu.memory_space<vmem>>, %arg4: memref<128x128xf32, #tpu.memory_space<vmem>>, %arg5: memref<1x128xf32, #tpu.memory_space<vmem>>, %arg6: memref<128x128xf32, #tpu.memory_space<vmem>>, %arg7: memref<1x128xf32, #tpu.memory_space<vmem>>, %arg8: memref<1x128xf32, #tpu.memory_space<vmem>>, %arg9: memref<1000x128xf32, #tpu.memory_space<vmem>>) attributes {dimension_semantics = [#tpu.dimension_semantics<arbitrary>], iteration_bounds = array<i64: 10>, scalar_prefetch = 0 : i64, scratch_operands = 0 : i64, tpu.core_type = #tpu.core_type<tc>, window_params = [{transform_indices = @transform_0, window_bounds = array<i64: 1000, 128>}, {transform_indices = @transform_1, window_bounds = array<i64: 1000, 16>}, {transform_indices = @transform_2, window_bounds = array<i64: 1000, 128>}, {pipeline_mode = #tpu.pipeline_mode<synchronous>, transform_indices = @transform_3, window_bounds = array<i64: 128, 128>}, {pipeline_mode = #tpu.pipeline_mode<synchronous>, transform_indices = @transform_4, window_bounds = array<i64: 1, 128>}, {pipeline_mode = #tpu.pipeline_mode<synchronous>, transform_indices = @transform_5, window_bounds = array<i64: 128, 128>}, {pipeline_mode = #tpu.pipeline_mode<synchronous>, transform_indices = @transform_6, window_bounds = array<i64: 1, 128>}, {pipeline_mode = #tpu.pipeline_mode<synchronous>, transform_indices = @transform_7, window_bounds = array<i64: 1, 128>}, {transform_indices = @transform_8, window_bounds = array<i64: 1000, 128>}]} {
    %get3A = arith.constant 0 : index
    %get3A_0 = arith.constant 0 : index
    %get3A_1 = vector.load %arg2[%get3A, %get3A_0] : memref<1000x16xf32, #tpu.memory_space<vmem>>, vector<1000x1xf32>
    %max3A = arith.constant 1.000000e+00 : f32
    %max3A_2 = vector.broadcast %max3A : f32 to vector<1000x1xf32>
    %max3A_3 = arith.maximumf %get3A_1, %max3A_2 : vector<1000x1xf32>
    %get3A_4 = arith.constant 0 : index
    %get3A_5 = arith.constant 0 : index
    %get3A_6 = vector.load %arg1[%get3A_4, %get3A_5] : memref<1000x128xf32, #tpu.memory_space<vmem>>, vector<1000x128xf32>
    %div3A = vector.broadcast %max3A_3 : vector<1000x1xf32> to vector<1000x128xf32>
    %div3A_7 = arith.divf %get3A_6, %div3A : vector<1000x128xf32>
    %get3A_8 = arith.constant 0 : index
    %get3A_9 = arith.constant 0 : index
    %get3A_10 = vector.load %arg4[%get3A_8, %get3A_9] : memref<128x128xf32, #tpu.memory_space<vmem>>, vector<128x128xf32>
    %dot_general3A = arith.constant dense<0.000000e+00> : vector<1000x128xf32>
    %dot_general3A_11 = tpu.matmul %div3A_7, %get3A_10, %dot_general3A {dimension_numbers = #tpu.dot_dimension_numbers<[1], [1], [0], [0], [0, 0, 1, 0], [], []>, transpose_lhs_hint = false} : vector<1000x128xf32>, vector<128x128xf32>, vector<1000x128xf32> -> vector<1000x128xf32>
    %get3A_12 = arith.constant 0 : index
    %get3A_13 = arith.constant 0 : index
    %get3A_14 = vector.load %arg3[%get3A_12, %get3A_13] : memref<1000x128xf32, #tpu.memory_space<vmem>>, vector<1000x128xf32>
    %get3A_15 = arith.constant 0 : index
    %get3A_16 = arith.constant 0 : index
    %get3A_17 = vector.load %arg6[%get3A_15, %get3A_16] : memref<128x128xf32, #tpu.memory_space<vmem>>, vector<128x128xf32>
    %dot_general3A_18 = arith.constant dense<0.000000e+00> : vector<1000x128xf32>
    %dot_general3A_19 = tpu.matmul %get3A_14, %get3A_17, %dot_general3A_18 {dimension_numbers = #tpu.dot_dimension_numbers<[1], [1], [0], [0], [0, 0, 1, 0], [], []>, transpose_lhs_hint = false} : vector<1000x128xf32>, vector<128x128xf32>, vector<1000x128xf32> -> vector<1000x128xf32>
    %add3A = arith.addf %dot_general3A_11, %dot_general3A_19 : vector<1000x128xf32>
    %get3A_20 = arith.constant 0 : index
    %get3A_21 = arith.constant 0 : index
    %get3A_22 = vector.load %arg5[%get3A_20, %get3A_21] : memref<1x128xf32, #tpu.memory_space<vmem>>, vector<1x128xf32>
    %add3A_23 = vector.broadcast %get3A_22 : vector<1x128xf32> to vector<1000x128xf32>
    %add3A_24 = arith.addf %add3A, %add3A_23 : vector<1000x128xf32>
    %reduce_sum3A = arith.constant dense<0.000000e+00> : vector<1000xf32>
    %reduce_sum3A_25 = vector.multi_reduction <add>, %add3A_24, %reduce_sum3A [1] : vector<1000x128xf32> to vector<1000xf32>
    %broadcast_in_dim3A = vector.shape_cast %reduce_sum3A_25 : vector<1000xf32> to vector<1000x1xf32>
    %div3A_26 = arith.constant 1.280000e+02 : f32
    %div3A_27 = vector.broadcast %div3A_26 : f32 to vector<1000x1xf32>
    %div3A_28 = arith.divf %broadcast_in_dim3A, %div3A_27 : vector<1000x1xf32>
    %sub3A = vector.broadcast %div3A_28 : vector<1000x1xf32> to vector<1000x128xf32>
    %sub3A_29 = arith.subf %add3A_24, %sub3A : vector<1000x128xf32>
    %integer_pow3A = arith.mulf %sub3A_29, %sub3A_29 : vector<1000x128xf32>
    %reduce_sum3A_30 = arith.constant dense<0.000000e+00> : vector<1000xf32>
    %reduce_sum3A_31 = vector.multi_reduction <add>, %integer_pow3A, %reduce_sum3A_30 [1] : vector<1000x128xf32> to vector<1000xf32>
    %broadcast_in_dim3A_32 = vector.shape_cast %reduce_sum3A_31 : vector<1000xf32> to vector<1000x1xf32>
    %div3A_33 = arith.constant 1.280000e+02 : f32
    %div3A_34 = vector.broadcast %div3A_33 : f32 to vector<1000x1xf32>
    %div3A_35 = arith.divf %broadcast_in_dim3A_32, %div3A_34 : vector<1000x1xf32>
    %sub3A_36 = vector.broadcast %div3A_28 : vector<1000x1xf32> to vector<1000x128xf32>
    %sub3A_37 = arith.subf %add3A_24, %sub3A_36 : vector<1000x128xf32>
    %add3A_38 = arith.constant 9.99999974E-6 : f32
    %add3A_39 = vector.broadcast %add3A_38 : f32 to vector<1000x1xf32>
    %add3A_40 = arith.addf %div3A_35, %add3A_39 : vector<1000x1xf32>
    %sqrt3A = math.sqrt %add3A_40 : vector<1000x1xf32>
    %div3A_41 = vector.broadcast %sqrt3A : vector<1000x1xf32> to vector<1000x128xf32>
    %div3A_42 = arith.divf %sub3A_37, %div3A_41 : vector<1000x128xf32>
    %get3A_43 = arith.constant 0 : index
    %get3A_44 = arith.constant 0 : index
    %get3A_45 = vector.load %arg7[%get3A_43, %get3A_44] : memref<1x128xf32, #tpu.memory_space<vmem>>, vector<1x128xf32>
    %mul3A = vector.broadcast %get3A_45 : vector<1x128xf32> to vector<1000x128xf32>
    %mul3A_46 = arith.mulf %div3A_42, %mul3A : vector<1000x128xf32>
    %get3A_47 = arith.constant 0 : index
    %get3A_48 = arith.constant 0 : index
    %get3A_49 = vector.load %arg8[%get3A_47, %get3A_48] : memref<1x128xf32, #tpu.memory_space<vmem>>, vector<1x128xf32>
    %add3A_50 = vector.broadcast %get3A_49 : vector<1x128xf32> to vector<1000x128xf32>
    %add3A_51 = arith.addf %mul3A_46, %add3A_50 : vector<1000x128xf32>
    %swap3A = arith.constant 0 : index
    %swap3A_52 = arith.constant 0 : index
    %swap3A_53 = vector.load %arg9[%swap3A, %swap3A_52] : memref<1000x128xf32, #tpu.memory_space<vmem>>, vector<1000x128xf32>
    tpu.vector_store %arg9[%swap3A, %swap3A_52], %add3A_51 {strides = array<i32>} : memref<1000x128xf32, #tpu.memory_space<vmem>>, vector<1000x128xf32>,
    return
  }
  func.func @transform_0(%arg0: i32) -> (i32, i32) {
    %c0_i32 = arith.constant 0 : i32
    %c0_i32_0 = arith.constant 0 : i32
    return %arg0, %c0_i32 : i32, i32
  }
  func.func @transform_1(%arg0: i32) -> (i32, i32) {
    %c0_i32 = arith.constant 0 : i32
    %c0_i32_0 = arith.constant 0 : i32
    return %arg0, %c0_i32 : i32, i32
  }
  func.func @transform_2(%arg0: i32) -> (i32, i32) {
    %c0_i32 = arith.constant 0 : i32
    %c0_i32_0 = arith.constant 0 : i32
    return %arg0, %c0_i32 : i32, i32
  }
  func.func @transform_3(%arg0: i32) -> (i32, i32) {
    %c0_i32 = arith.constant 0 : i32
    %c0_i32_0 = arith.constant 0 : i32
    %c0_i32_1 = arith.constant 0 : i32
    return %c0_i32, %c0_i32_0 : i32, i32
  }
  func.func @transform_4(%arg0: i32) -> (i32, i32) {
    %c0_i32 = arith.constant 0 : i32
    %c0_i32_0 = arith.constant 0 : i32
    %c0_i32_1 = arith.constant 0 : i32
    return %c0_i32, %c0_i32_0 : i32, i32
  }
  func.func @transform_5(%arg0: i32) -> (i32, i32) {
    %c0_i32 = arith.constant 0 : i32
    %c0_i32_0 = arith.constant 0 : i32
    %c0_i32_1 = arith.constant 0 : i32
    return %c0_i32, %c0_i32_0 : i32, i32
  }
  func.func @transform_6(%arg0: i32) -> (i32, i32) {
    %c0_i32 = arith.constant 0 : i32
    %c0_i32_0 = arith.constant 0 : i32
    %c0_i32_1 = arith.constant 0 : i32
    return %c0_i32, %c0_i32_0 : i32, i32
  }
  func.func @transform_7(%arg0: i32) -> (i32, i32) {
    %c0_i32 = arith.constant 0 : i32
    %c0_i32_0 = arith.constant 0 : i32
    %c0_i32_1 = arith.constant 0 : i32
    return %c0_i32, %c0_i32_0 : i32, i32
  }
  func.func @transform_8(%arg0: i32) -> (i32, i32) {
    %c0_i32 = arith.constant 0 : i32
    %c0_i32_0 = arith.constant 0 : i32
    return %arg0, %c0_i32 : i32, i32
  }
}

</mosaic_0001>

<sc_bundles>
// kernel: kernel.10.cloned.1.call-start
scs
__scs_entry_jumppad:
0x0: {  	(pc) =	sbr.rel $0x88, $3  }
0x1: {  	(tag) =	ssettag $0x0;
	lr =	simm.s32 $0x1  }
0x2: {  	[smem:$0x3F97] =	sst lr;
	_ =	strace $0xD0000000  }
0x3: {  	_ = 	snop  }
0x4: {  	_ = 	snop  }
0x5: {  	_ = 	snop  }
0x6: {  	_ = 	snop  }
0x7: {  	_ = 	snop  }
__scs_overlays_trampoline_lowered:
0x8: {  	[smem:$0x3FA6] =	sst s0  }
0x9: {  	[smem:$0x3FA7] =	sst s1  }
0xa: {  	[smem:$0x3FA8] =	sst s2  }
0xb: {  	[smem:$0x3FA9] =	sst s3  }
0xc: {  	[smem:$0x3FAA] =	sst s4  }
0xd: {  	[smem:$0x3FAB] =	sst s5  }
0xe: {  	[smem:$0x3FAC] =	sst s6  }
0xf: {  	[smem:$0x3FAD] =	sst s7  }
0x10: {  	[smem:$0x3FAE] =	sst s8  }
0x11: {  	[smem:$0x3FAF] =	sst s9;
	s0 =	simm.s32 @!p0 $0x0  }
0x12: {  	s1 =	sld [smem:$0x3F95];
	s0 =	simm.s32 @p0 $0x1  }
0x13: {  	[smem:$0x3FB0] =	sst s0;
	s0 =	simm.s32 @!p1 $0x0  }
0x14: {  	s2 =	sld [smem:$0x3F94];
	s0 =	simm.s32 @p1 $0x1  }
0x15: {  	[smem:$0x3FB1] =	sst s0;
	s0 =	simm.s32 @!p2 $0x0  }
0x16: {  	s3 =	sld [smem:$0x3FDB];
	s0 =	simm.s32 @p2 $0x1  }
0x17: {  	s4 =	simm.s32 $0x1BF5;
	[smem:$0x3FB3] =	sst s0  }
0x18: {  	s0 =	sld [smem:$0x3F96];
	_ =	swait.ge [sflag:s4], $0x0  }
0x19: {  	s7 =	sld [smem:$0x3F97]  }
0x1a: {  	s8 =	sadd.s32 $0xFFFFE003, lr  }
0x1b: {  	s9 =	sadd.s32 $0xFFFFFEF7, lr;
	s5 =	simm.s32 $0xFFFFFFFF;
	p2 =	slt.u32 s8, $0xFFFFF086  }
0x1c: {  	p1 =	slt.u32 s9, $0xF7A;
	s5 =	simm.s32 @!p2 $0x0  }
0x1d: {  	s5 =	simm.s32 @p1 $0x1;
	p0 =	seq.s32 s7, s2  }
0x1e: {  	s7 =	smul.u32 @!p0 $0xF7A, s2;
	p2 =	seq.s32 @!p0 s5, $0x0  }
0x1f: {  	s9 =	smul.u32 $0xF7A, s1;
	s8 =	simm.s32 @!p0 $0x1BF5;
	p2 =	por !p2, p0  }
0x20: {  	[sflag:s8] =	ssyncset.s32 @!p0 $0xFFFFF086;
	s6 =	sadd.s32 @!p0 s3, s7;
	s7 =	simm.s32 @!p0 $0x108  }
0x21: {  	s3 =	sadd.s32 s3, s9;
	s6 =	sadd.s32 @!p0 $0x88, s6;
	s7 =	simm.s32 @p2 $0x1082  }
0x22: {  	[simem:s7], [sflag:s8] =	dma.local @!p0 [hbm:s6], $0xF7A  }
0x23: {  	s9 =	sor.u32 $0xD0000000, s2;
	s6 =	simm.s32 $0x108;
	_ =	swait.ge @!p0 [sflag:s8], $0x0  }
0x24: {  	s3 =	sadd.s32 $0x88, s3;
	s6 =	simm.s32 @!p1 $0x1082;
	[sflag:s4] =	ssyncset.s32 $0xFFFFF086  }
0x25: {  	[simem:s6], [sflag:s4] =	dma.local [hbm:s3], $0xF7A  }
0x26: {  	[smem:$0x3F97] =	sst s1;
	(tag) =	ssettag s2;
	_ =	strace s9  }
0x27: {  	s1 =	sld [smem:$0x3FA7]  }
0x28: {  	s2 =	sld [smem:$0x3FA8]  }
0x29: {  	s4 =	sld [smem:$0x3FAA]  }
0x2a: {  	p0 =	seq.s32 s5, $0x0;
	s5 =	sld [smem:$0x3FAB]  }
0x2b: {  	s6 =	sld [smem:$0x3FAC]  }
0x2c: {  	s7 =	sld [smem:$0x3FAD]  }
0x2d: {  	s3 =	simm.s32 $0x108;
	s8 =	sld [smem:$0x3FAE]  }
0x2e: {  	s3 =	simm.s32 @!p0 $0x1082;
	s9 =	sld [smem:$0x3FAF]  }
0x2f: {  	lr =	sadd.s32 s0, s3;
	s0 =	sld [smem:$0x3FA6]  }
0x30: {  	s3 =	sld [smem:$0x3FA9]  }
0x31: {  	[smem:$0x3FB2] =	sst s10  }
0x32: {  	s10 =	sld [smem:$0x3FB0];
	_ =	sdelay $0x3  }
0x33: {  	p0 =	seq.s32 s10, $0x1;
	s10 =	sld [smem:$0x3FB2];
	_ =	sdelay $0x3  }
0x34: {  	[smem:$0x3FB2] =	sst s10  }
0x35: {  	s10 =	sld [smem:$0x3FB1];
	_ =	sdelay $0x3  }
0x36: {  	p1 =	seq.s32 s10, $0x1;
	s10 =	sld [smem:$0x3FB2];
	_ =	sdelay $0x3  }
0x37: {  	[smem:$0x3FB2] =	sst s10  }
0x38: {  	s10 =	sld [smem:$0x3FB3]  }
0x39: {  	_ = 	snop;
	(pc) =	sbr.ind lr, $3  }
0x3a: {  	_ = 	snop  }
0x3b: {  	_ = 	snop  }
0x3c: {  	p2 =	seq.s32 s10, $0x1;
	s10 =	sld [smem:$0x3FB2]  }
0x3d: {  	_ =	shalt  }
0x3e: {  	_ =	shalt  }
0x3f: {  	_ =	shalt  }
0x40: {  	_ =	shalt  }
0x41: {  	_ =	shalt  }
0x42: {  	_ =	shalt  }
0x43: {  	_ =	shalt  }
0x44: {  	_ =	shalt  }
0x45: {  	_ =	shalt  }
0x46: {  	_ =	shalt  }
0x47: {  	_ =	shalt  }
0x48: {  	_ =	shalt  }
0x49: {  	_ =	shalt  }
0x4a: {  	_ =	shalt  }
0x4b: {  	_ =	shalt  }
0x4c: {  	_ =	shalt  }
0x4d: {  	_ =	shalt  }
0x4e: {  	_ =	shalt  }
0x4f: {  	_ =	shalt  }
0x50: {  	_ =	shalt  }
0x51: {  	_ =	shalt  }
0x52: {  	_ =	shalt  }
0x53: {  	_ =	shalt  }
0x54: {  	_ =	shalt  }
0x55: {  	_ =	shalt  }
0x56: {  	_ =	shalt  }
0x57: {  	_ =	shalt  }
0x58: {  	_ =	shalt  }
0x59: {  	_ =	shalt  }
0x5a: {  	_ =	shalt  }
0x5b: {  	_ =	shalt  }
0x5c: {  	_ =	shalt  }
0x5d: {  	_ =	shalt  }
0x5e: {  	_ =	shalt  }
0x5f: {  	_ =	shalt  }
0x60: {  	_ =	shalt  }
0x61: {  	_ =	shalt  }
0x62: {  	_ =	shalt  }
0x63: {  	_ =	shalt  }
0x64: {  	_ =	shalt  }
0x65: {  	_ =	shalt  }
0x66: {  	_ =	shalt  }
0x67: {  	_ =	shalt  }
0x68: {  	_ =	shalt  }
0x69: {  	_ =	shalt  }
0x6a: {  	_ =	shalt  }
0x6b: {  	_ =	shalt  }
0x6c: {  	_ =	shalt  }
0x6d: {  	_ =	shalt  }
0x6e: {  	_ =	shalt  }
0x6f: {  	_ =	shalt  }
0x70: {  	_ =	shalt  }
0x71: {  	_ =	shalt  }
0x72: {  	_ =	shalt  }
0x73: {  	_ =	shalt  }
0x74: {  	_ =	shalt  }
0x75: {  	_ =	shalt  }
0x76: {  	_ =	shalt  }
0x77: {  	_ =	shalt  }
0x78: {  	_ =	shalt  }
0x79: {  	_ =	shalt  }
0x7a: {  	_ =	shalt  }
0x7b: {  	_ =	shalt  }
0x7c: {  	_ =	shalt  }
0x7d: {  	_ =	shalt  }
0x7e: {  	_ =	shalt  }
0x7f: {  	_ =	shalt  }
0x80: {  	_ =	shalt  }
0x81: {  	_ =	shalt  }
0x82: {  	_ =	shalt  }
0x83: {  	_ =	shalt  }
0x84: {  	_ =	shalt  }
0x85: {  	_ =	shalt  }
0x86: {  	_ =	shalt  }
0x87: {  	_ =	shalt  }
.Lfunc_end0:
.L_simem_size_0:
called_computation.1_lowered:
.L_overlay_start_0:
0x88: {  	s2 =	sld [smem:$0x3FD9]  }
0x89: {  	s3 =	sld [smem:$0x3FFE];
	_ =	sdelay $0x1  }
0x8a: {  	s1 =	srdreg.scid  }
0x8b: {  	s0 =	sand.u32 $0x1, s1  }
0x8c: {  	s17 =	sshll.u32 s0, $0xA;
	s2 =	sadd.s32 s3, s2  }
0x8d: {  	s2 =	sadd.s32 s2, s17  }
0x8e: {  	[smem:$0x3FBE] =	sst s2  }
0x8f: {  	_ = 	snop  }
0x90: {  	s2 =	sld [smem:$0x3FD0];
	(tm) =	ssettm $0x1  }
0x91: {  	s18 =	sld [smem:$0x3FFB];
	_ =	sdelay $0x3  }
0x92: {  	_ =	strace s18  }
0x93: {  	s3 =	sld [smem:$0x3FFC];
	_ =	sdelay $0x3  }
0x94: {  	_ =	strace s3  }
0x95: {  	s3 =	sld [smem:$0x3FFD];
	_ =	sdelay $0x3  }
0x96: {  	_ =	strace s3  }
0x97: {  	_ =	strace $0x8FFFFFFF  }
0x98: {  	s19 =	sld [smem:$0x3FDB];
	_ =	sdelay $0x1  }
0x99: {  	s4 =	simm.s32 $_scs_section_size  }
0x9a: {  	s5 =	simm.s32 $_size__tile_overlayer_lowered;
	s6 =	simm.s32 $_tile_overlayer_lowered  }
0x9b: {  	s22 =	simm.s32 $0x1BFF;
	s21 =	sshll.u32 s6, $0x1;
	s3 =	sadd.s32 s4, s19  }
0x9c: {  	s7 =	simm.s32 $0x0;
	s20 =	sshll.u32 s5, $0x1;
	s5 =	sadd.s32 s21, s3  }
0x9d: {  	[timem:s7], [sflag:s22] =	dma.local [hbm:s5], s20  }
0x9e: {  	_ =	swait.ge [sflag:s22], s20  }
0x9f: {  	s4 =	ssub.s32 $0x0, s20;
	[sflag:s22] =	ssyncset.done $0x0  }
0xa0: {  	[sflag:s22] =	ssyncadd.s32 s4;
	_ =	sdelay $0x1  }
0xa1: {  	s23 =	simm.s32 $0x1B8B  }
0xa2: {  	_ =	swait.ge [sflag:s23], $0x1  }
0xa3: {  	[sflag:s23] =	ssyncset.done $0x0  }
0xa4: {  	s25 =	simm.s32 $0x1B8E;
	s24 =	sld [smem:$0x3FFE];
	[sflag:s23] =	ssyncadd.s32 $0xFFFFFFFF  }
0xa5: {  	s26 =	simm.s32 $execute0_lowered;
	[smem:$0x3FD2] =	sst s25  }
0xa6: {  	s5 =	sshll.u32 s26, $0x1;
	_ =	strace $0x80000049;
	[dreg:$0x1] =	wrdreg $0xFFFFFFFF  }
0xa7: {  	s28 =	simm.s32 $_size_execute0_lowered;
	s3 =	sadd.s32 s3, s5;
	[dreg:$0x0] =	wrdreg $0x0  }
0xa8: {  	s5 =	sshll.u32 s28, $0x1;
	[dreg:$0x2] =	wrdreg s3  }
0xa9: {  	[dreg:$0x3] =	wrdreg s5  }
0xaa: {  	[dreg:$0x4] =	wrdreg $0xC0  }
0xab: {  	_ =	task [dreg:s7], $0x5FFFF  }
0xac: {  	[dreg:$0x1] =	wrdreg $0xFFFFFFFF  }
0xad: {  	[dreg:$0x0] =	wrdreg $0x60  }
0xae: {  	[dreg:$0x2] =	wrdreg s2  }
0xaf: {  	[dreg:$0x3] =	wrdreg s24  }
0xb0: {  	[dreg:$0x4] =	wrdreg $0x34000  }
0xb1: {  	[dreg:$0x5] =	wrdreg $0x9  }
0xb2: {  	_ =	task.clear_ibuf [dreg:s7], $0x6FFFF;
	_ =	strace $0x90000049  }
0xb3: {  	s29 =	simm.s32 $0x9;
	_ =	strace $0x8000004B  }
0xb4: {  	_ =	swait.ge [sflag:s29], $0x1  }
0xb5: {  	[sflag:s29] =	ssyncadd.s32 $0xFFFFFFFF  }
0xb6: {  	_ =	strace $0x9000004B  }
0xb7: {  	_ =	sfence  }
0xb8: {  	s30 =	sld [smem:$0x0];
	_ =	sdelay $0x2  }
0xb9: {  	s31 =	sshll.u32 s1, $0xD;
	s1 =	sshrl.u32 s1, $0x2  }
0xba: {  	s3 =	sand.u32 $0x4000, s31;
	s1 =	sadd.s32 s1, s30  }
0xbb: {  	s0 =	sor.u32 s3, s0;
	s1 =	sshll.u32 s1, $0x11  }
0xbc: {  	s0 =	sor.u32 s1, s0  }
0xbd: {  	s0 =	sadd.s32 $0x8F2B, s0  }
0xbe: {  	[sflag:s0] =	ssyncadd.remote.s32 $0x1  }
0xbf: {  	_ =	sfence.sel $0xFFFF  }
0xc0: {  	[dreg:$0x0] =	wrdreg $0xFFFFFFFF;
	(pc) =	sbr.abs _section_cstart, $3  }
0xc1: {  	[dreg:$0x1] =	wrdreg $0xFFFFFFFF  }
0xc2: {  	_ =	task.clear_ibuf [dreg:s7], $0x2FFFF;
	_ =	strace $0x9FFFFFFF  }
0xc3: {  	(tm) =	ssettm $0x7FFFFFFF  }
tec
execute0_lowered:
.L_overlay_start_1:
0x0: {  	(tag) =	ssettag $0x1  }
0x1: {  	s0 =	rddreg [dreg:$0x0]  }
0x2: {  	s1 =	rddreg [dreg:$0x1];
	s2 =	srdreg.scid  }
0x3: {  	s3 =	rddreg [dreg:$0x2];
	s12 =	stileid.u32  }
0x4: {  	s4 =	simm.s32 $0x0;
	s19 =	simm.s32 $0x400;
	s28 =	simm.s32 $0x100  }
0x5: {  	s29 =	simm.s32 $0x300;
	s30 =	simm.s32 $0x6;
	s31 =	simm.s32 $0x2400  }
0x6: {  	s2 =	sand.u32 $0x1, s2;
	s5 =	smul.u32 $0x3E8, s12;
	[smem:$0x7FF] =	sst s4  }
0x7: {  	s8 =	smul.u32 $0x7D000, s12;
	s6 =	sadd.s32 $0x29E00, s1;
	s11 =	sadd.s32 $0x9C400, s3  }
0x8: {  	p0 =	sgt.u32 s12, $0x4;
	p1 =	sne.s32 s12, $0x5;
	s9 =	smul.u32 $0x1388, s2  }
0x9: {  	_ =	strace $0x8000004A;
	s2 =	ssub.s32 $0x2, s2;
	[dreg:$0x5] =	wrdreg s11  }
0xa: {  	s8 =	sshrl.u32 s8, $0x2;
	s20 =	sshrl.u32 s2, $0x1;
	s7 =	sadd.s32 s5, s9  }
0xb: {  	s5 =	sadd.s32 $0x2600, s1;
	s8 =	sadd.s32 s8, s3;
	s2 =	ssub.s32 s2, s20  }
0xc: {  	s20 =	simm.s32 $0x7;
	v0 =	vmov s9;
	s9 =	simm.s32 $0x280;
	s10 =	sshll.u32 s7, $0x4  }
0xd: {  	s7 =	smul.u32 $0x13C00, s12;
	s21 =	sadd.s32 $0x1F000, s8;
	s18 =	smax.u32 s2, $0x1  }
0xe: {  	s2 =	simm.s32 $0x3;
	s1 =	sadd.s32 s10, s1;
	[dreg:$0x4] =	wrdreg s21  }
0xf: {  	s21 =	simm.s32 $0x200;
	s22 =	sshrl.u32 s7, $0x3;
	s17 =	sadd.s32 $0x51600, s1  }
0x10: {  	s1 =	simm.s32 $0x1;
	s23 =	sadd.s32 s5, s22;
	s24 =	sor.u32 $0x10, s22  }
0x11: {  	s13 =	sadd.s32 s6, s22;
	s10 =	sor.u32 $0x20, s22;
	[dreg:$0x6] =	wrdreg s23  }
0x12: {  	s22 =	simm.s32 $0x4;
	[dreg:$0x7] =	wrdreg s13;
	s25 =	sadd.s32 s5, s24  }
0x13: {  	s11 =	sadd.s32 s6, s24;
	s26 =	sadd.s32 s5, s10;
	[dreg:$0x8] =	wrdreg s25  }
0x14: {  	s16 =	sadd.s32 s6, s10;
	s23 =	simm.s32 $0x20;
	[dreg:$0x9] =	wrdreg s11  }
0x15: {  	s24 =	simm.s32 $0x80;
	s10 =	simm.s32 $0x2;
	[dreg:$0xa] =	wrdreg s26  }
0x16: {  	v1 =	vimm.f32 $0.0e+00;
	s25 =	simm.s32 $0x5;
	s26 =	simm.s32 $0x1400;
	s11 =	simm.s32 $0x0  }
.LBB2_1:
0x17: {  	s12 =	simm.s32 $0x0;
	s13 =	simm.s32 $0x200  }
.LBB2_2:
0x18: {  	p2 =	sne.s32 s13, $0x3E00;
	[tilespmem:s12+$0x470] =	vst v1  }
0x19: {  	[tilespmem:s12+$0x400] =	vst v1  }
0x1a: {  	[tilespmem:s12+$0x410] =	vst v1  }
.Ltmp0:
0x1b: {  	[tilespmem:s12+$0x420] =	vst v1;
	(pc) =	sbr.rel @p2 .LBB2_2-.Ltmp0, $4  }
0x1c: {  	[tilespmem:s12+$0x430] =	vst v1  }
0x1d: {  	[tilespmem:s12+$0x440] =	vst v1  }
0x1e: {  	[tilespmem:s12+$0x450] =	vst v1  }
0x1f: {  	[tilespmem:s12+$0x460] =	vst v1;
	s12 =	sshra.s32 s13, $0x2;
	s13 =	sadd.s32 $0x200, s13  }
0x20: {  	[tilespmem:s12+$0x470] =	vst v1  }
0x21: {  	[tilespmem:s12+$0x400] =	vst v1  }
0x22: {  	[tilespmem:s12+$0x410] =	vst v1  }
.Ltmp1:
0x23: {  	[tilespmem:s12+$0x420] =	vst v1;
	(pc) =	sbr.rel @p0 .LBB2_7-.Ltmp1, $4  }
0x24: {  	[tilespmem:s12+$0x430] =	vst v1  }
0x25: {  	[tilespmem:s12+$0x440] =	vst v1  }
0x26: {  	[tilespmem:s12+$0x450] =	vst v1  }
0x27: {  	[tilespmem:s12+$0x460] =	vst v1  }
0x28: {  	s12 =	sadd.s32 $0x0, s8  }
0x29: {  	[spmem:s12] =	stream.linear.scatter [tilespmem:s19], [sflag:$0x7], $0x1000, $0x38;
	[tilespmem:$0xD080] =	vst v63  }
0x2a: {  	s12 =	simm.s32 $0x4000;
	_ =	swait.ge [sflag:s20], $0x1000  }
.LBB2_5:
0x2b: {  	s13 =	sshra.s32 s12, $0x2;
	[sflag:s20] =	ssyncset.done $0x0;
	p2 =	sne.s32 s12, $0x78000  }
.Ltmp2:
0x2c: {  	s13 =	sadd.s32 s13, s8;
	[sflag:s20] =	ssyncadd.s32 $0xFFFFF000;
	(pc) =	sbr.rel @p2 .LBB2_5-.Ltmp2, $3  }
0x2d: {  	[spmem:s13] =	stream.linear.scatter [tilespmem:s19], [sflag:$0x7], $0x1000, $0x38;
	[tilespmem:$0xD080] =	vst v63  }
0x2e: {  	s12 =	sadd.s32 $0x4000, s12;
	_ =	sdelay $0x1  }
0x2f: {  	_ =	swait.ge [sflag:s20], $0x1000  }
.Ltmp3:
0x30: {  	(pc) =	sbr.rel .LBB2_9-.Ltmp3, $4  }
0x31: {  	_ = 	snop  }
0x32: {  	[sflag:s20] =	ssyncset.done $0x0  }
0x33: {  	s12 =	rddreg [dreg:$0x4];
	[sflag:s20] =	ssyncadd.s32 $0xFFFFF000  }
0x34: {  	[spmem:s12] =	stream.linear.scatter [tilespmem:s19], [sflag:$0x7], $0x400, $0x38;
	[tilespmem:$0xD080] =	vst v63  }
.LBB2_7:
.Ltmp4:
0x35: {  	(pc) =	sbr.rel @p1 .LBB2_10-.Ltmp4, $1  }
0x36: {  	_ =	sdelay $0x3  }
0x37: {  	s12 =	rddreg [dreg:$0x5]  }
0x38: {  	[spmem:s12] =	stream.linear.scatter [tilespmem:s19], [sflag:$0x7], $0x400, $0x38;
	[tilespmem:$0xD080] =	vst v63  }
.LBB2_9:
0x39: {  	_ =	swait.ge [sflag:s20], $0x400  }
0x3a: {  	[sflag:s20] =	ssyncset.done $0x0  }
0x3b: {  	[sflag:s20] =	ssyncadd.s32 $0xFFFFFC00  }
.LBB2_10:
0x3c: {  	[bflag:$0x0] =	sbarrier.arrive $0xFFFF  }
0x3d: {  	s12 =	rddreg [dreg:$0x6]  }
0x3e: {  	[tilespmem:s4], [sflag:$0x4] =	stream.linear.gather [hbm4b:s12+s4], $0x80, $0x38;
	[tilespmem:$0xD080] =	vst v63  }
0x3f: {  	s15 =	rddreg [dreg:$0x7]  }
0x40: {  	[tilespmem:s21], [sflag:$0x4] =	stream.linear.gather [hbm4b:s15+s4], $0x80, $0x38;
	[tilespmem:$0xD080] =	vst v63  }
0x41: {  	_ =	swait.ge [sflag:s22], $0x80  }
0x42: {  	[sflag:s22] =	ssyncset.done $0x0  }
0x43: {  	[sflag:s22] =	ssyncadd.s32 $0xFFFFFF80  }
0x44: {  	_ =	swait.ge [sflag:s22], $0x80  }
0x45: {  	[sflag:s22] =	ssyncset.done $0x0  }
0x46: {  	[sflag:s22] =	ssyncadd.s32 $0xFFFFFF80  }
0x47: {  	v2 =	vld [tilespmem:$0x200]  }
0x48: {  	v3 =	vld [tilespmem:$0x210];
	_ =	sdelay $0x3  }
0x49: {  	v2 =	vsub.s32 v2, v0  }
0x4a: {  	v3 =	vsub.s32 v3, v0;
	v2 =	vmin.u32 v2, $0x1388  }
0x4b: {  	[tilespmem:$0x200] =	vst v2;
	v2 =	vmin.u32 v3, $0x1388  }
0x4c: {  	[tilespmem:$0x210] =	vst v2  }
0x4d: {  	[tilespmem:s19], [sflag:$0x1] =	stream.indirect.gather [hbm4b:s0+s23], $0x80, s4, s23, $0xb8;
	[tilespmem:$0xD080] =	vst v63  }
0x4e: {  	s13 =	rddreg [dreg:$0x8]  }
0x4f: {  	[tilespmem:s24], [sflag:$0x5] =	stream.linear.gather [hbm4b:s13+s4], $0x80, $0x38;
	[tilespmem:$0xD080] =	vst v63  }
0x50: {  	s12 =	simm.s32 $0x280;
	s13 =	rddreg [dreg:$0x9]  }
0x51: {  	[tilespmem:s12], [sflag:$0x5] =	stream.linear.gather [hbm4b:s13+s4], $0x80, $0x38;
	[tilespmem:$0xD080] =	vst v63  }
0x52: {  	_ =	swait.ge [sflag:s25], $0x80  }
0x53: {  	[sflag:s25] =	ssyncset.done $0x0  }
0x54: {  	[sflag:s25] =	ssyncadd.s32 $0xFFFFFF80  }
0x55: {  	_ =	swait.ge [sflag:s25], $0x80  }
0x56: {  	[sflag:s25] =	ssyncset.done $0x0  }
0x57: {  	[sflag:s25] =	ssyncadd.s32 $0xFFFFFF80  }
0x58: {  	v2 =	vld [tilespmem:$0x280]  }
0x59: {  	v3 =	vld [tilespmem:$0x290];
	_ =	sdelay $0x3  }
0x5a: {  	v2 =	vsub.s32 v2, v0  }
0x5b: {  	v3 =	vsub.s32 v3, v0;
	v2 =	vmin.u32 v2, $0x1388  }
0x5c: {  	[tilespmem:$0x280] =	vst v2;
	v2 =	vmin.u32 v3, $0x1388  }
0x5d: {  	[tilespmem:$0x290] =	vst v2  }
0x5e: {  	[tilespmem:s26], [sflag:$0x2] =	stream.indirect.gather [hbm4b:s0+s23], $0x80, s24, s23, $0xb8;
	[tilespmem:$0xD080] =	vst v63  }
0x5f: {  	s14 =	rddreg [dreg:$0xa]  }
0x60: {  	[tilespmem:s28], [sflag:$0x6] =	stream.linear.gather [hbm4b:s14+s4], $0x80, $0x38;
	[tilespmem:$0xD080] =	vst v63  }
0x61: {  	_ = 	snop  }
0x62: {  	[tilespmem:s29], [sflag:$0x6] =	stream.linear.gather [hbm4b:s16+s4], $0x80, $0x38;
	[tilespmem:$0xD080] =	vst v63  }
0x63: {  	_ =	swait.ge [sflag:s30], $0x80  }
0x64: {  	[sflag:s30] =	ssyncset.done $0x0  }
0x65: {  	[sflag:s30] =	ssyncadd.s32 $0xFFFFFF80  }
0x66: {  	_ =	swait.ge [sflag:s30], $0x80  }
0x67: {  	[sflag:s30] =	ssyncset.done $0x0  }
0x68: {  	[sflag:s30] =	ssyncadd.s32 $0xFFFFFF80  }
0x69: {  	v2 =	vld [tilespmem:$0x300]  }
0x6a: {  	v3 =	vld [tilespmem:$0x310];
	_ =	sdelay $0x3  }
0x6b: {  	v2 =	vsub.s32 v2, v0  }
0x6c: {  	v3 =	vsub.s32 v3, v0;
	v2 =	vmin.u32 v2, $0x1388  }
0x6d: {  	[tilespmem:$0x300] =	vst v2;
	v2 =	vmin.u32 v3, $0x1388  }
0x6e: {  	[tilespmem:$0x310] =	vst v2  }
0x6f: {  	[tilespmem:s31], [sflag:$0x3] =	stream.indirect.gather [hbm4b:s0+s23], $0x80, s28, s23, $0xb8;
	[tilespmem:$0xD080] =	vst v63  }
0x70: {  	s15 =	simm.s32 $0x180;
	_ =	swait.ge [sflag:s1], $0x1000  }
0x71: {  	s14 =	sand.u32 $0x3FC00, s15;
	[sflag:s1] =	ssyncset.done $0x0  }
0x72: {  	s13 =	sand.u32 $0x380, s15;
	s14 =	sadd.s32 s7, s14;
	[sflag:s1] =	ssyncadd.s32 $0xFFFFF000  }
0x73: {  	[spmem:s3] =	stream.indirect.scatter.add.f32 [tilespmem:s19], [sflag:$0x7], $0x80, s21, s23, $0xb8;
	[tilespmem:$0xD080] =	vst v63  }
0x74: {  	s13 =	sor.u32 s13, s14;
	_ =	swait.ge [sflag:s20], $0x1000  }
0x75: {  	s13 =	sshrl.u32 s13, $0x3;
	[sflag:s20] =	ssyncset.done $0x0  }
0x76: {  	s15 =	sadd.s32 s5, s13;
	[sflag:s20] =	ssyncadd.s32 $0xFFFFF000  }
0x77: {  	[tilespmem:s4], [sflag:$0x4] =	stream.linear.gather [hbm4b:s15+s4], $0x80, $0x38;
	[tilespmem:$0xD080] =	vst v63  }
0x78: {  	s13 =	sadd.s32 s6, s13  }
0x79: {  	[tilespmem:s21], [sflag:$0x4] =	stream.linear.gather [hbm4b:s13+s4], $0x80, $0x38;
	[tilespmem:$0xD080] =	vst v63  }
0x7a: {  	_ =	swait.ge [sflag:s22], $0x80  }
0x7b: {  	[sflag:s22] =	ssyncset.done $0x0  }
0x7c: {  	[sflag:s22] =	ssyncadd.s32 $0xFFFFFF80  }
0x7d: {  	_ =	swait.ge [sflag:s22], $0x80  }
0x7e: {  	[sflag:s22] =	ssyncset.done $0x0  }
0x7f: {  	[sflag:s22] =	ssyncadd.s32 $0xFFFFFF80  }
0x80: {  	v2 =	vld [tilespmem:$0x210]  }
0x81: {  	v3 =	vld [tilespmem:$0x200];
	_ =	sdelay $0x3  }
0x82: {  	v2 =	vsub.s32 v2, v0  }
0x83: {  	v3 =	vsub.s32 v3, v0;
	v2 =	vmin.u32 v2, $0x1388  }
0x84: {  	v3 =	vmin.u32 v3, $0x1388;
	[tilespmem:$0x210] =	vst v2  }
0x85: {  	[tilespmem:$0x200] =	vst v3  }
0x86: {  	[tilespmem:s19], [sflag:$0x1] =	stream.indirect.gather [hbm4b:s0+s23], $0x80, s4, s23, $0xb8;
	[tilespmem:$0xD080] =	vst v63  }
0x87: {  	s13 =	simm.s32 $0x200;
	_ =	swait.ge [sflag:s10], $0x1000  }
0x88: {  	s15 =	sand.u32 $0x3FC00, s13;
	[sflag:s10] =	ssyncset.done $0x0  }
0x89: {  	s13 =	sand.u32 $0x380, s13;
	s14 =	sadd.s32 s7, s15;
	[sflag:s10] =	ssyncadd.s32 $0xFFFFF000  }
0x8a: {  	[spmem:s3] =	stream.indirect.scatter.add.f32 [tilespmem:s26], [sflag:$0x7], $0x80, s9, s23, $0xb8;
	[tilespmem:$0xD080] =	vst v63  }
0x8b: {  	s13 =	sor.u32 s13, s14;
	_ =	swait.ge [sflag:s20], $0x1000  }
0x8c: {  	s13 =	sshrl.u32 s13, $0x3;
	[sflag:s20] =	ssyncset.done $0x0  }
0x8d: {  	s15 =	sadd.s32 s5, s13;
	[sflag:s20] =	ssyncadd.s32 $0xFFFFF000  }
0x8e: {  	[tilespmem:s24], [sflag:$0x5] =	stream.linear.gather [hbm4b:s15+s4], $0x80, $0x38;
	[tilespmem:$0xD080] =	vst v63  }
0x8f: {  	s13 =	sadd.s32 s6, s13  }
0x90: {  	[tilespmem:s9], [sflag:$0x5] =	stream.linear.gather [hbm4b:s13+s4], $0x80, $0x38;
	[tilespmem:$0xD080] =	vst v63  }
0x91: {  	_ =	swait.ge [sflag:s25], $0x80  }
0x92: {  	[sflag:s25] =	ssyncset.done $0x0  }
0x93: {  	[sflag:s25] =	ssyncadd.s32 $0xFFFFFF80  }
0x94: {  	_ =	swait.ge [sflag:s25], $0x80  }
0x95: {  	[sflag:s25] =	ssyncset.done $0x0  }
0x96: {  	[sflag:s25] =	ssyncadd.s32 $0xFFFFFF80  }
0x97: {  	v2 =	vld [tilespmem:$0x280]  }
0x98: {  	v3 =	vld [tilespmem:$0x290];
	_ =	sdelay $0x3  }
0x99: {  	v2 =	vsub.s32 v2, v0  }
0x9a: {  	v3 =	vsub.s32 v3, v0;
	v2 =	vmin.u32 v2, $0x1388  }
0x9b: {  	[tilespmem:$0x280] =	vst v2;
	v2 =	vmin.u32 v3, $0x1388  }
0x9c: {  	[tilespmem:$0x290] =	vst v2  }
0x9d: {  	[tilespmem:s26], [sflag:$0x2] =	stream.indirect.gather [hbm4b:s0+s23], $0x80, s24, s23, $0xb8;
	[tilespmem:$0xD080] =	vst v63  }
0x9e: {  	_ =	swait.ge [sflag:s2], $0x1000  }
0x9f: {  	s14 =	sand.u32 $0x3FC00, s12;
	[sflag:s2] =	ssyncset.done $0x0  }
0xa0: {  	s12 =	sand.u32 $0x380, s12;
	s13 =	sadd.s32 s7, s14;
	[sflag:s2] =	ssyncadd.s32 $0xFFFFF000  }
0xa1: {  	[spmem:s3] =	stream.indirect.scatter.add.f32 [tilespmem:s31], [sflag:$0x7], $0x80, s29, s23, $0xb8;
	[tilespmem:$0xD080] =	vst v63  }
0xa2: {  	s12 =	sor.u32 s12, s13;
	_ =	swait.ge [sflag:s20], $0x1000  }
0xa3: {  	s12 =	sshrl.u32 s12, $0x3;
	[sflag:s20] =	ssyncset.done $0x0  }
0xa4: {  	s15 =	sadd.s32 s5, s12;
	[sflag:s20] =	ssyncadd.s32 $0xFFFFF000  }
0xa5: {  	[tilespmem:s28], [sflag:$0x6] =	stream.linear.gather [hbm4b:s15+s4], $0x80, $0x38;
	[tilespmem:$0xD080] =	vst v63  }
0xa6: {  	s12 =	sadd.s32 s6, s12  }
0xa7: {  	[tilespmem:s29], [sflag:$0x6] =	stream.linear.gather [hbm4b:s12+s4], $0x80, $0x38;
	[tilespmem:$0xD080] =	vst v63  }
0xa8: {  	_ =	swait.ge [sflag:s30], $0x80  }
0xa9: {  	[sflag:s30] =	ssyncset.done $0x0  }
0xaa: {  	[sflag:s30] =	ssyncadd.s32 $0xFFFFFF80  }
0xab: {  	_ =	swait.ge [sflag:s30], $0x80  }
0xac: {  	[sflag:s30] =	ssyncset.done $0x0  }
0xad: {  	[sflag:s30] =	ssyncadd.s32 $0xFFFFFF80  }
0xae: {  	v3 =	vld [tilespmem:$0x300]  }
0xaf: {  	s12 =	simm.s32 $0x400;
	v2 =	vld [tilespmem:$0x310]  }
.LBB2_11:
0xb0: {  	_ = 	snop  }
0xb1: {  	p2 =	sne.s32 s12, $0x13900;
	s13 =	smov.u32 s12;
	s12 =	sadd.s32 $0x180, s12  }
0xb2: {  	_ = 	snop  }
0xb3: {  	v3 =	vsub.s32 v3, v0  }
0xb4: {  	v3 =	vmin.u32 v3, $0x1388;
	v2 =	vsub.s32 v2, v0  }
0xb5: {  	[tilespmem:$0x300] =	vst v3;
	v2 =	vmin.u32 v2, $0x1388  }
0xb6: {  	s14 =	sadd.s32 $0xFFFFFF00, s13;
	[tilespmem:$0x310] =	vst v2  }
0xb7: {  	[tilespmem:s31], [sflag:$0x3] =	stream.indirect.gather [hbm4b:s0+s23], $0x80, s28, s23, $0xb8;
	[tilespmem:$0xD080] =	vst v63  }
0xb8: {  	s15 =	sand.u32 $0x3FC00, s14;
	_ =	swait.ge [sflag:s1], $0x1000  }
0xb9: {  	s14 =	sand.u32 $0x380, s14;
	s15 =	sadd.s32 s7, s15;
	[sflag:s1] =	ssyncset.done $0x0  }
0xba: {  	s14 =	sor.u32 s14, s15;
	[sflag:s1] =	ssyncadd.s32 $0xFFFFF000  }
0xbb: {  	[spmem:s3] =	stream.indirect.scatter.add.f32 [tilespmem:s19], [sflag:$0x7], $0x80, s21, s23, $0xb8;
	[tilespmem:$0xD080] =	vst v63  }
0xbc: {  	s14 =	sshrl.u32 s14, $0x3;
	_ =	swait.ge [sflag:s20], $0x1000  }
0xbd: {  	s15 =	sadd.s32 s5, s14;
	[sflag:s20] =	ssyncset.done $0x0  }
0xbe: {  	[sflag:s20] =	ssyncadd.s32 $0xFFFFF000  }
0xbf: {  	[tilespmem:s4], [sflag:$0x4] =	stream.linear.gather [hbm4b:s15+s4], $0x80, $0x38;
	[tilespmem:$0xD080] =	vst v63  }
0xc0: {  	s14 =	sadd.s32 s6, s14  }
0xc1: {  	[tilespmem:s21], [sflag:$0x4] =	stream.linear.gather [hbm4b:s14+s4], $0x80, $0x38;
	[tilespmem:$0xD080] =	vst v63  }
0xc2: {  	_ =	swait.ge [sflag:s22], $0x80  }
0xc3: {  	[sflag:s22] =	ssyncset.done $0x0  }
0xc4: {  	[sflag:s22] =	ssyncadd.s32 $0xFFFFFF80  }
0xc5: {  	_ =	swait.ge [sflag:s22], $0x80  }
0xc6: {  	[sflag:s22] =	ssyncset.done $0x0  }
0xc7: {  	[sflag:s22] =	ssyncadd.s32 $0xFFFFFF80  }
0xc8: {  	v2 =	vld [tilespmem:$0x210]  }
0xc9: {  	v3 =	vld [tilespmem:$0x200];
	_ =	sdelay $0x3  }
0xca: {  	v2 =	vsub.s32 v2, v0  }
0xcb: {  	v3 =	vsub.s32 v3, v0;
	v2 =	vmin.u32 v2, $0x1388  }
0xcc: {  	v3 =	vmin.u32 v3, $0x1388;
	[tilespmem:$0x210] =	vst v2  }
0xcd: {  	[tilespmem:$0x200] =	vst v3  }
0xce: {  	[tilespmem:s19], [sflag:$0x1] =	stream.indirect.gather [hbm4b:s0+s23], $0x80, s4, s23, $0xb8;
	[tilespmem:$0xD080] =	vst v63  }
0xcf: {  	s14 =	sadd.s32 $0xFFFFFF80, s13;
	_ =	swait.ge [sflag:s10], $0x1000  }
0xd0: {  	s15 =	sand.u32 $0x3FC00, s14;
	[sflag:s10] =	ssyncset.done $0x0  }
0xd1: {  	s14 =	sand.u32 $0x380, s14;
	s15 =	sadd.s32 s7, s15;
	[sflag:s10] =	ssyncadd.s32 $0xFFFFF000  }
0xd2: {  	[spmem:s3] =	stream.indirect.scatter.add.f32 [tilespmem:s26], [sflag:$0x7], $0x80, s9, s23, $0xb8;
	[tilespmem:$0xD080] =	vst v63  }
0xd3: {  	s14 =	sor.u32 s14, s15;
	_ =	swait.ge [sflag:s20], $0x1000  }
0xd4: {  	s14 =	sshrl.u32 s14, $0x3;
	[sflag:s20] =	ssyncset.done $0x0  }
0xd5: {  	s15 =	sadd.s32 s5, s14;
	[sflag:s20] =	ssyncadd.s32 $0xFFFFF000  }
0xd6: {  	[tilespmem:s24], [sflag:$0x5] =	stream.linear.gather [hbm4b:s15+s4], $0x80, $0x38;
	[tilespmem:$0xD080] =	vst v63  }
0xd7: {  	s14 =	sadd.s32 s6, s14  }
0xd8: {  	[tilespmem:s9], [sflag:$0x5] =	stream.linear.gather [hbm4b:s14+s4], $0x80, $0x38;
	[tilespmem:$0xD080] =	vst v63  }
0xd9: {  	_ =	swait.ge [sflag:s25], $0x80  }
0xda: {  	[sflag:s25] =	ssyncset.done $0x0  }
0xdb: {  	[sflag:s25] =	ssyncadd.s32 $0xFFFFFF80  }
0xdc: {  	_ =	swait.ge [sflag:s25], $0x80  }
0xdd: {  	[sflag:s25] =	ssyncset.done $0x0  }
0xde: {  	[sflag:s25] =	ssyncadd.s32 $0xFFFFFF80  }
0xdf: {  	v2 =	vld [tilespmem:$0x280]  }
0xe0: {  	v3 =	vld [tilespmem:$0x290];
	_ =	sdelay $0x3  }
0xe1: {  	v2 =	vsub.s32 v2, v0  }
0xe2: {  	v2 =	vmin.u32 v2, $0x1388;
	v3 =	vsub.s32 v3, v0  }
0xe3: {  	[tilespmem:$0x280] =	vst v2;
	v2 =	vmin.u32 v3, $0x1388  }
0xe4: {  	[tilespmem:$0x290] =	vst v2  }
0xe5: {  	[tilespmem:s26], [sflag:$0x2] =	stream.indirect.gather [hbm4b:s0+s23], $0x80, s24, s23, $0xb8;
	[tilespmem:$0xD080] =	vst v63  }
0xe6: {  	_ =	swait.ge [sflag:s2], $0x1000  }
0xe7: {  	[sflag:s2] =	ssyncset.done $0x0  }
0xe8: {  	s14 =	sand.u32 $0x3FC00, s13;
	[sflag:s2] =	ssyncadd.s32 $0xFFFFF000  }
0xe9: {  	[spmem:s3] =	stream.indirect.scatter.add.f32 [tilespmem:s31], [sflag:$0x7], $0x80, s29, s23, $0xb8;
	[tilespmem:$0xD080] =	vst v63  }
0xea: {  	s13 =	sand.u32 $0x380, s13;
	s14 =	sadd.s32 s7, s14  }
0xeb: {  	s13 =	sor.u32 s13, s14;
	_ =	swait.ge [sflag:s20], $0x1000  }
0xec: {  	s13 =	sshrl.u32 s13, $0x3;
	[sflag:s20] =	ssyncset.done $0x0  }
0xed: {  	s14 =	sadd.s32 s5, s13;
	[sflag:s20] =	ssyncadd.s32 $0xFFFFF000  }
0xee: {  	[tilespmem:s28], [sflag:$0x6] =	stream.linear.gather [hbm4b:s14+s4], $0x80, $0x38;
	[tilespmem:$0xD080] =	vst v63  }
0xef: {  	s13 =	sadd.s32 s6, s13  }
0xf0: {  	[tilespmem:s29], [sflag:$0x6] =	stream.linear.gather [hbm4b:s13+s4], $0x80, $0x38;
	[tilespmem:$0xD080] =	vst v63  }
0xf1: {  	_ =	swait.ge [sflag:s30], $0x80  }
0xf2: {  	[sflag:s30] =	ssyncset.done $0x0  }
0xf3: {  	[sflag:s30] =	ssyncadd.s32 $0xFFFFFF80  }
.Ltmp5:
0xf4: {  	_ =	swait.ge [sflag:s30], $0x80;
	(pc) =	sbr.rel @p2 .LBB2_11-.Ltmp5, $4  }
0xf5: {  	[sflag:s30] =	ssyncset.done $0x0  }
0xf6: {  	[sflag:s30] =	ssyncadd.s32 $0xFFFFFF80  }
0xf7: {  	v3 =	vld [tilespmem:$0x300]  }
0xf8: {  	v2 =	vld [tilespmem:$0x310]  }
0xf9: {  	_ =	sdelay $0x2  }
0xfa: {  	v3 =	vsub.s32 v3, v0  }
0xfb: {  	v3 =	vmin.u32 v3, $0x1388;
	v2 =	vsub.s32 v2, v0  }
0xfc: {  	[tilespmem:$0x300] =	vst v3;
	v2 =	vmin.u32 v2, $0x1388  }
0xfd: {  	[tilespmem:$0x310] =	vst v2  }
0xfe: {  	[tilespmem:s31], [sflag:$0x3] =	stream.indirect.gather [hbm4b:s0+s23], $0x80, s28, s23, $0xb8;
	[tilespmem:$0xD080] =	vst v63  }
0xff: {  	_ =	swait.ge [sflag:s1], $0x1000  }
0x100: {  	[sflag:s1] =	ssyncset.done $0x0  }
0x101: {  	[sflag:s1] =	ssyncadd.s32 $0xFFFFF000  }
0x102: {  	[spmem:s3] =	stream.indirect.scatter.add.f32 [tilespmem:s19], [sflag:$0x7], $0x80, s21, s23, $0xb8;
	[tilespmem:$0xD080] =	vst v63  }
0x103: {  	_ =	swait.ge [sflag:s20], $0x1000  }
0x104: {  	[sflag:s20] =	ssyncset.done $0x0  }
0x105: {  	[sflag:s20] =	ssyncadd.s32 $0xFFFFF000  }
0x106: {  	_ =	swait.ge [sflag:s10], $0x1000  }
0x107: {  	[sflag:s10] =	ssyncset.done $0x0  }
0x108: {  	[sflag:s10] =	ssyncadd.s32 $0xFFFFF000  }
0x109: {  	[spmem:s3] =	stream.indirect.scatter.add.f32 [tilespmem:s26], [sflag:$0x7], $0x80, s9, s23, $0xb8;
	[tilespmem:$0xD080] =	vst v63  }
0x10a: {  	_ =	swait.ge [sflag:s20], $0x1000  }
0x10b: {  	[sflag:s20] =	ssyncset.done $0x0  }
0x10c: {  	[sflag:s20] =	ssyncadd.s32 $0xFFFFF000  }
0x10d: {  	_ =	swait.ge [sflag:s2], $0x1000  }
0x10e: {  	[sflag:s2] =	ssyncset.done $0x0  }
0x10f: {  	[sflag:s2] =	ssyncadd.s32 $0xFFFFF000  }
0x110: {  	[spmem:s3] =	stream.indirect.scatter.add.f32 [tilespmem:s31], [sflag:$0x7], $0x80, s29, s23, $0xb8;
	[tilespmem:$0xD080] =	vst v63  }
0x111: {  	_ =	swait.ge [sflag:s20], $0x1000  }
0x112: {  	s12 =	stileid.u32;
	s13 =	sshrl.u32 @!p0 s8, $0x3;
	[sflag:s20] =	ssyncset.done $0x0  }
0x113: {  	s11 =	sadd.s32 $0x1, s11;
	s12 =	sshll.u32 @!p0 s12, $0x6;
	[sflag:s20] =	ssyncadd.s32 $0xFFFFF000  }
0x114: {  	p2 =	sne.s32 s11, s18;
	s12 =	sor.u32 @!p0 $0x1C07, s12;
	[bflag:$0x0] =	sbarrier.arrive $0xFFFF  }
0x115: {  	[hbm:s17], [sflag:s12] =	dma.local @!p0 [spmem:s13], $0x3E80  }
.Ltmp6:
0x116: {  	_ = 	snop;
	(pc) =	sbr.rel @p2 .LBB2_1-.Ltmp6, $4  }
0x117: {  	s12 =	simm.s32 @!p0 $0x7  }
0x118: {  	_ =	swait.ge @!p0 [sflag:s12], $0x3E80  }
0x119: {  	[sflag:s12] =	ssyncset.done @!p0 $0x0  }
0x11a: {  	[sflag:s12] =	ssyncadd.s32 @!p0 $0xFFFFC180  }
0x11b: {  	_ =	sfence.sel $0x180000  }
0x11c: {  	[bflag:$0x0] =	sbarrier.arrive $0xFFFF  }
0x11d: {  	_ =	strace $0x9000004A  }
0x11e: {  	s0 =	stileid.u32;
	[bflag:$0x2] =	sbarrier.arrive $0xFFFF  }
0x11f: {  	p0 =	sne.s32 s0, $0x0;
	s0 =	rddreg [dreg:$0x3]  }
0x120: {  	s0 =	sadd.s32 @!p0 $0x100000, s0  }
0x121: {  	[sflag:s0] =	ssyncadd.tile.s32 @!p0 $0x1;
	_ =	shalt  }
.Lfunc_end2:
_tile_overlayer_lowered:
.L_overlay_start_2:
0x122: {  	(tag) =	ssettag $0x2  }
0x123: {  	s0 =	rddreg [dreg:$0x0];
	s2 =	stileid.u32  }
0x124: {  	s1 =	rddreg [dreg:$0x1];
	p0 =	sne.s32 s2, $0x0  }
0x125: {  	s3 =	rddreg [dreg:$0x2];
	[bflag:$0x3] =	sbarrier.arrive $0xFFFF;
	s2 =	simm.s32 @!p0 $0x1C07  }
0x126: {  	[timem:s3], [sflag:s2] =	dma.local @!p0 [hbm:s0], s1  }
0x127: {  	s0 =	simm.s32 @!p0 $0x7  }
0x128: {  	_ =	swait.ge @!p0 [sflag:s0], s1  }
0x129: {  	s1 =	ssub.s32 @!p0 $0x0, s1;
	[sflag:s0] =	ssyncset.done @!p0 $0x0  }
0x12a: {  	[sflag:s0] =	ssyncadd.s32 @!p0 s1  }
0x12b: {  	[bflag:$0x3] =	sbarrier.arrive $0xFFFF  }
0x12c: {  	_ =	shalt  }

// kernel: kernel.7.cloned.1.call-start
scs
__scs_entry_jumppad:
0x0: {  	(pc) =	sbr.rel $0x88, $3  }
0x1: {  	(tag) =	ssettag $0x0;
	lr =	simm.s32 $0x1  }
0x2: {  	[smem:$0x3F97] =	sst lr;
	_ =	strace $0xD0000000  }
0x3: {  	_ = 	snop  }
0x4: {  	_ = 	snop  }
0x5: {  	_ = 	snop  }
0x6: {  	_ = 	snop  }
0x7: {  	_ = 	snop  }
__scs_overlays_trampoline_lowered:
0x8: {  	[smem:$0x3FA6] =	sst s0  }
0x9: {  	[smem:$0x3FA7] =	sst s1  }
0xa: {  	[smem:$0x3FA8] =	sst s2  }
0xb: {  	[smem:$0x3FA9] =	sst s3  }
0xc: {  	[smem:$0x3FAA] =	sst s4  }
0xd: {  	[smem:$0x3FAB] =	sst s5  }
0xe: {  	[smem:$0x3FAC] =	sst s6  }
0xf: {  	[smem:$0x3FAD] =	sst s7  }
0x10: {  	[smem:$0x3FAE] =	sst s8  }
0x11: {  	[smem:$0x3FAF] =	sst s9;
	s0 =	simm.s32 @!p0 $0x0  }
0x12: {  	s1 =	sld [smem:$0x3F95];
	s0 =	simm.s32 @p0 $0x1  }
0x13: {  	[smem:$0x3FB0] =	sst s0;
	s0 =	simm.s32 @!p1 $0x0  }
0x14: {  	s2 =	sld [smem:$0x3F94];
	s0 =	simm.s32 @p1 $0x1  }
0x15: {  	[smem:$0x3FB1] =	sst s0;
	s0 =	simm.s32 @!p2 $0x0  }
0x16: {  	s3 =	sld [smem:$0x3FDB];
	s0 =	simm.s32 @p2 $0x1  }
0x17: {  	s4 =	simm.s32 $0x1BF5;
	[smem:$0x3FB3] =	sst s0  }
0x18: {  	s0 =	sld [smem:$0x3F96];
	_ =	swait.ge [sflag:s4], $0x0  }
0x19: {  	s7 =	sld [smem:$0x3F97]  }
0x1a: {  	s8 =	sadd.s32 $0xFFFFE003, lr  }
0x1b: {  	s9 =	sadd.s32 $0xFFFFFEF7, lr;
	s5 =	simm.s32 $0xFFFFFFFF;
	p2 =	slt.u32 s8, $0xFFFFF086  }
0x1c: {  	p1 =	slt.u32 s9, $0xF7A;
	s5 =	simm.s32 @!p2 $0x0  }
0x1d: {  	s5 =	simm.s32 @p1 $0x1;
	p0 =	seq.s32 s7, s2  }
0x1e: {  	s7 =	smul.u32 @!p0 $0xF7A, s2;
	p2 =	seq.s32 @!p0 s5, $0x0  }
0x1f: {  	s9 =	smul.u32 $0xF7A, s1;
	s8 =	simm.s32 @!p0 $0x1BF5;
	p2 =	por !p2, p0  }
0x20: {  	[sflag:s8] =	ssyncset.s32 @!p0 $0xFFFFF086;
	s6 =	sadd.s32 @!p0 s3, s7;
	s7 =	simm.s32 @!p0 $0x108  }
0x21: {  	s3 =	sadd.s32 s3, s9;
	s6 =	sadd.s32 @!p0 $0x88, s6;
	s7 =	simm.s32 @p2 $0x1082  }
0x22: {  	[simem:s7], [sflag:s8] =	dma.local @!p0 [hbm:s6], $0xF7A  }
0x23: {  	s9 =	sor.u32 $0xD0000000, s2;
	s6 =	simm.s32 $0x108;
	_ =	swait.ge @!p0 [sflag:s8], $0x0  }
0x24: {  	s3 =	sadd.s32 $0x88, s3;
	s6 =	simm.s32 @!p1 $0x1082;
	[sflag:s4] =	ssyncset.s32 $0xFFFFF086  }
0x25: {  	[simem:s6], [sflag:s4] =	dma.local [hbm:s3], $0xF7A  }
0x26: {  	[smem:$0x3F97] =	sst s1;
	(tag) =	ssettag s2;
	_ =	strace s9  }
0x27: {  	s1 =	sld [smem:$0x3FA7]  }
0x28: {  	s2 =	sld [smem:$0x3FA8]  }
0x29: {  	s4 =	sld [smem:$0x3FAA]  }
0x2a: {  	p0 =	seq.s32 s5, $0x0;
	s5 =	sld [smem:$0x3FAB]  }
0x2b: {  	s6 =	sld [smem:$0x3FAC]  }
0x2c: {  	s7 =	sld [smem:$0x3FAD]  }
0x2d: {  	s3 =	simm.s32 $0x108;
	s8 =	sld [smem:$0x3FAE]  }
0x2e: {  	s3 =	simm.s32 @!p0 $0x1082;
	s9 =	sld [smem:$0x3FAF]  }
0x2f: {  	lr =	sadd.s32 s0, s3;
	s0 =	sld [smem:$0x3FA6]  }
0x30: {  	s3 =	sld [smem:$0x3FA9]  }
0x31: {  	[smem:$0x3FB2] =	sst s10  }
0x32: {  	s10 =	sld [smem:$0x3FB0];
	_ =	sdelay $0x3  }
0x33: {  	p0 =	seq.s32 s10, $0x1;
	s10 =	sld [smem:$0x3FB2];
	_ =	sdelay $0x3  }
0x34: {  	[smem:$0x3FB2] =	sst s10  }
0x35: {  	s10 =	sld [smem:$0x3FB1];
	_ =	sdelay $0x3  }
0x36: {  	p1 =	seq.s32 s10, $0x1;
	s10 =	sld [smem:$0x3FB2];
	_ =	sdelay $0x3  }
0x37: {  	[smem:$0x3FB2] =	sst s10  }
0x38: {  	s10 =	sld [smem:$0x3FB3]  }
0x39: {  	_ = 	snop;
	(pc) =	sbr.ind lr, $3  }
0x3a: {  	_ = 	snop  }
0x3b: {  	_ = 	snop  }
0x3c: {  	p2 =	seq.s32 s10, $0x1;
	s10 =	sld [smem:$0x3FB2]  }
0x3d: {  	_ =	shalt  }
0x3e: {  	_ =	shalt  }
0x3f: {  	_ =	shalt  }
0x40: {  	_ =	shalt  }
0x41: {  	_ =	shalt  }
0x42: {  	_ =	shalt  }
0x43: {  	_ =	shalt  }
0x44: {  	_ =	shalt  }
0x45: {  	_ =	shalt  }
0x46: {  	_ =	shalt  }
0x47: {  	_ =	shalt  }
0x48: {  	_ =	shalt  }
0x49: {  	_ =	shalt  }
0x4a: {  	_ =	shalt  }
0x4b: {  	_ =	shalt  }
0x4c: {  	_ =	shalt  }
0x4d: {  	_ =	shalt  }
0x4e: {  	_ =	shalt  }
0x4f: {  	_ =	shalt  }
0x50: {  	_ =	shalt  }
0x51: {  	_ =	shalt  }
0x52: {  	_ =	shalt  }
0x53: {  	_ =	shalt  }
0x54: {  	_ =	shalt  }
0x55: {  	_ =	shalt  }
0x56: {  	_ =	shalt  }
0x57: {  	_ =	shalt  }
0x58: {  	_ =	shalt  }
0x59: {  	_ =	shalt  }
0x5a: {  	_ =	shalt  }
0x5b: {  	_ =	shalt  }
0x5c: {  	_ =	shalt  }
0x5d: {  	_ =	shalt  }
0x5e: {  	_ =	shalt  }
0x5f: {  	_ =	shalt  }
0x60: {  	_ =	shalt  }
0x61: {  	_ =	shalt  }
0x62: {  	_ =	shalt  }
0x63: {  	_ =	shalt  }
0x64: {  	_ =	shalt  }
0x65: {  	_ =	shalt  }
0x66: {  	_ =	shalt  }
0x67: {  	_ =	shalt  }
0x68: {  	_ =	shalt  }
0x69: {  	_ =	shalt  }
0x6a: {  	_ =	shalt  }
0x6b: {  	_ =	shalt  }
0x6c: {  	_ =	shalt  }
0x6d: {  	_ =	shalt  }
0x6e: {  	_ =	shalt  }
0x6f: {  	_ =	shalt  }
0x70: {  	_ =	shalt  }
0x71: {  	_ =	shalt  }
0x72: {  	_ =	shalt  }
0x73: {  	_ =	shalt  }
0x74: {  	_ =	shalt  }
0x75: {  	_ =	shalt  }
0x76: {  	_ =	shalt  }
0x77: {  	_ =	shalt  }
0x78: {  	_ =	shalt  }
0x79: {  	_ =	shalt  }
0x7a: {  	_ =	shalt  }
0x7b: {  	_ =	shalt  }
0x7c: {  	_ =	shalt  }
0x7d: {  	_ =	shalt  }
0x7e: {  	_ =	shalt  }
0x7f: {  	_ =	shalt  }
0x80: {  	_ =	shalt  }
0x81: {  	_ =	shalt  }
0x82: {  	_ =	shalt  }
0x83: {  	_ =	shalt  }
0x84: {  	_ =	shalt  }
0x85: {  	_ =	shalt  }
0x86: {  	_ =	shalt  }
0x87: {  	_ =	shalt  }
.Lfunc_end0:
.L_simem_size_0:
called_computation_lowered:
.L_overlay_start_0:
0x88: {  	s2 =	sld [smem:$0x3FD9]  }
0x89: {  	s3 =	sld [smem:$0x3FFE];
	_ =	sdelay $0x1  }
0x8a: {  	s1 =	srdreg.scid  }
0x8b: {  	s0 =	sand.u32 $0x1, s1  }
0x8c: {  	s17 =	sshll.u32 s0, $0xA;
	s2 =	sadd.s32 s3, s2  }
0x8d: {  	s2 =	sadd.s32 s2, s17  }
0x8e: {  	[smem:$0x3FBE] =	sst s2  }
0x8f: {  	_ = 	snop  }
0x90: {  	s2 =	sld [smem:$0x3FC9]  }
0x91: {  	s18 =	sld [smem:$0x3FD0];
	(tm) =	ssettm $0x1  }
0x92: {  	s4 =	sld [smem:$0x3FFB];
	_ =	sdelay $0x3  }
0x93: {  	_ =	strace s4  }
0x94: {  	s4 =	sld [smem:$0x3FFC];
	_ =	sdelay $0x3  }
0x95: {  	_ =	strace s4  }
0x96: {  	s4 =	sld [smem:$0x3FFD];
	_ =	sdelay $0x3  }
0x97: {  	_ =	strace s4  }
0x98: {  	_ =	strace $0x8FFFFFFF  }
0x99: {  	s19 =	sld [smem:$0x3FDB];
	_ =	sdelay $0x1  }
0x9a: {  	s5 =	simm.s32 $_scs_section_size  }
0x9b: {  	s6 =	simm.s32 $_size__tile_overlayer_lowered;
	s7 =	simm.s32 $_tile_overlayer_lowered  }
0x9c: {  	s22 =	simm.s32 $0x1BFF;
	s21 =	sshll.u32 s7, $0x1;
	s4 =	sadd.s32 s5, s19  }
0x9d: {  	s8 =	simm.s32 $0x0;
	s20 =	sshll.u32 s6, $0x1;
	s6 =	sadd.s32 s21, s4  }
0x9e: {  	[timem:s8], [sflag:s22] =	dma.local [hbm:s6], s20  }
0x9f: {  	_ =	swait.ge [sflag:s22], s20  }
0xa0: {  	s5 =	ssub.s32 $0x0, s20;
	[sflag:s22] =	ssyncset.done $0x0  }
0xa1: {  	[sflag:s22] =	ssyncadd.s32 s5;
	_ =	sdelay $0x1  }
0xa2: {  	s23 =	simm.s32 $0x1B8B  }
0xa3: {  	_ =	swait.ge [sflag:s23], $0x1  }
0xa4: {  	[sflag:s23] =	ssyncset.done $0x0  }
0xa5: {  	s25 =	simm.s32 $0x1B8E;
	s24 =	sld [smem:$0x3FFE];
	[sflag:s23] =	ssyncadd.s32 $0xFFFFFFFF  }
0xa6: {  	s26 =	simm.s32 $execute0_lowered;
	[smem:$0x3FD2] =	sst s25  }
0xa7: {  	s6 =	sshll.u32 s26, $0x1;
	_ =	strace $0x80000046;
	[dreg:$0x1] =	wrdreg $0xFFFFFFFF  }
0xa8: {  	s28 =	simm.s32 $_size_execute0_lowered;
	s4 =	sadd.s32 s4, s6;
	[dreg:$0x0] =	wrdreg $0x0  }
0xa9: {  	s6 =	sshll.u32 s28, $0x1;
	[dreg:$0x2] =	wrdreg s4  }
0xaa: {  	[dreg:$0x3] =	wrdreg s6  }
0xab: {  	[dreg:$0x4] =	wrdreg $0xC0  }
0xac: {  	_ =	task [dreg:s8], $0x5FFFF  }
0xad: {  	[dreg:$0x1] =	wrdreg $0xFFFFFFFF  }
0xae: {  	[dreg:$0x0] =	wrdreg $0x60  }
0xaf: {  	[dreg:$0x2] =	wrdreg s2  }
0xb0: {  	[dreg:$0x3] =	wrdreg s24  }
0xb1: {  	[dreg:$0x4] =	wrdreg s18  }
0xb2: {  	[dreg:$0x5] =	wrdreg $0x34000  }
0xb3: {  	[dreg:$0x6] =	wrdreg $0x9  }
0xb4: {  	_ =	task.clear_ibuf [dreg:s8], $0x7FFFF;
	_ =	strace $0x90000046  }
0xb5: {  	s29 =	simm.s32 $0x9;
	_ =	strace $0x80000048  }
0xb6: {  	_ =	swait.ge [sflag:s29], $0x1  }
0xb7: {  	[sflag:s29] =	ssyncadd.s32 $0xFFFFFFFF  }
0xb8: {  	_ =	strace $0x90000048  }
0xb9: {  	_ =	sfence  }
0xba: {  	s30 =	sld [smem:$0x0];
	_ =	sdelay $0x2  }
0xbb: {  	s31 =	sshll.u32 s1, $0xD;
	s1 =	sshrl.u32 s1, $0x2  }
0xbc: {  	s3 =	sand.u32 $0x4000, s31;
	s1 =	sadd.s32 s1, s30  }
0xbd: {  	s0 =	sor.u32 s3, s0;
	s1 =	sshll.u32 s1, $0x11  }
0xbe: {  	s0 =	sor.u32 s1, s0  }
0xbf: {  	s0 =	sadd.s32 $0x8F2B, s0  }
0xc0: {  	[sflag:s0] =	ssyncadd.remote.s32 $0x1  }
0xc1: {  	_ =	sfence.sel $0xFFFF  }
0xc2: {  	[dreg:$0x0] =	wrdreg $0xFFFFFFFF;
	(pc) =	sbr.abs _section_cstart, $3  }
0xc3: {  	[dreg:$0x1] =	wrdreg $0xFFFFFFFF  }
0xc4: {  	_ =	task.clear_ibuf [dreg:s8], $0x2FFFF;
	_ =	strace $0x9FFFFFFF  }
0xc5: {  	(tm) =	ssettm $0x7FFFFFFF  }
tec
execute0_lowered:
.L_overlay_start_1:
0x0: {  	(tag) =	ssettag $0x1  }
0x1: {  	s1 =	rddreg [dreg:$0x0]  }
0x2: {  	s0 =	srdreg.scid;
	s2 =	rddreg [dreg:$0x1]  }
0x3: {  	s14 =	stileid.u32;
	s9 =	rddreg [dreg:$0x2]  }
0x4: {  	s3 =	rddreg [dreg:$0x3];
	s20 =	simm.s32 $0x400;
	s28 =	simm.s32 $0x1400  }
0x5: {  	s29 =	simm.s32 $0x100;
	s30 =	simm.s32 $0x300;
	s31 =	simm.s32 $0x6  }
0x6: {  	s0 =	sand.u32 $0x1, s0;
	s4 =	sshrl.u32 s14, $0x3;
	s8 =	smul.u32 $0x7D000, s14  }
0x7: {  	s7 =	sshll.u32 s14, $0x7;
	s22 =	sadd.s32 $0x9C400, s3;
	s12 =	smul.u32 $0x3E8, s14  }
0x8: {  	p0 =	sgt.u32 s14, $0x4;
	p1 =	sne.s32 s14, $0x5;
	s5 =	smul.u32 $0x14000, s0  }
0x9: {  	s6 =	smul.u32 $0xA000, s4;
	s4 =	simm.s32 $0x0;
	s13 =	sand.u32 $0x380, s7  }
0xa: {  	s10 =	ssub.s32 $0x2, s0;
	s16 =	smul.u32 $0x1388, s0;
	[smem:$0x7FF] =	sst s4  }
0xb: {  	s15 =	sshrl.u32 s8, $0x2;
	s11 =	sshrl.u32 s10, $0x1;
	s8 =	smul.u32 $0x13C00, s14  }
0xc: {  	s5 =	sadd.s32 s5, s6;
	_ =	strace $0x80000047;
	s6 =	sadd.s32 $0x29E00, s2  }
0xd: {  	s10 =	ssub.s32 s10, s11;
	[dreg:$0x6] =	wrdreg s22;
	s12 =	sadd.s32 s12, s16  }
0xe: {  	s22 =	simm.s32 $0x200;
	s11 =	simm.s32 $0x280;
	s7 =	sor.u32 s13, s5  }
0xf: {  	s5 =	sadd.s32 $0x2600, s2;
	s23 =	sshrl.u32 s8, $0x3;
	s12 =	sshll.u32 s12, $0x4  }
0x10: {  	s19 =	smax.u32 s10, $0x1;
	s10 =	simm.s32 $0x1;
	s7 =	sshrl.u32 s7, $0x3  }
0x11: {  	s13 =	sadd.s32 s5, s23;
	s24 =	sadd.s32 s6, s23;
	s25 =	sor.u32 $0x10, s23  }
0x12: {  	s0 =	sor.u32 $0x20, s23;
	s17 =	sadd.s32 s9, s12;
	s23 =	simm.s32 $0x4  }
0x13: {  	s9 =	simm.s32 $0xD080;
	s2 =	sadd.s32 s7, s2;
	[dreg:$0x7] =	wrdreg s13  }
0x14: {  	s7 =	sadd.s32 s15, s3;
	[dreg:$0x8] =	wrdreg s24;
	s15 =	sadd.s32 s5, s25  }
0x15: {  	s12 =	simm.s32 $0x3;
	s13 =	sadd.s32 s6, s25;
	[dreg:$0x9] =	wrdreg s15  }
0x16: {  	s26 =	sadd.s32 s5, s0;
	s0 =	sadd.s32 s6, s0;
	[dreg:$0xa] =	wrdreg s13  }
0x17: {  	s24 =	simm.s32 $0x20;
	s25 =	simm.s32 $0x80;
	[dreg:$0xb] =	wrdreg s26  }
0x18: {  	s21 =	sadd.s32 $0x1F000, s7;
	[dreg:$0xc] =	wrdreg s0;
	s18 =	sadd.s32 $0x51600, s2  }
0x19: {  	s26 =	simm.s32 $0x5;
	s2 =	simm.s32 $0x2400;
	s0 =	simm.s32 $0x2  }
0x1a: {  	v1 =	vimm.f32 $0.0e+00;
	v2 =	vimm.f32 $1.000000000e+00;
	v0 =	vmov s16;
	s13 =	simm.s32 $0x0;
	[dreg:$0x5] =	wrdreg s21;
	s21 =	simm.s32 $0x7  }
.LBB2_1:
0x1b: {  	s14 =	simm.s32 $0x0;
	s15 =	simm.s32 $0x200  }
.LBB2_2:
0x1c: {  	p2 =	sne.s32 s15, $0x3E00;
	[tilespmem:s14+$0x470] =	vst v1  }
0x1d: {  	[tilespmem:s14+$0x400] =	vst v1  }
0x1e: {  	[tilespmem:s14+$0x410] =	vst v1  }
.Ltmp0:
0x1f: {  	[tilespmem:s14+$0x420] =	vst v1;
	(pc) =	sbr.rel @p2 .LBB2_2-.Ltmp0, $4  }
0x20: {  	[tilespmem:s14+$0x430] =	vst v1  }
0x21: {  	[tilespmem:s14+$0x440] =	vst v1  }
0x22: {  	[tilespmem:s14+$0x450] =	vst v1  }
0x23: {  	[tilespmem:s14+$0x460] =	vst v1;
	s14 =	sshra.s32 s15, $0x2;
	s15 =	sadd.s32 $0x200, s15  }
0x24: {  	[tilespmem:s14+$0x470] =	vst v1  }
0x25: {  	[tilespmem:s14+$0x400] =	vst v1  }
0x26: {  	[tilespmem:s14+$0x410] =	vst v1  }
0x27: {  	[tilespmem:s14+$0x420] =	vst v1  }
0x28: {  	[tilespmem:s14+$0x430] =	vst v1  }
0x29: {  	[tilespmem:s14+$0x440] =	vst v1  }
0x2a: {  	[tilespmem:s14+$0x450] =	vst v1  }
0x2b: {  	[tilespmem:s14+$0x460] =	vst v1;
	s14 =	simm.s32 $0x40;
	s15 =	simm.s32 $0x0  }
.LBB2_4:
0x2c: {  	p2 =	sne.s32 s14, $0x4E00;
	[tilespmem:s15+$0xD080] =	vst v1;
	s15 =	smov.u32 s14;
	s14 =	sadd.s32 $0x40, s14  }
.Ltmp1:
0x2d: {  	(pc) =	sbr.rel @p2 .LBB2_4-.Ltmp1, $2  }
0x2e: {  	_ =	sdelay $0x2  }
0x2f: {  	s15 =	sshra.s32 s15, $0x2  }
.Ltmp2:
0x30: {  	(pc) =	sbr.rel @p0 .LBB2_9-.Ltmp2, $2  }
0x31: {  	_ =	sdelay $0x2  }
0x32: {  	[tilespmem:s15+$0xD080] =	vst v1  }
0x33: {  	s14 =	sadd.s32 $0x0, s7  }
0x34: {  	[spmem:s14] =	stream.linear.scatter [tilespmem:s20], [sflag:$0x7], $0x1000, $0x38;
	[tilespmem:$0xE480] =	vst v63  }
0x35: {  	s14 =	simm.s32 $0x4000;
	_ =	swait.ge [sflag:s21], $0x1000  }
.LBB2_7:
0x36: {  	s15 =	sshra.s32 s14, $0x2;
	[sflag:s21] =	ssyncset.done $0x0;
	p2 =	sne.s32 s14, $0x78000  }
.Ltmp3:
0x37: {  	s15 =	sadd.s32 s15, s7;
	[sflag:s21] =	ssyncadd.s32 $0xFFFFF000;
	(pc) =	sbr.rel @p2 .LBB2_7-.Ltmp3, $3  }
0x38: {  	[spmem:s15] =	stream.linear.scatter [tilespmem:s20], [sflag:$0x7], $0x1000, $0x38;
	[tilespmem:$0xE480] =	vst v63  }
0x39: {  	s14 =	sadd.s32 $0x4000, s14;
	_ =	sdelay $0x1  }
0x3a: {  	_ =	swait.ge [sflag:s21], $0x1000  }
.Ltmp4:
0x3b: {  	(pc) =	sbr.rel .LBB2_11-.Ltmp4, $4  }
0x3c: {  	_ = 	snop  }
0x3d: {  	[sflag:s21] =	ssyncset.done $0x0  }
0x3e: {  	s14 =	rddreg [dreg:$0x5];
	[sflag:s21] =	ssyncadd.s32 $0xFFFFF000  }
0x3f: {  	[spmem:s14] =	stream.linear.scatter [tilespmem:s20], [sflag:$0x7], $0x400, $0x38;
	[tilespmem:$0xE480] =	vst v63  }
.LBB2_9:
.Ltmp5:
0x40: {  	(pc) =	sbr.rel @p1 .LBB2_12-.Ltmp5, $1  }
0x41: {  	_ =	sdelay $0x3  }
0x42: {  	s14 =	rddreg [dreg:$0x6]  }
0x43: {  	[spmem:s14] =	stream.linear.scatter [tilespmem:s20], [sflag:$0x7], $0x400, $0x38;
	[tilespmem:$0xE480] =	vst v63  }
.LBB2_11:
0x44: {  	_ =	swait.ge [sflag:s21], $0x400  }
0x45: {  	[sflag:s21] =	ssyncset.done $0x0  }
0x46: {  	[sflag:s21] =	ssyncadd.s32 $0xFFFFFC00  }
.LBB2_12:
0x47: {  	[bflag:$0x0] =	sbarrier.arrive $0xFFFF  }
0x48: {  	s14 =	rddreg [dreg:$0x7]  }
0x49: {  	[tilespmem:s4], [sflag:$0x4] =	stream.linear.gather [hbm4b:s14+s4], $0x80, $0x38;
	[tilespmem:$0xE480] =	vst v63  }
0x4a: {  	s16 =	rddreg [dreg:$0x8]  }
0x4b: {  	[tilespmem:s22], [sflag:$0x4] =	stream.linear.gather [hbm4b:s16+s4], $0x80, $0x38;
	[tilespmem:$0xE480] =	vst v63  }
0x4c: {  	_ =	swait.ge [sflag:s23], $0x80  }
0x4d: {  	[sflag:s23] =	ssyncset.done $0x0  }
0x4e: {  	[sflag:s23] =	ssyncadd.s32 $0xFFFFFF80  }
0x4f: {  	_ =	swait.ge [sflag:s23], $0x80  }
0x50: {  	[sflag:s23] =	ssyncset.done $0x0  }
0x51: {  	[sflag:s23] =	ssyncadd.s32 $0xFFFFFF80  }
0x52: {  	v3 =	vld [tilespmem:$0x200]  }
0x53: {  	v4 =	vld [tilespmem:$0x210];
	_ =	sdelay $0x3  }
0x54: {  	v3 =	vsub.s32 v3, v0  }
0x55: {  	v4 =	vsub.s32 v4, v0;
	v3 =	vmin.u32 v3, $0x1388  }
0x56: {  	[tilespmem:$0x200] =	vst v3;
	v3 =	vmin.u32 v4, $0x1388  }
0x57: {  	[tilespmem:$0x210] =	vst v3  }
0x58: {  	[tilespmem:s20], [sflag:$0x1] =	stream.indirect.gather [hbm4b:s1+s24], $0x80, s4, s24, $0xb8;
	[tilespmem:$0xE480] =	vst v63  }
0x59: {  	s15 =	rddreg [dreg:$0x9]  }
0x5a: {  	[tilespmem:s25], [sflag:$0x5] =	stream.linear.gather [hbm4b:s15+s4], $0x80, $0x38;
	[tilespmem:$0xE480] =	vst v63  }
0x5b: {  	s14 =	simm.s32 $0x280;
	s15 =	rddreg [dreg:$0xa]  }
0x5c: {  	[tilespmem:s14], [sflag:$0x5] =	stream.linear.gather [hbm4b:s15+s4], $0x80, $0x38;
	[tilespmem:$0xE480] =	vst v63  }
0x5d: {  	_ =	swait.ge [sflag:s26], $0x80  }
0x5e: {  	[sflag:s26] =	ssyncset.done $0x0  }
0x5f: {  	[sflag:s26] =	ssyncadd.s32 $0xFFFFFF80  }
0x60: {  	_ =	swait.ge [sflag:s26], $0x80  }
0x61: {  	[sflag:s26] =	ssyncset.done $0x0  }
0x62: {  	[sflag:s26] =	ssyncadd.s32 $0xFFFFFF80  }
0x63: {  	v3 =	vld [tilespmem:$0x280]  }
0x64: {  	v62 =	vld [tilespmem:$0x290];
	_ =	sdelay $0x3  }
0x65: {  	v3 =	vsub.s32 v3, v0  }
0x66: {  	v4 =	vsub.s32 v62, v0;
	v3 =	vmin.u32 v3, $0x1388  }
0x67: {  	[tilespmem:$0x280] =	vst v3;
	v3 =	vmin.u32 v4, $0x1388  }
0x68: {  	[tilespmem:$0x290] =	vst v3  }
0x69: {  	[tilespmem:s28], [sflag:$0x2] =	stream.indirect.gather [hbm4b:s1+s24], $0x80, s25, s24, $0xb8;
	[tilespmem:$0xE480] =	vst v63  }
0x6a: {  	s16 =	rddreg [dreg:$0xb]  }
0x6b: {  	[tilespmem:s29], [sflag:$0x6] =	stream.linear.gather [hbm4b:s16+s4], $0x80, $0x38;
	[tilespmem:$0xE480] =	vst v63  }
0x6c: {  	s16 =	rddreg [dreg:$0xc]  }
0x6d: {  	[tilespmem:s30], [sflag:$0x6] =	stream.linear.gather [hbm4b:s16+s4], $0x80, $0x38;
	[tilespmem:$0xE480] =	vst v63  }
0x6e: {  	_ =	swait.ge [sflag:s31], $0x80  }
0x6f: {  	[sflag:s31] =	ssyncset.done $0x0  }
0x70: {  	[sflag:s31] =	ssyncadd.s32 $0xFFFFFF80  }
0x71: {  	_ =	swait.ge [sflag:s31], $0x80  }
0x72: {  	[sflag:s31] =	ssyncset.done $0x0  }
0x73: {  	[sflag:s31] =	ssyncadd.s32 $0xFFFFFF80  }
0x74: {  	v3 =	vld [tilespmem:$0x300]  }
0x75: {  	v63 =	vld [tilespmem:$0x310];
	_ =	sdelay $0x3  }
0x76: {  	v3 =	vsub.s32 v3, v0  }
0x77: {  	v4 =	vsub.s32 v63, v0;
	v3 =	vmin.u32 v3, $0x1388  }
0x78: {  	[tilespmem:$0x300] =	vst v3;
	v3 =	vmin.u32 v4, $0x1388  }
0x79: {  	[tilespmem:$0x310] =	vst v3  }
0x7a: {  	[tilespmem:s2], [sflag:$0x3] =	stream.indirect.gather [hbm4b:s1+s24], $0x80, s29, s24, $0xb8;
	[tilespmem:$0xE480] =	vst v63  }
.LBB2_13:
0x7b: {  	_ =	swait.ge [sflag:s10], $0x1000  }
0x7c: {  	[sflag:s10] =	ssyncset.done $0x0  }
0x7d: {  	[sflag:s10] =	ssyncadd.s32 $0xFFFFF000  }
0x7e: {  	[spmem:s3] =	stream.indirect.scatter.add.f32 [tilespmem:s20], [sflag:$0x7], $0x80, s22, s24, $0xb8;
	[tilespmem:$0xE480] =	vst v63  }
0x7f: {  	_ =	swait.ge [sflag:s21], $0x1000  }
0x80: {  	[sflag:s21] =	ssyncset.done $0x0  }
0x81: {  	[sflag:s21] =	ssyncadd.s32 $0xFFFFF000  }
0x82: {  	v3 =	vld [tilespmem:$0x200];
	_ =	sdelay $0x7  }
0x83: {  	[tilespmem:v3+s9+$0x0] =	vst.idx.add.f32.msk $0xffff, v2  }
0x84: {  	v3 =	vld [tilespmem:$0x210];
	_ =	sdelay $0x2  }
0x85: {  	s15 =	sadd.s32 $0xFFFFFF00, s14  }
0x86: {  	s16 =	sand.u32 $0x3FC00, s15  }
0x87: {  	s15 =	sand.u32 $0x380, s15;
	s16 =	sadd.s32 s8, s16  }
0x88: {  	s15 =	sor.u32 s15, s16  }
0x89: {  	s15 =	sshrl.u32 s15, $0x3  }
0x8a: {  	s16 =	sadd.s32 s5, s15;
	[tilespmem:v3+s9+$0x0] =	vst.idx.add.f32.msk $0xffff, v2  }
0x8b: {  	[tilespmem:s4], [sflag:$0x4] =	stream.linear.gather [hbm4b:s16+s4], $0x80, $0x38;
	[tilespmem:$0xE480] =	vst v63  }
0x8c: {  	s15 =	sadd.s32 s6, s15  }
0x8d: {  	[tilespmem:s22], [sflag:$0x4] =	stream.linear.gather [hbm4b:s15+s4], $0x80, $0x38;
	[tilespmem:$0xE480] =	vst v63  }
0x8e: {  	_ =	swait.ge [sflag:s23], $0x80  }
0x8f: {  	[sflag:s23] =	ssyncset.done $0x0  }
0x90: {  	[sflag:s23] =	ssyncadd.s32 $0xFFFFFF80  }
0x91: {  	_ =	swait.ge [sflag:s23], $0x80  }
0x92: {  	[sflag:s23] =	ssyncset.done $0x0  }
0x93: {  	[sflag:s23] =	ssyncadd.s32 $0xFFFFFF80  }
0x94: {  	v3 =	vld [tilespmem:$0x200]  }
0x95: {  	v4 =	vld [tilespmem:$0x210];
	_ =	sdelay $0x3  }
0x96: {  	v3 =	vsub.s32 v3, v0  }
0x97: {  	v4 =	vsub.s32 v4, v0;
	v3 =	vmin.u32 v3, $0x1388  }
0x98: {  	[tilespmem:$0x200] =	vst v3;
	v3 =	vmin.u32 v4, $0x1388  }
0x99: {  	[tilespmem:$0x210] =	vst v3  }
0x9a: {  	[tilespmem:s20], [sflag:$0x1] =	stream.indirect.gather [hbm4b:s1+s24], $0x80, s4, s24, $0xb8;
	[tilespmem:$0xE480] =	vst v63  }
0x9b: {  	_ =	swait.ge [sflag:s0], $0x1000  }
0x9c: {  	[sflag:s0] =	ssyncset.done $0x0  }
0x9d: {  	[sflag:s0] =	ssyncadd.s32 $0xFFFFF000  }
0x9e: {  	[spmem:s3] =	stream.indirect.scatter.add.f32 [tilespmem:s28], [sflag:$0x7], $0x80, s11, s24, $0xb8;
	[tilespmem:$0xE480] =	vst v63  }
0x9f: {  	_ =	swait.ge [sflag:s21], $0x1000  }
0xa0: {  	[sflag:s21] =	ssyncset.done $0x0  }
0xa1: {  	[sflag:s21] =	ssyncadd.s32 $0xFFFFF000  }
0xa2: {  	v3 =	vld [tilespmem:$0x280];
	_ =	sdelay $0x7  }
0xa3: {  	[tilespmem:v3+s9+$0x0] =	vst.idx.add.f32.msk $0xffff, v2  }
0xa4: {  	v3 =	vld [tilespmem:$0x290];
	_ =	sdelay $0x2  }
0xa5: {  	s15 =	sadd.s32 $0xFFFFFF80, s14  }
0xa6: {  	s16 =	sand.u32 $0x3FC00, s15  }
0xa7: {  	s15 =	sand.u32 $0x380, s15;
	s16 =	sadd.s32 s8, s16  }
0xa8: {  	s15 =	sor.u32 s15, s16  }
0xa9: {  	s15 =	sshrl.u32 s15, $0x3  }
0xaa: {  	s16 =	sadd.s32 s5, s15;
	[tilespmem:v3+s9+$0x0] =	vst.idx.add.f32.msk $0xffff, v2  }
0xab: {  	[tilespmem:s25], [sflag:$0x5] =	stream.linear.gather [hbm4b:s16+s4], $0x80, $0x38;
	[tilespmem:$0xE480] =	vst v63  }
0xac: {  	s15 =	sadd.s32 s6, s15  }
0xad: {  	[tilespmem:s11], [sflag:$0x5] =	stream.linear.gather [hbm4b:s15+s4], $0x80, $0x38;
	[tilespmem:$0xE480] =	vst v63  }
0xae: {  	_ =	swait.ge [sflag:s26], $0x80  }
0xaf: {  	[sflag:s26] =	ssyncset.done $0x0  }
0xb0: {  	[sflag:s26] =	ssyncadd.s32 $0xFFFFFF80  }
0xb1: {  	_ =	swait.ge [sflag:s26], $0x80  }
0xb2: {  	[sflag:s26] =	ssyncset.done $0x0  }
0xb3: {  	[sflag:s26] =	ssyncadd.s32 $0xFFFFFF80  }
0xb4: {  	v3 =	vld [tilespmem:$0x280]  }
0xb5: {  	v62 =	vld [tilespmem:$0x290];
	_ =	sdelay $0x3  }
0xb6: {  	v3 =	vsub.s32 v3, v0  }
0xb7: {  	v4 =	vsub.s32 v62, v0;
	v3 =	vmin.u32 v3, $0x1388  }
0xb8: {  	[tilespmem:$0x280] =	vst v3;
	v3 =	vmin.u32 v4, $0x1388  }
0xb9: {  	[tilespmem:$0x290] =	vst v3  }
0xba: {  	[tilespmem:s28], [sflag:$0x2] =	stream.indirect.gather [hbm4b:s1+s24], $0x80, s25, s24, $0xb8;
	[tilespmem:$0xE480] =	vst v63  }
0xbb: {  	_ =	swait.ge [sflag:s12], $0x1000  }
0xbc: {  	[sflag:s12] =	ssyncset.done $0x0  }
0xbd: {  	[sflag:s12] =	ssyncadd.s32 $0xFFFFF000  }
0xbe: {  	[spmem:s3] =	stream.indirect.scatter.add.f32 [tilespmem:s2], [sflag:$0x7], $0x80, s30, s24, $0xb8;
	[tilespmem:$0xE480] =	vst v63  }
0xbf: {  	_ =	swait.ge [sflag:s21], $0x1000  }
0xc0: {  	[sflag:s21] =	ssyncset.done $0x0  }
0xc1: {  	[sflag:s21] =	ssyncadd.s32 $0xFFFFF000  }
0xc2: {  	v3 =	vld [tilespmem:$0x300];
	_ =	sdelay $0x7  }
0xc3: {  	[tilespmem:v3+s9+$0x0] =	vst.idx.add.f32.msk $0xffff, v2  }
0xc4: {  	v3 =	vld [tilespmem:$0x310];
	_ =	sdelay $0x3  }
0xc5: {  	s16 =	sand.u32 $0x3FC00, s14  }
0xc6: {  	s15 =	sadd.s32 s8, s16;
	s16 =	sand.u32 $0x380, s14  }
0xc7: {  	s15 =	sor.u32 s16, s15  }
0xc8: {  	s15 =	sshrl.u32 s15, $0x3  }
0xc9: {  	s16 =	sadd.s32 s5, s15;
	[tilespmem:v3+s9+$0x0] =	vst.idx.add.f32.msk $0xffff, v2  }
0xca: {  	[tilespmem:s29], [sflag:$0x6] =	stream.linear.gather [hbm4b:s16+s4], $0x80, $0x38;
	[tilespmem:$0xE480] =	vst v63  }
0xcb: {  	s15 =	sadd.s32 s6, s15  }
0xcc: {  	[tilespmem:s30], [sflag:$0x6] =	stream.linear.gather [hbm4b:s15+s4], $0x80, $0x38;
	[tilespmem:$0xE480] =	vst v63  }
0xcd: {  	_ =	swait.ge [sflag:s31], $0x80  }
0xce: {  	[sflag:s31] =	ssyncset.done $0x0  }
0xcf: {  	[sflag:s31] =	ssyncadd.s32 $0xFFFFFF80  }
0xd0: {  	_ =	swait.ge [sflag:s31], $0x80  }
0xd1: {  	[sflag:s31] =	ssyncset.done $0x0  }
0xd2: {  	[sflag:s31] =	ssyncadd.s32 $0xFFFFFF80  }
0xd3: {  	v3 =	vld [tilespmem:$0x300]  }
0xd4: {  	v63 =	vld [tilespmem:$0x310];
	_ =	sdelay $0x2  }
0xd5: {  	p2 =	sne.s32 s14, $0x13900  }
.Ltmp6:
0xd6: {  	v3 =	vsub.s32 v3, v0;
	(pc) =	sbr.rel @p2 .LBB2_13-.Ltmp6, $4  }
0xd7: {  	v4 =	vsub.s32 v63, v0;
	v3 =	vmin.u32 v3, $0x1388  }
0xd8: {  	[tilespmem:$0x300] =	vst v3;
	v3 =	vmin.u32 v4, $0x1388  }
0xd9: {  	s14 =	sadd.s32 $0x180, s14;
	[tilespmem:$0x310] =	vst v3  }
0xda: {  	[tilespmem:s2], [sflag:$0x3] =	stream.indirect.gather [hbm4b:s1+s24], $0x80, s29, s24, $0xb8;
	[tilespmem:$0xE480] =	vst v63  }
0xdb: {  	_ =	swait.ge [sflag:s10], $0x1000  }
0xdc: {  	[sflag:s10] =	ssyncset.done $0x0  }
0xdd: {  	[sflag:s10] =	ssyncadd.s32 $0xFFFFF000  }
0xde: {  	[spmem:s3] =	stream.indirect.scatter.add.f32 [tilespmem:s20], [sflag:$0x7], $0x80, s22, s24, $0xb8;
	[tilespmem:$0xE480] =	vst v63  }
0xdf: {  	_ =	swait.ge [sflag:s21], $0x1000  }
0xe0: {  	[sflag:s21] =	ssyncset.done $0x0  }
0xe1: {  	[sflag:s21] =	ssyncadd.s32 $0xFFFFF000  }
0xe2: {  	v3 =	vld [tilespmem:$0x200];
	_ =	sdelay $0x7  }
0xe3: {  	[tilespmem:v3+s9+$0x0] =	vst.idx.add.f32.msk $0xffff, v2  }
0xe4: {  	v3 =	vld [tilespmem:$0x210];
	_ =	sdelay $0x7  }
0xe5: {  	[tilespmem:v3+s9+$0x0] =	vst.idx.add.f32.msk $0xffff, v2  }
0xe6: {  	_ =	swait.ge [sflag:s0], $0x1000  }
0xe7: {  	[sflag:s0] =	ssyncset.done $0x0  }
0xe8: {  	[sflag:s0] =	ssyncadd.s32 $0xFFFFF000  }
0xe9: {  	[spmem:s3] =	stream.indirect.scatter.add.f32 [tilespmem:s28], [sflag:$0x7], $0x80, s11, s24, $0xb8;
	[tilespmem:$0xE480] =	vst v63  }
0xea: {  	_ =	swait.ge [sflag:s21], $0x1000  }
0xeb: {  	[sflag:s21] =	ssyncset.done $0x0  }
0xec: {  	[sflag:s21] =	ssyncadd.s32 $0xFFFFF000  }
0xed: {  	v3 =	vld [tilespmem:$0x280];
	_ =	sdelay $0x7  }
0xee: {  	[tilespmem:v3+s9+$0x0] =	vst.idx.add.f32.msk $0xffff, v2  }
0xef: {  	v3 =	vld [tilespmem:$0x290];
	_ =	sdelay $0x7  }
0xf0: {  	[tilespmem:v3+s9+$0x0] =	vst.idx.add.f32.msk $0xffff, v2  }
0xf1: {  	_ =	swait.ge [sflag:s12], $0x1000  }
0xf2: {  	[sflag:s12] =	ssyncset.done $0x0  }
0xf3: {  	[sflag:s12] =	ssyncadd.s32 $0xFFFFF000  }
0xf4: {  	[spmem:s3] =	stream.indirect.scatter.add.f32 [tilespmem:s2], [sflag:$0x7], $0x80, s30, s24, $0xb8;
	[tilespmem:$0xE480] =	vst v63  }
0xf5: {  	_ =	swait.ge [sflag:s21], $0x1000  }
0xf6: {  	[sflag:s21] =	ssyncset.done $0x0  }
0xf7: {  	[sflag:s21] =	ssyncadd.s32 $0xFFFFF000  }
0xf8: {  	v3 =	vld [tilespmem:$0x300];
	_ =	sdelay $0x7  }
0xf9: {  	[tilespmem:v3+s9+$0x0] =	vst.idx.add.f32.msk $0xffff, v2  }
0xfa: {  	v3 =	vld [tilespmem:$0x310];
	_ =	sdelay $0x6  }
0xfb: {  	s14 =	stileid.u32  }
0xfc: {  	s14 =	sshll.u32 @!p0 s14, $0x6;
	[tilespmem:v3+s9+$0x0] =	vst.idx.add.f32.msk $0xffff, v2  }
0xfd: {  	s15 =	sshrl.u32 @!p0 s7, $0x3;
	s14 =	sor.u32 @!p0 $0x1C07, s14;
	[bflag:$0x0] =	sbarrier.arrive $0xFFFF  }
0xfe: {  	[hbm:s17], [sflag:s14] =	dma.local @!p0 [spmem:s15], $0x3E80  }
0xff: {  	s14 =	simm.s32 @!p0 $0x7  }
0x100: {  	s13 =	sadd.s32 $0x1, s13;
	_ =	swait.ge @!p0 [sflag:s14], $0x3E80  }
0x101: {  	p2 =	sne.s32 s13, s19;
	[sflag:s14] =	ssyncset.done @!p0 $0x0  }
.Ltmp7:
0x102: {  	[sflag:s14] =	ssyncadd.s32 @!p0 $0xFFFFC180;
	(pc) =	sbr.rel @p2 .LBB2_1-.Ltmp7, $4  }
0x103: {  	[hbm4b:s18+s25] =	stream.strided.scatter [tilespmem:s9], [sflag:$0x7], $0x1400, s20, s25, $0x38;
	[tilespmem:$0xE480] =	vst v63  }
0x104: {  	_ =	swait.ge [sflag:s21], $0x1400  }
0x105: {  	[sflag:s21] =	ssyncset.done $0x0  }
0x106: {  	[sflag:s21] =	ssyncadd.s32 $0xFFFFEC00  }
0x107: {  	_ =	sfence.sel $0x180000  }
0x108: {  	[bflag:$0x0] =	sbarrier.arrive $0xFFFF  }
0x109: {  	_ =	strace $0x90000047  }
0x10a: {  	s0 =	stileid.u32;
	[bflag:$0x2] =	sbarrier.arrive $0xFFFF  }
0x10b: {  	p0 =	sne.s32 s0, $0x0;
	s0 =	rddreg [dreg:$0x4]  }
0x10c: {  	s0 =	sadd.s32 @!p0 $0x100000, s0  }
0x10d: {  	[sflag:s0] =	ssyncadd.tile.s32 @!p0 $0x1;
	_ =	shalt  }
.Lfunc_end2:
_tile_overlayer_lowered:
.L_overlay_start_2:
0x10e: {  	(tag) =	ssettag $0x2  }
0x10f: {  	s0 =	rddreg [dreg:$0x0];
	s2 =	stileid.u32  }
0x110: {  	s1 =	rddreg [dreg:$0x1];
	p0 =	sne.s32 s2, $0x0  }
0x111: {  	s3 =	rddreg [dreg:$0x2];
	[bflag:$0x3] =	sbarrier.arrive $0xFFFF;
	s2 =	simm.s32 @!p0 $0x1C07  }
0x112: {  	[timem:s3], [sflag:s2] =	dma.local @!p0 [hbm:s0], s1  }
0x113: {  	s0 =	simm.s32 @!p0 $0x7  }
0x114: {  	_ =	swait.ge @!p0 [sflag:s0], s1  }
0x115: {  	s1 =	ssub.s32 @!p0 $0x0, s1;
	[sflag:s0] =	ssyncset.done @!p0 $0x0  }
0x116: {  	[sflag:s0] =	ssyncadd.s32 @!p0 s1  }
0x117: {  	[bflag:$0x3] =	sbarrier.arrive $0xFFFF  }
0x118: {  	_ =	shalt  }

</sc_bundles>
